<compile_context>
chip_gen: v7x
topology: tpu7x:2x2x1
jax: 0.10.2.dev20260603
libtpu: 0.0.44.dev20260713+nightly
codegen_flags: <defaults>
</compile_context>

<pallas_src>
import functools

import jax
import jax.numpy as jnp
from jax import lax
from jax.experimental import pallas as pl
from jax.experimental.pallas import tpu as pltpu
from jax.experimental.pallas import tpu_sc as plsc

N = 10000
E = 320000
D = 128
H = 128
H3 = 3 * H
OUT = 2
G = 64
STEPS = 3
EPS = 1e-5

BN = 512
N_PAD = 10240
NBLK = N_PAD // BN

NC = 2
NS = 16
NW = NC * NS
CHUNK = 128
NBUF = 2
CPW = 2 * NBUF * (-(-E // (NW * CHUNK * 2 * NBUF)))
HCPW = CPW // 2
E_PAD = NW * CPW * CHUNK
STRIPE = N_PAD // NS


def _dot(a, b):
    return jnp.dot(a, b, preferred_element_type=jnp.float32)


def _sc_edge_segsum(m_pad, src3, dst3, zeros_stripe):
    mesh = plsc.VectorSubcoreMesh(core_axis_name="c", subcore_axis_name="s")

    @functools.partial(
        pl.kernel,
        mesh=mesh,
        out_type=jax.ShapeDtypeStruct((NC, N_PAD, H), jnp.float32),
        scratch_types=[
            pltpu.VMEM((HCPW, CHUNK), jnp.int32),
            pltpu.VMEM((HCPW, CHUNK), jnp.int32),
            pltpu.VMEM((NBUF, CHUNK, H), jnp.float32),
            pltpu.VMEM_SHARED((N_PAD, H), jnp.float32),
            pltpu.SemaphoreType.DMA,
            pltpu.SemaphoreType.DMA,
        ],
    )
    def k(m_hbm, src_hbm, dst_hbm, z_hbm, out_hbm, src_v, dst_v, rows_v,
          acc, *sems):
        cid = lax.axis_index("c")
        sid = lax.axis_index("s")
        base_r = sid * STRIPE
        wid = sid * NC + cid
        pltpu.sync_copy(z_hbm, acc.at[pl.ds(base_r, STRIPE)])
        plsc.subcore_barrier()

        for half in range(2):
            pltpu.sync_copy(src_hbm.at[wid, pl.ds(half * HCPW, HCPW)],
                            src_v)
            pltpu.sync_copy(dst_hbm.at[wid, pl.ds(half * HCPW, HCPW)],
                            dst_v)
            for b in range(NBUF):
                pltpu.async_copy(m_hbm.at[src_v.at[b]], rows_v.at[b],
                                 sems[b])

            def outer(g, _):
                for b in range(NBUF):
                    c = g * NBUF + b
                    pltpu.make_async_copy(m_hbm.at[pl.ds(0, CHUNK)],
                                          rows_v.at[b], sems[b]).wait()
                    pltpu.sync_copy(rows_v.at[b], acc.at[dst_v.at[c]],
                                    add=True)

                    @pl.when(c + NBUF < HCPW)
                    def _():
                        pltpu.async_copy(m_hbm.at[src_v.at[c + NBUF]],
                                         rows_v.at[b], sems[b])
                return 0

            lax.fori_loop(0, HCPW // NBUF, outer, 0)
        plsc.subcore_barrier()
        pltpu.sync_copy(acc.at[pl.ds(base_r, STRIPE)],
                        out_hbm.at[cid, pl.ds(base_r, STRIPE)])

    return k(m_pad, src3, dst3, zeros_stripe)


def _tc_proj(x_p, W_proj, b_proj, s1g, s1b, ggc0, whhT, bhh):
    def body(x_ref, wp_ref, bp_ref, g_ref, b_ref, ggc_ref, whh_ref, bhh_ref,
             h_ref, m_ref, gh_ref):
        h = _dot(x_ref[...], wp_ref[...]) + bp_ref[...]
        h = jnp.maximum(h * g_ref[...] + b_ref[...], 0.0)
        h_ref[...] = h
        m_ref[...] = _dot(h, ggc_ref[...])
        gh_ref[...] = _dot(h, whh_ref[...]) + bhh_ref[...]

    full = lambda shape: pl.BlockSpec(shape, lambda i: (0, 0))
    return pl.pallas_call(
        body,
        grid=(NBLK,),
        in_specs=[
            pl.BlockSpec((BN, D), lambda i: (i, 0)),
            full((D, H)), full((1, H)), full((1, H)), full((1, H)),
            full((H, H)), full((H, H3)), full((1, H3)),
        ],
        out_specs=[
            pl.BlockSpec((BN, H), lambda i: (i, 0)),
            pl.BlockSpec((BN, H), lambda i: (i, 0)),
            pl.BlockSpec((BN, H3), lambda i: (i, 0)),
        ],
        out_shape=[
            jax.ShapeDtypeStruct((N_PAD, H), jnp.float32),
            jax.ShapeDtypeStruct((N_PAD, H), jnp.float32),
            jax.ShapeDtypeStruct((N_PAD, H3), jnp.float32),
        ],
    )(x_p, W_proj, b_proj, s1g, s1b, ggc0, whhT, bhh)


def _gru_math(parts, gh, h, wih, bih):
    agg = parts[0] + parts[1]
    gi = _dot(agg, wih) + bih
    r = jax.nn.sigmoid(gi[:, :H] + gh[:, :H])
    z = jax.nn.sigmoid(gi[:, H:2 * H] + gh[:, H:2 * H])
    n = jnp.tanh(gi[:, 2 * H:] + r * gh[:, 2 * H:])
    return (1.0 - z) * n + z * h


def _tc_gru_mid(parts, gh, h, wihT, bih, ggc_next, whhT, bhh):
    def body(p_ref, gh_ref, h_ref, wih_ref, bih_ref, ggc_ref, whh_ref,
             bhh_ref, h_out, m_out, gh_out):
        h_new = _gru_math(p_ref[...], gh_ref[...], h_ref[...], wih_ref[...],
                          bih_ref[...])
        h_out[...] = h_new
        m_out[...] = _dot(h_new, ggc_ref[...])
        gh_out[...] = _dot(h_new, whh_ref[...]) + bhh_ref[...]

    full = lambda shape: pl.BlockSpec(shape, lambda i: (0, 0))
    return pl.pallas_call(
        body,
        grid=(NBLK,),
        in_specs=[
            pl.BlockSpec((NC, BN, H), lambda i: (0, i, 0)),
            pl.BlockSpec((BN, H3), lambda i: (i, 0)),
            pl.BlockSpec((BN, H), lambda i: (i, 0)),
            full((H, H3)), full((1, H3)),
            full((H, H)), full((H, H3)), full((1, H3)),
        ],
        out_specs=[
            pl.BlockSpec((BN, H), lambda i: (i, 0)),
            pl.BlockSpec((BN, H), lambda i: (i, 0)),
            pl.BlockSpec((BN, H3), lambda i: (i, 0)),
        ],
        out_shape=[
            jax.ShapeDtypeStruct((N_PAD, H), jnp.float32),
            jax.ShapeDtypeStruct((N_PAD, H), jnp.float32),
            jax.ShapeDtypeStruct((N_PAD, H3), jnp.float32),
        ],
    )(parts, gh, h, wihT, bih, ggc_next, whhT, bhh)


def _tc_gru_last(parts, gh, h, wihT, bih, s2g, s2b, ind):
    def body(p_ref, gh_ref, h_ref, wih_ref, bih_ref, g_ref, b_ref, ind_ref,
             sums_out, cnt_out):
        h_new = _gru_math(p_ref[...], gh_ref[...], h_ref[...], wih_ref[...],
                          bih_ref[...])
        pfeat = jnp.maximum(h_new * g_ref[...] + b_ref[...], 0.0)
        I = ind_ref[...]

        @pl.when(pl.program_id(0) == 0)
        def _():
            sums_out[...] = jnp.zeros_like(sums_out)
            cnt_out[...] = jnp.zeros_like(cnt_out)

        sums_out[...] += _dot(I, pfeat)
        cnt_out[...] += jnp.broadcast_to(
            jnp.sum(I, axis=1, keepdims=True), (G, H))

    full = lambda shape: pl.BlockSpec(shape, lambda i: (0, 0))
    return pl.pallas_call(
        body,
        grid=(NBLK,),
        in_specs=[
            pl.BlockSpec((NC, BN, H), lambda i: (0, i, 0)),
            pl.BlockSpec((BN, H3), lambda i: (i, 0)),
            pl.BlockSpec((BN, H), lambda i: (i, 0)),
            full((H, H3)), full((1, H3)), full((1, H)), full((1, H)),
            pl.BlockSpec((G, BN), lambda i: (0, i)),
        ],
        out_specs=[
            pl.BlockSpec((G, H), lambda i: (0, 0)),
            pl.BlockSpec((G, H), lambda i: (0, 0)),
        ],
        out_shape=[
            jax.ShapeDtypeStruct((G, H), jnp.float32),
            jax.ShapeDtypeStruct((G, H), jnp.float32),
        ],
    )(parts, gh, h, wihT, bih, s2g, s2b, ind)


def _tc_head(sums, cnt, W1, b1, s3g, s3b, W2p, b2p, s4gp, s4bp, W3p, b3p):
    def body(s_ref, c_ref, w1_ref, b1_ref, g3_ref, b3_ref, w2_ref, b2_ref,
             g4_ref, b4_ref, w3_ref, bo_ref, out_ref):
        pooled = s_ref[...] * (1.0 / jnp.maximum(c_ref[...], 1.0))
        h1 = _dot(pooled, w1_ref[...]) + b1_ref[...]
        h1 = jnp.maximum(h1 * g3_ref[...] + b3_ref[...], 0.0)
        h2 = _dot(h1, w2_ref[...]) + b2_ref[...]
        h2 = jnp.maximum(h2 * g4_ref[...] + b4_ref[...], 0.0)
        out_ref[...] = _dot(h2, w3_ref[...]) + bo_ref[...]

    return pl.pallas_call(
        body,
        out_shape=jax.ShapeDtypeStruct((G, H), jnp.float32),
    )(sums, cnt, W1, b1, s3g, s3b, W2p, b2p, s4gp, s4bp, W3p, b3p)


def kernel(x, edge_index, batch, W_proj, b_proj, bn1_g, bn1_b, ggc_w,
           gru_w_ih, gru_w_hh, gru_b_ih, gru_b_hh, bn2_g, bn2_b, W1, b1,
           bn3_g, bn3_b, W2, b2, bn4_g, bn4_b, W3, b3):
    f32 = jnp.float32
    inv = 1.0 / jnp.sqrt(jnp.asarray(1.0 + EPS, f32))
    row = lambda v: v.reshape(1, -1).astype(f32)

    s1g, s1b = row(bn1_g * inv), row(bn1_b)
    s2g, s2b = row(bn2_g * inv), row(bn2_b)
    s3g, s3b = row(bn3_g * inv), row(bn3_b)

    wihT = gru_w_ih.T
    whhT = gru_w_hh.T
    bih, bhh = row(gru_b_ih), row(gru_b_hh)

    x_p = jnp.pad(x, ((0, N_PAD - N), (0, 0)))
    batch_p = jnp.concatenate(
        [batch, jnp.full((N_PAD - N,), G, jnp.int32)])
    ind = (jnp.arange(G, dtype=jnp.int32)[:, None]
           == batch_p[None, :]).astype(f32)

    src3 = jnp.concatenate(
        [edge_index[0], jnp.zeros((E_PAD - E,), jnp.int32)]).reshape(
            NW, CPW, CHUNK)
    dst3 = jnp.concatenate(
        [edge_index[1], jnp.full((E_PAD - E,), N, jnp.int32)]).reshape(
            NW, CPW, CHUNK)
    zeros_stripe = jnp.zeros((STRIPE, H), f32)

    W2p = jnp.pad(W2, ((0, 0), (0, H - H // 2)))
    b2p = jnp.pad(row(b2), ((0, 0), (0, H - H // 2)))
    s4gp = jnp.pad(row(bn4_g * inv), ((0, 0), (0, H - H // 2)))
    s4bp = jnp.pad(row(bn4_b), ((0, 0), (0, H - H // 2)))
    W3p = jnp.pad(W3, ((0, H - H // 2), (0, H - OUT)))
    b3p = jnp.pad(row(b3), ((0, 0), (0, H - OUT)))

    h, m, gh = _tc_proj(x_p, W_proj, row(b_proj), s1g, s1b, ggc_w[0],
                        whhT, bhh)
    for i in range(STEPS):
        parts = _sc_edge_segsum(m, src3, dst3, zeros_stripe)
        if i < STEPS - 1:
            h, m, gh = _tc_gru_mid(parts, gh, h, wihT, bih, ggc_w[i + 1],
                                   whhT, bhh)
        else:
            sums, cnt = _tc_gru_last(parts, gh, h, wihT, bih, s2g, s2b, ind)

    out = _tc_head(sums, cnt, W1, row(b1), s3g, s3b, W2p, b2p, s4gp, s4bp,
                   W3p, b3p)
    return out[:, :OUT]

# --- scband reference (transcript-rebuilt; emitter-appended) ---
"""Pipeline reference for scband-optimized-gnn-83021717832548 (READ-ONLY COPY).

The authoritative reference and input builder live on the scoring server;
editing this copy changes nothing except your own understanding.
"""

import jax, jax.numpy as jnp
import numpy as np

N = 10000
E = 320000
D = 128
H = 128
OUT = 2
G = 64
STEPS = 3
EPS = 1e-5

def setup_inputs(seed: int = 0) -> dict:
    key = jax.random.key(seed)
    ks = jax.random.split(key, 16)
    s = 1.0 / np.sqrt(H)
    inp = {}
    inp["x"] = jax.random.normal(ks[0], (N, D), dtype=jnp.float32)
    inp["edge_index"] = jax.random.randint(ks[1], (2, E), 0, N, dtype=jnp.int32)
    inp["batch"] = jnp.sort(jax.random.randint(ks[2], (N,), 0, G, dtype=jnp.int32))
    inp["W_proj"] = jax.random.uniform(ks[3], (D, H), jnp.float32, -s, s)
    inp["b_proj"] = jnp.zeros((H,), jnp.float32)
    inp["bn1_g"] = jnp.ones((H,), jnp.float32)
    inp["bn1_b"] = jnp.zeros((H,), jnp.float32)
    inp["ggc_w"] = jax.random.uniform(ks[4], (STEPS, H, H), jnp.float32, -s, s)
    inp["gru_w_ih"] = jax.random.uniform(ks[5], (3 * H, H), jnp.float32, -s, s)
    inp["gru_w_hh"] = jax.random.uniform(ks[6], (3 * H, H), jnp.float32, -s, s)
    inp["gru_b_ih"] = jax.random.uniform(ks[7], (3 * H,), jnp.float32, -s, s)
    inp["gru_b_hh"] = jax.random.uniform(ks[8], (3 * H,), jnp.float32, -s, s)
    inp["bn2_g"] = jnp.ones((H,), jnp.float32)
    inp["bn2_b"] = jnp.zeros((H,), jnp.float32)
    inp["W1"] = jax.random.uniform(ks[9], (H, H), jnp.float32, -s, s)
    inp["b1"] = jnp.zeros((H,), jnp.float32)
    inp["bn3_g"] = jnp.ones((H,), jnp.float32)
    inp["bn3_b"] = jnp.zeros((H,), jnp.float32)
    inp["W2"] = jax.random.uniform(ks[10], (H, H // 2), jnp.float32, -s, s)
    inp["b2"] = jnp.zeros((H // 2,), jnp.float32)
    inp["bn4_g"] = jnp.ones((H // 2,), jnp.float32)
    inp["bn4_b"] = jnp.zeros((H // 2,), jnp.float32)
    inp["W3"] = jax.random.uniform(ks[11], (H // 2, OUT), jnp.float32, -s, s)
    inp["b3"] = jnp.zeros((OUT,), jnp.float32)
    return inp

def _bn_eval(x, g, b):
    # eval-mode BatchNorm1d with running_mean=0, running_var=1
    return x / jnp.sqrt(1.0 + EPS) * g + b

def _gru_cell(m, h, w_ih, w_hh, b_ih, b_hh):
    gi = m @ w_ih.T + b_ih
    gh = h @ w_hh.T + b_hh
    i_r, i_z, i_n = jnp.split(gi, 3, axis=-1)
    h_r, h_z, h_n = jnp.split(gh, 3, axis=-1)
    r = jax.nn.sigmoid(i_r + h_r)
    z = jax.nn.sigmoid(i_z + h_z)
    n = jnp.tanh(i_n + r * h_n)
    return (1.0 - z) * n + z * h

def reference(x, edge_index, batch, W_proj, b_proj, bn1_g, bn1_b, ggc_w, gru_w_ih, gru_w_hh, gru_b_ih, gru_b_hh, bn2_g, bn2_b, W1, b1, bn3_g, bn3_b, W2, b2, bn4_g, bn4_b, W3, b3):
    h = jax.nn.relu(_bn_eval(x @ W_proj + b_proj, bn1_g, bn1_b))
    src = edge_index[0]
    dst = edge_index[1]
    for i in range(STEPS):
        m = h @ ggc_w[i]
        agg = jax.ops.segment_sum(m[src], dst, num_segments=N)
        h = _gru_cell(agg, h, gru_w_ih, gru_w_hh, gru_b_ih, gru_b_hh)
    h = jax.nn.relu(_bn_eval(h, bn2_g, bn2_b))
    sums = jax.ops.segment_sum(h, batch, num_segments=G)
    cnt = jax.ops.segment_sum(jnp.ones((N,), jnp.float32), batch, num_segments=G)
    pooled = sums / jnp.clip(cnt, 1.0, None)[:, None]
    h = jax.nn.relu(_bn_eval(pooled @ W1 + b1, bn3_g, bn3_b))
    h = jax.nn.relu(_bn_eval(h @ W2 + b2, bn4_g, bn4_b))
    return h @ W3 + b3

if __name__ == "__main__":
    import jax
    _d = setup_inputs()
    print(jax.jit(kernel)(*tuple(_d.values())))

</pallas_src>

<mosaic_0001>
#map = affine_map<(d0, d1) -> (0, 0)>
#map1 = affine_map<(d0, d1) -> (0, 0, 0)>
module attributes {stable_mosaic.version = 14 : i64} {
  func.func @k(%arg0: i32, %arg1: i32, %arg2: memref<10240x128xf32, #tpu.memory_space<hbm>>, %arg3: memref<32x80x128xi32, #tpu.memory_space<hbm>>, %arg4: memref<32x80x128xi32, #tpu.memory_space<hbm>>, %arg5: memref<640x128xf32, #tpu.memory_space<hbm>>, %arg6: memref<2x10240x128xf32, #tpu.memory_space<hbm>>, %arg7: memref<40x128xi32, #tpu.memory_space<vmem>>, %arg8: memref<40x128xi32, #tpu.memory_space<vmem>>, %arg9: memref<2x128x128xf32, #tpu.memory_space<vmem>>, %arg10: memref<10240x128xf32, #tpu.memory_space<vmem_shared>>, %arg11: memref<!tpu.dma_semaphore, #tpu.memory_space<semaphore_mem>>, %arg12: memref<!tpu.dma_semaphore, #tpu.memory_space<semaphore_mem>>) attributes {dimension_semantics = [#tpu.dimension_semantics<core_parallel>, #tpu.dimension_semantics<subcore_parallel>], iteration_bounds = array<i64: 2, 16>, scalar_prefetch = 0 : i64, scratch_operands = 6 : i64, tpu.core_type = #tpu.core_type<sc_vector_subcore>, window_params = [{transform_indices = #map}, {transform_indices = #map1}, {transform_indices = #map1}, {transform_indices = #map}, {transform_indices = #map1}]} {
    %mul3A = arith.constant 640 : i32
    %mul3A_0 = arith.muli %arg1, %mul3A : i32
    %mul3A_1 = arith.constant 2 : i32
    %mul3A_2 = arith.muli %arg1, %mul3A_1 : i32
    %add3A = arith.addi %mul3A_2, %arg0 : i32
    "tpu.region"() ({
      %run_scoped3A = tpu.sem_alloc : memref<!tpu.dma_semaphore, #tpu.memory_space<semaphore_mem>>
      %dma_start3A_64 = arith.constant 0 : i32
      %dma_start3A_65 = tpu.memref_slice %arg10[%mul3A_0, %dma_start3A_64] : memref<10240x128xf32, #tpu.memory_space<vmem_shared>> -> memref<640x128xf32, #tpu.memory_space<vmem_shared>>
      tpu.enqueue_dma source(%arg5 : memref<640x128xf32, #tpu.memory_space<hbm>>) target(%dma_start3A_65 : memref<640x128xf32, #tpu.memory_space<vmem_shared>>) target_semaphore(%run_scoped3A : memref<!tpu.dma_semaphore, #tpu.memory_space<semaphore_mem>>)
      %dma_wait3A = arith.constant 0 : i32
      %dma_wait3A_66 = tpu.memref_slice %arg10[%mul3A_0, %dma_wait3A] : memref<10240x128xf32, #tpu.memory_space<vmem_shared>> -> memref<640x128xf32, #tpu.memory_space<vmem_shared>>
      tpu.wait_dma2 semaphore(%run_scoped3A : memref<!tpu.dma_semaphore, #tpu.memory_space<semaphore_mem>>) src(%arg5 : memref<640x128xf32, #tpu.memory_space<hbm>>) dst(%dma_wait3A_66 : memref<640x128xf32, #tpu.memory_space<vmem_shared>>)
      tpu.yield
    }) : () -> ()
    %barrier3A = arith.constant 0 : index
    tpu.barrier barrier_id(%barrier3A)
    "tpu.region"() ({
      %run_scoped3A = tpu.sem_alloc : memref<!tpu.dma_semaphore, #tpu.memory_space<semaphore_mem>>
      %dma_start3A_64 = arith.constant 0 : i32
      %dma_start3A_65 = arith.constant 0 : i32
      %dma_start3A_66 = tpu.memref_slice %arg3[%add3A, %dma_start3A_64, %dma_start3A_65] : memref<32x80x128xi32, #tpu.memory_space<hbm>> -> memref<1x40x128xi32, #tpu.memory_space<hbm>>
      %dma_start3A_67 = tpu.memref_squeeze %dma_start3A_66 : memref<1x40x128xi32, #tpu.memory_space<hbm>> -> memref<40x128xi32, #tpu.memory_space<hbm>>
      %dma_start3A_68 = arith.constant 0 : i32
      %dma_start3A_69 = arith.constant 0 : i32
      %dma_start3A_70 = tpu.memref_slice %arg3[%add3A, %dma_start3A_68, %dma_start3A_69] : memref<32x80x128xi32, #tpu.memory_space<hbm>> -> memref<1x40x128xi32, #tpu.memory_space<hbm>>
      %dma_start3A_71 = tpu.memref_squeeze %dma_start3A_70 : memref<1x40x128xi32, #tpu.memory_space<hbm>> -> memref<40x128xi32, #tpu.memory_space<hbm>>
      tpu.enqueue_dma source(%dma_start3A_71 : memref<40x128xi32, #tpu.memory_space<hbm>>) target(%arg7 : memref<40x128xi32, #tpu.memory_space<vmem>>) target_semaphore(%run_scoped3A : memref<!tpu.dma_semaphore, #tpu.memory_space<semaphore_mem>>)
      %dma_wait3A = arith.constant 0 : i32
      %dma_wait3A_72 = arith.constant 0 : i32
      %dma_wait3A_73 = tpu.memref_slice %arg3[%add3A, %dma_wait3A, %dma_wait3A_72] : memref<32x80x128xi32, #tpu.memory_space<hbm>> -> memref<1x40x128xi32, #tpu.memory_space<hbm>>
      %dma_wait3A_74 = tpu.memref_squeeze %dma_wait3A_73 : memref<1x40x128xi32, #tpu.memory_space<hbm>> -> memref<40x128xi32, #tpu.memory_space<hbm>>
      %dma_wait3A_75 = arith.constant 0 : i32
      %dma_wait3A_76 = arith.constant 0 : i32
      %dma_wait3A_77 = tpu.memref_slice %arg3[%add3A, %dma_wait3A_75, %dma_wait3A_76] : memref<32x80x128xi32, #tpu.memory_space<hbm>> -> memref<1x40x128xi32, #tpu.memory_space<hbm>>
      %dma_wait3A_78 = tpu.memref_squeeze %dma_wait3A_77 : memref<1x40x128xi32, #tpu.memory_space<hbm>> -> memref<40x128xi32, #tpu.memory_space<hbm>>
      tpu.wait_dma2 semaphore(%run_scoped3A : memref<!tpu.dma_semaphore, #tpu.memory_space<semaphore_mem>>) src(%dma_wait3A_78 : memref<40x128xi32, #tpu.memory_space<hbm>>) dst(%arg7 : memref<40x128xi32, #tpu.memory_space<vmem>>)
      tpu.yield
    }) : () -> ()
    "tpu.region"() ({
      %run_scoped3A = tpu.sem_alloc : memref<!tpu.dma_semaphore, #tpu.memory_space<semaphore_mem>>
      %dma_start3A_64 = arith.constant 0 : i32
      %dma_start3A_65 = arith.constant 0 : i32
      %dma_start3A_66 = tpu.memref_slice %arg4[%add3A, %dma_start3A_64, %dma_start3A_65] : memref<32x80x128xi32, #tpu.memory_space<hbm>> -> memref<1x40x128xi32, #tpu.memory_space<hbm>>
      %dma_start3A_67 = tpu.memref_squeeze %dma_start3A_66 : memref<1x40x128xi32, #tpu.memory_space<hbm>> -> memref<40x128xi32, #tpu.memory_space<hbm>>
      %dma_start3A_68 = arith.constant 0 : i32
      %dma_start3A_69 = arith.constant 0 : i32
      %dma_start3A_70 = tpu.memref_slice %arg4[%add3A, %dma_start3A_68, %dma_start3A_69] : memref<32x80x128xi32, #tpu.memory_space<hbm>> -> memref<1x40x128xi32, #tpu.memory_space<hbm>>
      %dma_start3A_71 = tpu.memref_squeeze %dma_start3A_70 : memref<1x40x128xi32, #tpu.memory_space<hbm>> -> memref<40x128xi32, #tpu.memory_space<hbm>>
      tpu.enqueue_dma source(%dma_start3A_71 : memref<40x128xi32, #tpu.memory_space<hbm>>) target(%arg8 : memref<40x128xi32, #tpu.memory_space<vmem>>) target_semaphore(%run_scoped3A : memref<!tpu.dma_semaphore, #tpu.memory_space<semaphore_mem>>)
      %dma_wait3A = arith.constant 0 : i32
      %dma_wait3A_72 = arith.constant 0 : i32
      %dma_wait3A_73 = tpu.memref_slice %arg4[%add3A, %dma_wait3A, %dma_wait3A_72] : memref<32x80x128xi32, #tpu.memory_space<hbm>> -> memref<1x40x128xi32, #tpu.memory_space<hbm>>
      %dma_wait3A_74 = tpu.memref_squeeze %dma_wait3A_73 : memref<1x40x128xi32, #tpu.memory_space<hbm>> -> memref<40x128xi32, #tpu.memory_space<hbm>>
      %dma_wait3A_75 = arith.constant 0 : i32
      %dma_wait3A_76 = arith.constant 0 : i32
      %dma_wait3A_77 = tpu.memref_slice %arg4[%add3A, %dma_wait3A_75, %dma_wait3A_76] : memref<32x80x128xi32, #tpu.memory_space<hbm>> -> memref<1x40x128xi32, #tpu.memory_space<hbm>>
      %dma_wait3A_78 = tpu.memref_squeeze %dma_wait3A_77 : memref<1x40x128xi32, #tpu.memory_space<hbm>> -> memref<40x128xi32, #tpu.memory_space<hbm>>
      tpu.wait_dma2 semaphore(%run_scoped3A : memref<!tpu.dma_semaphore, #tpu.memory_space<semaphore_mem>>) src(%dma_wait3A_78 : memref<40x128xi32, #tpu.memory_space<hbm>>) dst(%arg8 : memref<40x128xi32, #tpu.memory_space<vmem>>)
      tpu.yield
    }) : () -> ()
    %dma_start3A = arith.constant 0 : i32
    %dma_start3A_3 = arith.constant 0 : i32
    %dma_start3A_4 = arith.constant 0 : i32
    %dma_start3A_5 = arith.constant 0 : i32
    %dma_start3A_6 = tpu.memref_slice %arg9[%dma_start3A_3, %dma_start3A_4, %dma_start3A_5] : memref<2x128x128xf32, #tpu.memory_space<vmem>> -> memref<1x128x128xf32, #tpu.memory_space<vmem>>
    %dma_start3A_7 = tpu.memref_squeeze %dma_start3A_6 : memref<1x128x128xf32, #tpu.memory_space<vmem>> -> memref<128x128xf32, #tpu.memory_space<vmem>>
    %dma_start3A_8 = arith.constant 0 : i32
    %dma_start3A_9 = tpu.memref_slice %arg7[%dma_start3A, %dma_start3A_8] : memref<40x128xi32, #tpu.memory_space<vmem>> -> memref<1x128xi32, #tpu.memory_space<vmem>>
    %dma_start3A_10 = tpu.memref_squeeze %dma_start3A_9 : memref<1x128xi32, #tpu.memory_space<vmem>> -> memref<128xi32, #tpu.memory_space<vmem>>
    %dma_start3A_11 = arith.constant 0 : i32
    %dma_start3A_12 = arith.constant 0 : i32
    %dma_start3A_13 = tpu.memref_slice %arg2[%dma_start3A_11, %dma_start3A_12] : memref<10240x128xf32, #tpu.memory_space<hbm>> -> memref<10240x128xf32, #tpu.memory_space<hbm>>
    tpu.enqueue_indirect_dma source(%dma_start3A_13 : memref<10240x128xf32, #tpu.memory_space<hbm>>) target(%dma_start3A_7 : memref<128x128xf32, #tpu.memory_space<vmem>>) offsets(%dma_start3A_10 : memref<128xi32, #tpu.memory_space<vmem>>) semaphore(%arg11 : memref<!tpu.dma_semaphore, #tpu.memory_space<semaphore_mem>>)
    %dma_start3A_14 = arith.constant 1 : i32
    %dma_start3A_15 = arith.constant 1 : i32
    %dma_start3A_16 = arith.constant 0 : i32
    %dma_start3A_17 = arith.constant 0 : i32
    %dma_start3A_18 = tpu.memref_slice %arg9[%dma_start3A_15, %dma_start3A_16, %dma_start3A_17] : memref<2x128x128xf32, #tpu.memory_space<vmem>> -> memref<1x128x128xf32, #tpu.memory_space<vmem>>
    %dma_start3A_19 = tpu.memref_squeeze %dma_start3A_18 : memref<1x128x128xf32, #tpu.memory_space<vmem>> -> memref<128x128xf32, #tpu.memory_space<vmem>>
    %dma_start3A_20 = arith.constant 0 : i32
    %dma_start3A_21 = tpu.memref_slice %arg7[%dma_start3A_14, %dma_start3A_20] : memref<40x128xi32, #tpu.memory_space<vmem>> -> memref<1x128xi32, #tpu.memory_space<vmem>>
    %dma_start3A_22 = tpu.memref_squeeze %dma_start3A_21 : memref<1x128xi32, #tpu.memory_space<vmem>> -> memref<128xi32, #tpu.memory_space<vmem>>
    %dma_start3A_23 = arith.constant 0 : i32
    %dma_start3A_24 = arith.constant 0 : i32
    %dma_start3A_25 = tpu.memref_slice %arg2[%dma_start3A_23, %dma_start3A_24] : memref<10240x128xf32, #tpu.memory_space<hbm>> -> memref<10240x128xf32, #tpu.memory_space<hbm>>
    tpu.enqueue_indirect_dma source(%dma_start3A_25 : memref<10240x128xf32, #tpu.memory_space<hbm>>) target(%dma_start3A_19 : memref<128x128xf32, #tpu.memory_space<vmem>>) offsets(%dma_start3A_22 : memref<128xi32, #tpu.memory_space<vmem>>) semaphore(%arg12 : memref<!tpu.dma_semaphore, #tpu.memory_space<semaphore_mem>>)
    %scan3A = arith.constant 0 : i32
    %scan3A_26 = arith.constant 0 : i32
    %scan3A_27 = arith.constant 20 : i32
    %scan3A_28 = arith.addi %scan3A_26, %scan3A_27 : i32
    %scan3A_29 = arith.constant 1 : i32
    %scan3A_30 = scf.for %scan3A_64 = %scan3A_26 to %scan3A_28 step %scan3A_29 iter_args(%scan3A_65 = %scan3A) -> (i32)  : i32 {
      %mul3A_66 = arith.constant 2 : i32
      %mul3A_67 = arith.muli %scan3A_64, %mul3A_66 : i32
      %add3A_68 = arith.constant 0 : i32
      %add3A_69 = arith.addi %mul3A_67, %add3A_68 : i32
      %dma_wait3A = arith.constant 0 : i32
      %dma_wait3A_70 = arith.constant 0 : i32
      %dma_wait3A_71 = arith.constant 0 : i32
      %dma_wait3A_72 = tpu.memref_slice %arg9[%dma_wait3A, %dma_wait3A_70, %dma_wait3A_71] : memref<2x128x128xf32, #tpu.memory_space<vmem>> -> memref<1x128x128xf32, #tpu.memory_space<vmem>>
      %dma_wait3A_73 = tpu.memref_squeeze %dma_wait3A_72 : memref<1x128x128xf32, #tpu.memory_space<vmem>> -> memref<128x128xf32, #tpu.memory_space<vmem>>
      %dma_wait3A_74 = arith.constant 0 : i32
      %dma_wait3A_75 = arith.constant 0 : i32
      %dma_wait3A_76 = tpu.memref_slice %arg2[%dma_wait3A_74, %dma_wait3A_75] : memref<10240x128xf32, #tpu.memory_space<hbm>> -> memref<128x128xf32, #tpu.memory_space<hbm>>
      %dma_wait3A_77 = arith.constant 0 : i32
      %dma_wait3A_78 = arith.constant 0 : i32
      %dma_wait3A_79 = tpu.memref_slice %arg9[%dma_wait3A, %dma_wait3A_77, %dma_wait3A_78] : memref<2x128x128xf32, #tpu.memory_space<vmem>> -> memref<1x128x128xf32, #tpu.memory_space<vmem>>
      %dma_wait3A_80 = tpu.memref_squeeze %dma_wait3A_79 : memref<1x128x128xf32, #tpu.memory_space<vmem>> -> memref<128x128xf32, #tpu.memory_space<vmem>>
      %dma_wait3A_81 = arith.constant 0 : i32
      %dma_wait3A_82 = arith.constant 0 : i32
      %dma_wait3A_83 = tpu.memref_slice %arg2[%dma_wait3A_81, %dma_wait3A_82] : memref<10240x128xf32, #tpu.memory_space<hbm>> -> memref<128x128xf32, #tpu.memory_space<hbm>>
      tpu.wait_dma2 semaphore(%arg11 : memref<!tpu.dma_semaphore, #tpu.memory_space<semaphore_mem>>) src(%dma_wait3A_83 : memref<128x128xf32, #tpu.memory_space<hbm>>) dst(%dma_wait3A_80 : memref<128x128xf32, #tpu.memory_space<vmem>>)
      %run_scoped3A = arith.constant 0 : i32
      "tpu.region"() ({
        %run_scoped3A_116 = tpu.sem_alloc : memref<!tpu.dma_semaphore, #tpu.memory_space<semaphore_mem>>
        %dma_start3A_117 = arith.constant 0 : i32
        %dma_start3A_118 = arith.constant 0 : i32
        %dma_start3A_119 = tpu.memref_slice %arg9[%run_scoped3A, %dma_start3A_117, %dma_start3A_118] : memref<2x128x128xf32, #tpu.memory_space<vmem>> -> memref<1x128x128xf32, #tpu.memory_space<vmem>>
        %dma_start3A_120 = tpu.memref_squeeze %dma_start3A_119 : memref<1x128x128xf32, #tpu.memory_space<vmem>> -> memref<128x128xf32, #tpu.memory_space<vmem>>
        %dma_start3A_121 = arith.constant 0 : i32
        %dma_start3A_122 = tpu.memref_slice %arg8[%add3A_69, %dma_start3A_121] : memref<40x128xi32, #tpu.memory_space<vmem>> -> memref<1x128xi32, #tpu.memory_space<vmem>>
        %dma_start3A_123 = tpu.memref_squeeze %dma_start3A_122 : memref<1x128xi32, #tpu.memory_space<vmem>> -> memref<128xi32, #tpu.memory_space<vmem>>
        %dma_start3A_124 = arith.constant 0 : i32
        %dma_start3A_125 = arith.constant 0 : i32
        %dma_start3A_126 = tpu.memref_slice %arg10[%dma_start3A_124, %dma_start3A_125] : memref<10240x128xf32, #tpu.memory_space<vmem_shared>> -> memref<10240x128xf32, #tpu.memory_space<vmem_shared>>
        tpu.enqueue_indirect_dma source(%dma_start3A_120 : memref<128x128xf32, #tpu.memory_space<vmem>>) target(%dma_start3A_126 : memref<10240x128xf32, #tpu.memory_space<vmem_shared>>) offsets(%dma_start3A_123 : memref<128xi32, #tpu.memory_space<vmem>>) semaphore(%run_scoped3A_116 : memref<!tpu.dma_semaphore, #tpu.memory_space<semaphore_mem>>) {add = true}
        %dma_wait3A_127 = arith.constant 0 : i32
        %dma_wait3A_128 = arith.constant 0 : i32
        %dma_wait3A_129 = tpu.memref_slice %arg9[%run_scoped3A, %dma_wait3A_127, %dma_wait3A_128] : memref<2x128x128xf32, #tpu.memory_space<vmem>> -> memref<1x128x128xf32, #tpu.memory_space<vmem>>
        %dma_wait3A_130 = tpu.memref_squeeze %dma_wait3A_129 : memref<1x128x128xf32, #tpu.memory_space<vmem>> -> memref<128x128xf32, #tpu.memory_space<vmem>>
        %dma_wait3A_131 = arith.constant 0 : i32
        %dma_wait3A_132 = tpu.memref_slice %arg8[%add3A_69, %dma_wait3A_131] : memref<40x128xi32, #tpu.memory_space<vmem>> -> memref<1x128xi32, #tpu.memory_space<vmem>>
        %dma_wait3A_133 = tpu.memref_squeeze %dma_wait3A_132 : memref<1x128xi32, #tpu.memory_space<vmem>> -> memref<128xi32, #tpu.memory_space<vmem>>
        %dma_wait3A_134 = arith.constant 0 : i32
        %dma_wait3A_135 = arith.constant 0 : i32
        %dma_wait3A_136 = tpu.memref_slice %arg10[%dma_wait3A_134, %dma_wait3A_135] : memref<10240x128xf32, #tpu.memory_space<vmem_shared>> -> memref<10240x128xf32, #tpu.memory_space<vmem_shared>>
        tpu.wait_indirect_dma semaphore(%run_scoped3A_116 : memref<!tpu.dma_semaphore, #tpu.memory_space<semaphore_mem>>) src(%dma_wait3A_130 : memref<128x128xf32, #tpu.memory_space<vmem>>) dst(%dma_wait3A_136 : memref<10240x128xf32, #tpu.memory_space<vmem_shared>>)
        tpu.yield
      }) : () -> ()
      %add3A_84 = arith.constant 2 : i32
      %add3A_85 = arith.addi %add3A_69, %add3A_84 : i32
      %lt3A = arith.constant 40 : i32
      %lt3A_86 = arith.cmpi slt, %add3A_85, %lt3A : i32
      %convert_element_type3A = arith.extui %lt3A_86 : i1 to i32
      %cond3A = arith.constant 0 : i32
      %cond3A_87 = arith.cmpi ne, %convert_element_type3A, %cond3A : i32
      scf.if %cond3A_87 {
        %add3A_116 = arith.constant 2 : i32
        %add3A_117 = arith.addi %add3A_69, %add3A_116 : i32
        %dma_start3A_118 = arith.constant 0 : i32
        %dma_start3A_119 = arith.constant 0 : i32
        %dma_start3A_120 = arith.constant 0 : i32
        %dma_start3A_121 = tpu.memref_slice %arg9[%dma_start3A_118, %dma_start3A_119, %dma_start3A_120] : memref<2x128x128xf32, #tpu.memory_space<vmem>> -> memref<1x128x128xf32, #tpu.memory_space<vmem>>
        %dma_start3A_122 = tpu.memref_squeeze %dma_start3A_121 : memref<1x128x128xf32, #tpu.memory_space<vmem>> -> memref<128x128xf32, #tpu.memory_space<vmem>>
        %dma_start3A_123 = arith.constant 0 : i32
        %dma_start3A_124 = tpu.memref_slice %arg7[%add3A_117, %dma_start3A_123] : memref<40x128xi32, #tpu.memory_space<vmem>> -> memref<1x128xi32, #tpu.memory_space<vmem>>
        %dma_start3A_125 = tpu.memref_squeeze %dma_start3A_124 : memref<1x128xi32, #tpu.memory_space<vmem>> -> memref<128xi32, #tpu.memory_space<vmem>>
        %dma_start3A_126 = arith.constant 0 : i32
        %dma_start3A_127 = arith.constant 0 : i32
        %dma_start3A_128 = tpu.memref_slice %arg2[%dma_start3A_126, %dma_start3A_127] : memref<10240x128xf32, #tpu.memory_space<hbm>> -> memref<10240x128xf32, #tpu.memory_space<hbm>>
        tpu.enqueue_indirect_dma source(%dma_start3A_128 : memref<10240x128xf32, #tpu.memory_space<hbm>>) target(%dma_start3A_122 : memref<128x128xf32, #tpu.memory_space<vmem>>) offsets(%dma_start3A_125 : memref<128xi32, #tpu.memory_space<vmem>>) semaphore(%arg11 : memref<!tpu.dma_semaphore, #tpu.memory_space<semaphore_mem>>)
      } else {
      }
      %mul3A_88 = arith.constant 2 : i32
      %mul3A_89 = arith.muli %scan3A_64, %mul3A_88 : i32
      %add3A_90 = arith.constant 1 : i32
      %add3A_91 = arith.addi %mul3A_89, %add3A_90 : i32
      %dma_wait3A_92 = arith.constant 1 : i32
      %dma_wait3A_93 = arith.constant 0 : i32
      %dma_wait3A_94 = arith.constant 0 : i32
      %dma_wait3A_95 = tpu.memref_slice %arg9[%dma_wait3A_92, %dma_wait3A_93, %dma_wait3A_94] : memref<2x128x128xf32, #tpu.memory_space<vmem>> -> memref<1x128x128xf32, #tpu.memory_space<vmem>>
      %dma_wait3A_96 = tpu.memref_squeeze %dma_wait3A_95 : memref<1x128x128xf32, #tpu.memory_space<vmem>> -> memref<128x128xf32, #tpu.memory_space<vmem>>
      %dma_wait3A_97 = arith.constant 0 : i32
      %dma_wait3A_98 = arith.constant 0 : i32
      %dma_wait3A_99 = tpu.memref_slice %arg2[%dma_wait3A_97, %dma_wait3A_98] : memref<10240x128xf32, #tpu.memory_space<hbm>> -> memref<128x128xf32, #tpu.memory_space<hbm>>
      %dma_wait3A_100 = arith.constant 0 : i32
      %dma_wait3A_101 = arith.constant 0 : i32
      %dma_wait3A_102 = tpu.memref_slice %arg9[%dma_wait3A_92, %dma_wait3A_100, %dma_wait3A_101] : memref<2x128x128xf32, #tpu.memory_space<vmem>> -> memref<1x128x128xf32, #tpu.memory_space<vmem>>
      %dma_wait3A_103 = tpu.memref_squeeze %dma_wait3A_102 : memref<1x128x128xf32, #tpu.memory_space<vmem>> -> memref<128x128xf32, #tpu.memory_space<vmem>>
      %dma_wait3A_104 = arith.constant 0 : i32
      %dma_wait3A_105 = arith.constant 0 : i32
      %dma_wait3A_106 = tpu.memref_slice %arg2[%dma_wait3A_104, %dma_wait3A_105] : memref<10240x128xf32, #tpu.memory_space<hbm>> -> memref<128x128xf32, #tpu.memory_space<hbm>>
      tpu.wait_dma2 semaphore(%arg12 : memref<!tpu.dma_semaphore, #tpu.memory_space<semaphore_mem>>) src(%dma_wait3A_106 : memref<128x128xf32, #tpu.memory_space<hbm>>) dst(%dma_wait3A_103 : memref<128x128xf32, #tpu.memory_space<vmem>>)
      %run_scoped3A_107 = arith.constant 1 : i32
      "tpu.region"() ({
        %run_scoped3A_116 = tpu.sem_alloc : memref<!tpu.dma_semaphore, #tpu.memory_space<semaphore_mem>>
        %dma_start3A_117 = arith.constant 0 : i32
        %dma_start3A_118 = arith.constant 0 : i32
        %dma_start3A_119 = tpu.memref_slice %arg9[%run_scoped3A_107, %dma_start3A_117, %dma_start3A_118] : memref<2x128x128xf32, #tpu.memory_space<vmem>> -> memref<1x128x128xf32, #tpu.memory_space<vmem>>
        %dma_start3A_120 = tpu.memref_squeeze %dma_start3A_119 : memref<1x128x128xf32, #tpu.memory_space<vmem>> -> memref<128x128xf32, #tpu.memory_space<vmem>>
        %dma_start3A_121 = arith.constant 0 : i32
        %dma_start3A_122 = tpu.memref_slice %arg8[%add3A_91, %dma_start3A_121] : memref<40x128xi32, #tpu.memory_space<vmem>> -> memref<1x128xi32, #tpu.memory_space<vmem>>
        %dma_start3A_123 = tpu.memref_squeeze %dma_start3A_122 : memref<1x128xi32, #tpu.memory_space<vmem>> -> memref<128xi32, #tpu.memory_space<vmem>>
        %dma_start3A_124 = arith.constant 0 : i32
        %dma_start3A_125 = arith.constant 0 : i32
        %dma_start3A_126 = tpu.memref_slice %arg10[%dma_start3A_124, %dma_start3A_125] : memref<10240x128xf32, #tpu.memory_space<vmem_shared>> -> memref<10240x128xf32, #tpu.memory_space<vmem_shared>>
        tpu.enqueue_indirect_dma source(%dma_start3A_120 : memref<128x128xf32, #tpu.memory_space<vmem>>) target(%dma_start3A_126 : memref<10240x128xf32, #tpu.memory_space<vmem_shared>>) offsets(%dma_start3A_123 : memref<128xi32, #tpu.memory_space<vmem>>) semaphore(%run_scoped3A_116 : memref<!tpu.dma_semaphore, #tpu.memory_space<semaphore_mem>>) {add = true}
        %dma_wait3A_127 = arith.constant 0 : i32
        %dma_wait3A_128 = arith.constant 0 : i32
        %dma_wait3A_129 = tpu.memref_slice %arg9[%run_scoped3A_107, %dma_wait3A_127, %dma_wait3A_128] : memref<2x128x128xf32, #tpu.memory_space<vmem>> -> memref<1x128x128xf32, #tpu.memory_space<vmem>>
        %dma_wait3A_130 = tpu.memref_squeeze %dma_wait3A_129 : memref<1x128x128xf32, #tpu.memory_space<vmem>> -> memref<128x128xf32, #tpu.memory_space<vmem>>
        %dma_wait3A_131 = arith.constant 0 : i32
        %dma_wait3A_132 = tpu.memref_slice %arg8[%add3A_91, %dma_wait3A_131] : memref<40x128xi32, #tpu.memory_space<vmem>> -> memref<1x128xi32, #tpu.memory_space<vmem>>
        %dma_wait3A_133 = tpu.memref_squeeze %dma_wait3A_132 : memref<1x128xi32, #tpu.memory_space<vmem>> -> memref<128xi32, #tpu.memory_space<vmem>>
        %dma_wait3A_134 = arith.constant 0 : i32
        %dma_wait3A_135 = arith.constant 0 : i32
        %dma_wait3A_136 = tpu.memref_slice %arg10[%dma_wait3A_134, %dma_wait3A_135] : memref<10240x128xf32, #tpu.memory_space<vmem_shared>> -> memref<10240x128xf32, #tpu.memory_space<vmem_shared>>
        tpu.wait_indirect_dma semaphore(%run_scoped3A_116 : memref<!tpu.dma_semaphore, #tpu.memory_space<semaphore_mem>>) src(%dma_wait3A_130 : memref<128x128xf32, #tpu.memory_space<vmem>>) dst(%dma_wait3A_136 : memref<10240x128xf32, #tpu.memory_space<vmem_shared>>)
        tpu.yield
      }) : () -> ()
      %add3A_108 = arith.constant 2 : i32
      %add3A_109 = arith.addi %add3A_91, %add3A_108 : i32
      %lt3A_110 = arith.constant 40 : i32
      %lt3A_111 = arith.cmpi slt, %add3A_109, %lt3A_110 : i32
      %convert_element_type3A_112 = arith.extui %lt3A_111 : i1 to i32
      %cond3A_113 = arith.constant 0 : i32
      %cond3A_114 = arith.cmpi ne, %convert_element_type3A_112, %cond3A_113 : i32
      scf.if %cond3A_114 {
        %add3A_116 = arith.constant 2 : i32
        %add3A_117 = arith.addi %add3A_91, %add3A_116 : i32
        %dma_start3A_118 = arith.constant 1 : i32
        %dma_start3A_119 = arith.constant 0 : i32
        %dma_start3A_120 = arith.constant 0 : i32
        %dma_start3A_121 = tpu.memref_slice %arg9[%dma_start3A_118, %dma_start3A_119, %dma_start3A_120] : memref<2x128x128xf32, #tpu.memory_space<vmem>> -> memref<1x128x128xf32, #tpu.memory_space<vmem>>
        %dma_start3A_122 = tpu.memref_squeeze %dma_start3A_121 : memref<1x128x128xf32, #tpu.memory_space<vmem>> -> memref<128x128xf32, #tpu.memory_space<vmem>>
        %dma_start3A_123 = arith.constant 0 : i32
        %dma_start3A_124 = tpu.memref_slice %arg7[%add3A_117, %dma_start3A_123] : memref<40x128xi32, #tpu.memory_space<vmem>> -> memref<1x128xi32, #tpu.memory_space<vmem>>
        %dma_start3A_125 = tpu.memref_squeeze %dma_start3A_124 : memref<1x128xi32, #tpu.memory_space<vmem>> -> memref<128xi32, #tpu.memory_space<vmem>>
        %dma_start3A_126 = arith.constant 0 : i32
        %dma_start3A_127 = arith.constant 0 : i32
        %dma_start3A_128 = tpu.memref_slice %arg2[%dma_start3A_126, %dma_start3A_127] : memref<10240x128xf32, #tpu.memory_space<hbm>> -> memref<10240x128xf32, #tpu.memory_space<hbm>>
        tpu.enqueue_indirect_dma source(%dma_start3A_128 : memref<10240x128xf32, #tpu.memory_space<hbm>>) target(%dma_start3A_122 : memref<128x128xf32, #tpu.memory_space<vmem>>) offsets(%dma_start3A_125 : memref<128xi32, #tpu.memory_space<vmem>>) semaphore(%arg12 : memref<!tpu.dma_semaphore, #tpu.memory_space<semaphore_mem>>)
      } else {
      }
      %scan3A_115 = arith.constant 0 : i32
      scf.yield %scan3A_115 : i32
    }
    %scan3A_31 = arith.constant 20 : i32
    "tpu.region"() ({
      %run_scoped3A = tpu.sem_alloc : memref<!tpu.dma_semaphore, #tpu.memory_space<semaphore_mem>>
      %dma_start3A_64 = arith.constant 40 : i32
      %dma_start3A_65 = arith.constant 0 : i32
      %dma_start3A_66 = tpu.memref_slice %arg3[%add3A, %dma_start3A_64, %dma_start3A_65] : memref<32x80x128xi32, #tpu.memory_space<hbm>> -> memref<1x40x128xi32, #tpu.memory_space<hbm>>
      %dma_start3A_67 = tpu.memref_squeeze %dma_start3A_66 : memref<1x40x128xi32, #tpu.memory_space<hbm>> -> memref<40x128xi32, #tpu.memory_space<hbm>>
      %dma_start3A_68 = arith.constant 40 : i32
      %dma_start3A_69 = arith.constant 0 : i32
      %dma_start3A_70 = tpu.memref_slice %arg3[%add3A, %dma_start3A_68, %dma_start3A_69] : memref<32x80x128xi32, #tpu.memory_space<hbm>> -> memref<1x40x128xi32, #tpu.memory_space<hbm>>
      %dma_start3A_71 = tpu.memref_squeeze %dma_start3A_70 : memref<1x40x128xi32, #tpu.memory_space<hbm>> -> memref<40x128xi32, #tpu.memory_space<hbm>>
      tpu.enqueue_dma source(%dma_start3A_71 : memref<40x128xi32, #tpu.memory_space<hbm>>) target(%arg7 : memref<40x128xi32, #tpu.memory_space<vmem>>) target_semaphore(%run_scoped3A : memref<!tpu.dma_semaphore, #tpu.memory_space<semaphore_mem>>)
      %dma_wait3A = arith.constant 40 : i32
      %dma_wait3A_72 = arith.constant 0 : i32
      %dma_wait3A_73 = tpu.memref_slice %arg3[%add3A, %dma_wait3A, %dma_wait3A_72] : memref<32x80x128xi32, #tpu.memory_space<hbm>> -> memref<1x40x128xi32, #tpu.memory_space<hbm>>
      %dma_wait3A_74 = tpu.memref_squeeze %dma_wait3A_73 : memref<1x40x128xi32, #tpu.memory_space<hbm>> -> memref<40x128xi32, #tpu.memory_space<hbm>>
      %dma_wait3A_75 = arith.constant 40 : i32
      %dma_wait3A_76 = arith.constant 0 : i32
      %dma_wait3A_77 = tpu.memref_slice %arg3[%add3A, %dma_wait3A_75, %dma_wait3A_76] : memref<32x80x128xi32, #tpu.memory_space<hbm>> -> memref<1x40x128xi32, #tpu.memory_space<hbm>>
      %dma_wait3A_78 = tpu.memref_squeeze %dma_wait3A_77 : memref<1x40x128xi32, #tpu.memory_space<hbm>> -> memref<40x128xi32, #tpu.memory_space<hbm>>
      tpu.wait_dma2 semaphore(%run_scoped3A : memref<!tpu.dma_semaphore, #tpu.memory_space<semaphore_mem>>) src(%dma_wait3A_78 : memref<40x128xi32, #tpu.memory_space<hbm>>) dst(%arg7 : memref<40x128xi32, #tpu.memory_space<vmem>>)
      tpu.yield
    }) : () -> ()
    "tpu.region"() ({
      %run_scoped3A = tpu.sem_alloc : memref<!tpu.dma_semaphore, #tpu.memory_space<semaphore_mem>>
      %dma_start3A_64 = arith.constant 40 : i32
      %dma_start3A_65 = arith.constant 0 : i32
      %dma_start3A_66 = tpu.memref_slice %arg4[%add3A, %dma_start3A_64, %dma_start3A_65] : memref<32x80x128xi32, #tpu.memory_space<hbm>> -> memref<1x40x128xi32, #tpu.memory_space<hbm>>
      %dma_start3A_67 = tpu.memref_squeeze %dma_start3A_66 : memref<1x40x128xi32, #tpu.memory_space<hbm>> -> memref<40x128xi32, #tpu.memory_space<hbm>>
      %dma_start3A_68 = arith.constant 40 : i32
      %dma_start3A_69 = arith.constant 0 : i32
      %dma_start3A_70 = tpu.memref_slice %arg4[%add3A, %dma_start3A_68, %dma_start3A_69] : memref<32x80x128xi32, #tpu.memory_space<hbm>> -> memref<1x40x128xi32, #tpu.memory_space<hbm>>
      %dma_start3A_71 = tpu.memref_squeeze %dma_start3A_70 : memref<1x40x128xi32, #tpu.memory_space<hbm>> -> memref<40x128xi32, #tpu.memory_space<hbm>>
      tpu.enqueue_dma source(%dma_start3A_71 : memref<40x128xi32, #tpu.memory_space<hbm>>) target(%arg8 : memref<40x128xi32, #tpu.memory_space<vmem>>) target_semaphore(%run_scoped3A : memref<!tpu.dma_semaphore, #tpu.memory_space<semaphore_mem>>)
      %dma_wait3A = arith.constant 40 : i32
      %dma_wait3A_72 = arith.constant 0 : i32
      %dma_wait3A_73 = tpu.memref_slice %arg4[%add3A, %dma_wait3A, %dma_wait3A_72] : memref<32x80x128xi32, #tpu.memory_space<hbm>> -> memref<1x40x128xi32, #tpu.memory_space<hbm>>
      %dma_wait3A_74 = tpu.memref_squeeze %dma_wait3A_73 : memref<1x40x128xi32, #tpu.memory_space<hbm>> -> memref<40x128xi32, #tpu.memory_space<hbm>>
      %dma_wait3A_75 = arith.constant 40 : i32
      %dma_wait3A_76 = arith.constant 0 : i32
      %dma_wait3A_77 = tpu.memref_slice %arg4[%add3A, %dma_wait3A_75, %dma_wait3A_76] : memref<32x80x128xi32, #tpu.memory_space<hbm>> -> memref<1x40x128xi32, #tpu.memory_space<hbm>>
      %dma_wait3A_78 = tpu.memref_squeeze %dma_wait3A_77 : memref<1x40x128xi32, #tpu.memory_space<hbm>> -> memref<40x128xi32, #tpu.memory_space<hbm>>
      tpu.wait_dma2 semaphore(%run_scoped3A : memref<!tpu.dma_semaphore, #tpu.memory_space<semaphore_mem>>) src(%dma_wait3A_78 : memref<40x128xi32, #tpu.memory_space<hbm>>) dst(%arg8 : memref<40x128xi32, #tpu.memory_space<vmem>>)
      tpu.yield
    }) : () -> ()
    %dma_start3A_32 = arith.constant 0 : i32
    %dma_start3A_33 = arith.constant 0 : i32
    %dma_start3A_34 = arith.constant 0 : i32
    %dma_start3A_35 = arith.constant 0 : i32
    %dma_start3A_36 = tpu.memref_slice %arg9[%dma_start3A_33, %dma_start3A_34, %dma_start3A_35] : memref<2x128x128xf32, #tpu.memory_space<vmem>> -> memref<1x128x128xf32, #tpu.memory_space<vmem>>
    %dma_start3A_37 = tpu.memref_squeeze %dma_start3A_36 : memref<1x128x128xf32, #tpu.memory_space<vmem>> -> memref<128x128xf32, #tpu.memory_space<vmem>>
    %dma_start3A_38 = arith.constant 0 : i32
    %dma_start3A_39 = tpu.memref_slice %arg7[%dma_start3A_32, %dma_start3A_38] : memref<40x128xi32, #tpu.memory_space<vmem>> -> memref<1x128xi32, #tpu.memory_space<vmem>>
    %dma_start3A_40 = tpu.memref_squeeze %dma_start3A_39 : memref<1x128xi32, #tpu.memory_space<vmem>> -> memref<128xi32, #tpu.memory_space<vmem>>
    %dma_start3A_41 = arith.constant 0 : i32
    %dma_start3A_42 = arith.constant 0 : i32
    %dma_start3A_43 = tpu.memref_slice %arg2[%dma_start3A_41, %dma_start3A_42] : memref<10240x128xf32, #tpu.memory_space<hbm>> -> memref<10240x128xf32, #tpu.memory_space<hbm>>
    tpu.enqueue_indirect_dma source(%dma_start3A_43 : memref<10240x128xf32, #tpu.memory_space<hbm>>) target(%dma_start3A_37 : memref<128x128xf32, #tpu.memory_space<vmem>>) offsets(%dma_start3A_40 : memref<128xi32, #tpu.memory_space<vmem>>) semaphore(%arg11 : memref<!tpu.dma_semaphore, #tpu.memory_space<semaphore_mem>>)
    %dma_start3A_44 = arith.constant 1 : i32
    %dma_start3A_45 = arith.constant 1 : i32
    %dma_start3A_46 = arith.constant 0 : i32
    %dma_start3A_47 = arith.constant 0 : i32
    %dma_start3A_48 = tpu.memref_slice %arg9[%dma_start3A_45, %dma_start3A_46, %dma_start3A_47] : memref<2x128x128xf32, #tpu.memory_space<vmem>> -> memref<1x128x128xf32, #tpu.memory_space<vmem>>
    %dma_start3A_49 = tpu.memref_squeeze %dma_start3A_48 : memref<1x128x128xf32, #tpu.memory_space<vmem>> -> memref<128x128xf32, #tpu.memory_space<vmem>>
    %dma_start3A_50 = arith.constant 0 : i32
    %dma_start3A_51 = tpu.memref_slice %arg7[%dma_start3A_44, %dma_start3A_50] : memref<40x128xi32, #tpu.memory_space<vmem>> -> memref<1x128xi32, #tpu.memory_space<vmem>>
    %dma_start3A_52 = tpu.memref_squeeze %dma_start3A_51 : memref<1x128xi32, #tpu.memory_space<vmem>> -> memref<128xi32, #tpu.memory_space<vmem>>
    %dma_start3A_53 = arith.constant 0 : i32
    %dma_start3A_54 = arith.constant 0 : i32
    %dma_start3A_55 = tpu.memref_slice %arg2[%dma_start3A_53, %dma_start3A_54] : memref<10240x128xf32, #tpu.memory_space<hbm>> -> memref<10240x128xf32, #tpu.memory_space<hbm>>
    tpu.enqueue_indirect_dma source(%dma_start3A_55 : memref<10240x128xf32, #tpu.memory_space<hbm>>) target(%dma_start3A_49 : memref<128x128xf32, #tpu.memory_space<vmem>>) offsets(%dma_start3A_52 : memref<128xi32, #tpu.memory_space<vmem>>) semaphore(%arg12 : memref<!tpu.dma_semaphore, #tpu.memory_space<semaphore_mem>>)
    %scan3A_56 = arith.constant 0 : i32
    %scan3A_57 = arith.constant 0 : i32
    %scan3A_58 = arith.constant 20 : i32
    %scan3A_59 = arith.addi %scan3A_57, %scan3A_58 : i32
    %scan3A_60 = arith.constant 1 : i32
    %scan3A_61 = scf.for %scan3A_64 = %scan3A_57 to %scan3A_59 step %scan3A_60 iter_args(%scan3A_65 = %scan3A_56) -> (i32)  : i32 {
      %mul3A_66 = arith.constant 2 : i32
      %mul3A_67 = arith.muli %scan3A_64, %mul3A_66 : i32
      %add3A_68 = arith.constant 0 : i32
      %add3A_69 = arith.addi %mul3A_67, %add3A_68 : i32
      %dma_wait3A = arith.constant 0 : i32
      %dma_wait3A_70 = arith.constant 0 : i32
      %dma_wait3A_71 = arith.constant 0 : i32
      %dma_wait3A_72 = tpu.memref_slice %arg9[%dma_wait3A, %dma_wait3A_70, %dma_wait3A_71] : memref<2x128x128xf32, #tpu.memory_space<vmem>> -> memref<1x128x128xf32, #tpu.memory_space<vmem>>
      %dma_wait3A_73 = tpu.memref_squeeze %dma_wait3A_72 : memref<1x128x128xf32, #tpu.memory_space<vmem>> -> memref<128x128xf32, #tpu.memory_space<vmem>>
      %dma_wait3A_74 = arith.constant 0 : i32
      %dma_wait3A_75 = arith.constant 0 : i32
      %dma_wait3A_76 = tpu.memref_slice %arg2[%dma_wait3A_74, %dma_wait3A_75] : memref<10240x128xf32, #tpu.memory_space<hbm>> -> memref<128x128xf32, #tpu.memory_space<hbm>>
      %dma_wait3A_77 = arith.constant 0 : i32
      %dma_wait3A_78 = arith.constant 0 : i32
      %dma_wait3A_79 = tpu.memref_slice %arg9[%dma_wait3A, %dma_wait3A_77, %dma_wait3A_78] : memref<2x128x128xf32, #tpu.memory_space<vmem>> -> memref<1x128x128xf32, #tpu.memory_space<vmem>>
      %dma_wait3A_80 = tpu.memref_squeeze %dma_wait3A_79 : memref<1x128x128xf32, #tpu.memory_space<vmem>> -> memref<128x128xf32, #tpu.memory_space<vmem>>
      %dma_wait3A_81 = arith.constant 0 : i32
      %dma_wait3A_82 = arith.constant 0 : i32
      %dma_wait3A_83 = tpu.memref_slice %arg2[%dma_wait3A_81, %dma_wait3A_82] : memref<10240x128xf32, #tpu.memory_space<hbm>> -> memref<128x128xf32, #tpu.memory_space<hbm>>
      tpu.wait_dma2 semaphore(%arg11 : memref<!tpu.dma_semaphore, #tpu.memory_space<semaphore_mem>>) src(%dma_wait3A_83 : memref<128x128xf32, #tpu.memory_space<hbm>>) dst(%dma_wait3A_80 : memref<128x128xf32, #tpu.memory_space<vmem>>)
      %run_scoped3A = arith.constant 0 : i32
      "tpu.region"() ({
        %run_scoped3A_116 = tpu.sem_alloc : memref<!tpu.dma_semaphore, #tpu.memory_space<semaphore_mem>>
        %dma_start3A_117 = arith.constant 0 : i32
        %dma_start3A_118 = arith.constant 0 : i32
        %dma_start3A_119 = tpu.memref_slice %arg9[%run_scoped3A, %dma_start3A_117, %dma_start3A_118] : memref<2x128x128xf32, #tpu.memory_space<vmem>> -> memref<1x128x128xf32, #tpu.memory_space<vmem>>
        %dma_start3A_120 = tpu.memref_squeeze %dma_start3A_119 : memref<1x128x128xf32, #tpu.memory_space<vmem>> -> memref<128x128xf32, #tpu.memory_space<vmem>>
        %dma_start3A_121 = arith.constant 0 : i32
        %dma_start3A_122 = tpu.memref_slice %arg8[%add3A_69, %dma_start3A_121] : memref<40x128xi32, #tpu.memory_space<vmem>> -> memref<1x128xi32, #tpu.memory_space<vmem>>
        %dma_start3A_123 = tpu.memref_squeeze %dma_start3A_122 : memref<1x128xi32, #tpu.memory_space<vmem>> -> memref<128xi32, #tpu.memory_space<vmem>>
        %dma_start3A_124 = arith.constant 0 : i32
        %dma_start3A_125 = arith.constant 0 : i32
        %dma_start3A_126 = tpu.memref_slice %arg10[%dma_start3A_124, %dma_start3A_125] : memref<10240x128xf32, #tpu.memory_space<vmem_shared>> -> memref<10240x128xf32, #tpu.memory_space<vmem_shared>>
        tpu.enqueue_indirect_dma source(%dma_start3A_120 : memref<128x128xf32, #tpu.memory_space<vmem>>) target(%dma_start3A_126 : memref<10240x128xf32, #tpu.memory_space<vmem_shared>>) offsets(%dma_start3A_123 : memref<128xi32, #tpu.memory_space<vmem>>) semaphore(%run_scoped3A_116 : memref<!tpu.dma_semaphore, #tpu.memory_space<semaphore_mem>>) {add = true}
        %dma_wait3A_127 = arith.constant 0 : i32
        %dma_wait3A_128 = arith.constant 0 : i32
        %dma_wait3A_129 = tpu.memref_slice %arg9[%run_scoped3A, %dma_wait3A_127, %dma_wait3A_128] : memref<2x128x128xf32, #tpu.memory_space<vmem>> -> memref<1x128x128xf32, #tpu.memory_space<vmem>>
        %dma_wait3A_130 = tpu.memref_squeeze %dma_wait3A_129 : memref<1x128x128xf32, #tpu.memory_space<vmem>> -> memref<128x128xf32, #tpu.memory_space<vmem>>
        %dma_wait3A_131 = arith.constant 0 : i32
        %dma_wait3A_132 = tpu.memref_slice %arg8[%add3A_69, %dma_wait3A_131] : memref<40x128xi32, #tpu.memory_space<vmem>> -> memref<1x128xi32, #tpu.memory_space<vmem>>
        %dma_wait3A_133 = tpu.memref_squeeze %dma_wait3A_132 : memref<1x128xi32, #tpu.memory_space<vmem>> -> memref<128xi32, #tpu.memory_space<vmem>>
        %dma_wait3A_134 = arith.constant 0 : i32
        %dma_wait3A_135 = arith.constant 0 : i32
        %dma_wait3A_136 = tpu.memref_slice %arg10[%dma_wait3A_134, %dma_wait3A_135] : memref<10240x128xf32, #tpu.memory_space<vmem_shared>> -> memref<10240x128xf32, #tpu.memory_space<vmem_shared>>
        tpu.wait_indirect_dma semaphore(%run_scoped3A_116 : memref<!tpu.dma_semaphore, #tpu.memory_space<semaphore_mem>>) src(%dma_wait3A_130 : memref<128x128xf32, #tpu.memory_space<vmem>>) dst(%dma_wait3A_136 : memref<10240x128xf32, #tpu.memory_space<vmem_shared>>)
        tpu.yield
      }) : () -> ()
      %add3A_84 = arith.constant 2 : i32
      %add3A_85 = arith.addi %add3A_69, %add3A_84 : i32
      %lt3A = arith.constant 40 : i32
      %lt3A_86 = arith.cmpi slt, %add3A_85, %lt3A : i32
      %convert_element_type3A = arith.extui %lt3A_86 : i1 to i32
      %cond3A = arith.constant 0 : i32
      %cond3A_87 = arith.cmpi ne, %convert_element_type3A, %cond3A : i32
      scf.if %cond3A_87 {
        %add3A_116 = arith.constant 2 : i32
        %add3A_117 = arith.addi %add3A_69, %add3A_116 : i32
        %dma_start3A_118 = arith.constant 0 : i32
        %dma_start3A_119 = arith.constant 0 : i32
        %dma_start3A_120 = arith.constant 0 : i32
        %dma_start3A_121 = tpu.memref_slice %arg9[%dma_start3A_118, %dma_start3A_119, %dma_start3A_120] : memref<2x128x128xf32, #tpu.memory_space<vmem>> -> memref<1x128x128xf32, #tpu.memory_space<vmem>>
        %dma_start3A_122 = tpu.memref_squeeze %dma_start3A_121 : memref<1x128x128xf32, #tpu.memory_space<vmem>> -> memref<128x128xf32, #tpu.memory_space<vmem>>
        %dma_start3A_123 = arith.constant 0 : i32
        %dma_start3A_124 = tpu.memref_slice %arg7[%add3A_117, %dma_start3A_123] : memref<40x128xi32, #tpu.memory_space<vmem>> -> memref<1x128xi32, #tpu.memory_space<vmem>>
        %dma_start3A_125 = tpu.memref_squeeze %dma_start3A_124 : memref<1x128xi32, #tpu.memory_space<vmem>> -> memref<128xi32, #tpu.memory_space<vmem>>
        %dma_start3A_126 = arith.constant 0 : i32
        %dma_start3A_127 = arith.constant 0 : i32
        %dma_start3A_128 = tpu.memref_slice %arg2[%dma_start3A_126, %dma_start3A_127] : memref<10240x128xf32, #tpu.memory_space<hbm>> -> memref<10240x128xf32, #tpu.memory_space<hbm>>
        tpu.enqueue_indirect_dma source(%dma_start3A_128 : memref<10240x128xf32, #tpu.memory_space<hbm>>) target(%dma_start3A_122 : memref<128x128xf32, #tpu.memory_space<vmem>>) offsets(%dma_start3A_125 : memref<128xi32, #tpu.memory_space<vmem>>) semaphore(%arg11 : memref<!tpu.dma_semaphore, #tpu.memory_space<semaphore_mem>>)
      } else {
      }
      %mul3A_88 = arith.constant 2 : i32
      %mul3A_89 = arith.muli %scan3A_64, %mul3A_88 : i32
      %add3A_90 = arith.constant 1 : i32
      %add3A_91 = arith.addi %mul3A_89, %add3A_90 : i32
      %dma_wait3A_92 = arith.constant 1 : i32
      %dma_wait3A_93 = arith.constant 0 : i32
      %dma_wait3A_94 = arith.constant 0 : i32
      %dma_wait3A_95 = tpu.memref_slice %arg9[%dma_wait3A_92, %dma_wait3A_93, %dma_wait3A_94] : memref<2x128x128xf32, #tpu.memory_space<vmem>> -> memref<1x128x128xf32, #tpu.memory_space<vmem>>
      %dma_wait3A_96 = tpu.memref_squeeze %dma_wait3A_95 : memref<1x128x128xf32, #tpu.memory_space<vmem>> -> memref<128x128xf32, #tpu.memory_space<vmem>>
      %dma_wait3A_97 = arith.constant 0 : i32
      %dma_wait3A_98 = arith.constant 0 : i32
      %dma_wait3A_99 = tpu.memref_slice %arg2[%dma_wait3A_97, %dma_wait3A_98] : memref<10240x128xf32, #tpu.memory_space<hbm>> -> memref<128x128xf32, #tpu.memory_space<hbm>>
      %dma_wait3A_100 = arith.constant 0 : i32
      %dma_wait3A_101 = arith.constant 0 : i32
      %dma_wait3A_102 = tpu.memref_slice %arg9[%dma_wait3A_92, %dma_wait3A_100, %dma_wait3A_101] : memref<2x128x128xf32, #tpu.memory_space<vmem>> -> memref<1x128x128xf32, #tpu.memory_space<vmem>>
      %dma_wait3A_103 = tpu.memref_squeeze %dma_wait3A_102 : memref<1x128x128xf32, #tpu.memory_space<vmem>> -> memref<128x128xf32, #tpu.memory_space<vmem>>
      %dma_wait3A_104 = arith.constant 0 : i32
      %dma_wait3A_105 = arith.constant 0 : i32
      %dma_wait3A_106 = tpu.memref_slice %arg2[%dma_wait3A_104, %dma_wait3A_105] : memref<10240x128xf32, #tpu.memory_space<hbm>> -> memref<128x128xf32, #tpu.memory_space<hbm>>
      tpu.wait_dma2 semaphore(%arg12 : memref<!tpu.dma_semaphore, #tpu.memory_space<semaphore_mem>>) src(%dma_wait3A_106 : memref<128x128xf32, #tpu.memory_space<hbm>>) dst(%dma_wait3A_103 : memref<128x128xf32, #tpu.memory_space<vmem>>)
      %run_scoped3A_107 = arith.constant 1 : i32
      "tpu.region"() ({
        %run_scoped3A_116 = tpu.sem_alloc : memref<!tpu.dma_semaphore, #tpu.memory_space<semaphore_mem>>
        %dma_start3A_117 = arith.constant 0 : i32
        %dma_start3A_118 = arith.constant 0 : i32
        %dma_start3A_119 = tpu.memref_slice %arg9[%run_scoped3A_107, %dma_start3A_117, %dma_start3A_118] : memref<2x128x128xf32, #tpu.memory_space<vmem>> -> memref<1x128x128xf32, #tpu.memory_space<vmem>>
        %dma_start3A_120 = tpu.memref_squeeze %dma_start3A_119 : memref<1x128x128xf32, #tpu.memory_space<vmem>> -> memref<128x128xf32, #tpu.memory_space<vmem>>
        %dma_start3A_121 = arith.constant 0 : i32
        %dma_start3A_122 = tpu.memref_slice %arg8[%add3A_91, %dma_start3A_121] : memref<40x128xi32, #tpu.memory_space<vmem>> -> memref<1x128xi32, #tpu.memory_space<vmem>>
        %dma_start3A_123 = tpu.memref_squeeze %dma_start3A_122 : memref<1x128xi32, #tpu.memory_space<vmem>> -> memref<128xi32, #tpu.memory_space<vmem>>
        %dma_start3A_124 = arith.constant 0 : i32
        %dma_start3A_125 = arith.constant 0 : i32
        %dma_start3A_126 = tpu.memref_slice %arg10[%dma_start3A_124, %dma_start3A_125] : memref<10240x128xf32, #tpu.memory_space<vmem_shared>> -> memref<10240x128xf32, #tpu.memory_space<vmem_shared>>
        tpu.enqueue_indirect_dma source(%dma_start3A_120 : memref<128x128xf32, #tpu.memory_space<vmem>>) target(%dma_start3A_126 : memref<10240x128xf32, #tpu.memory_space<vmem_shared>>) offsets(%dma_start3A_123 : memref<128xi32, #tpu.memory_space<vmem>>) semaphore(%run_scoped3A_116 : memref<!tpu.dma_semaphore, #tpu.memory_space<semaphore_mem>>) {add = true}
        %dma_wait3A_127 = arith.constant 0 : i32
        %dma_wait3A_128 = arith.constant 0 : i32
        %dma_wait3A_129 = tpu.memref_slice %arg9[%run_scoped3A_107, %dma_wait3A_127, %dma_wait3A_128] : memref<2x128x128xf32, #tpu.memory_space<vmem>> -> memref<1x128x128xf32, #tpu.memory_space<vmem>>
        %dma_wait3A_130 = tpu.memref_squeeze %dma_wait3A_129 : memref<1x128x128xf32, #tpu.memory_space<vmem>> -> memref<128x128xf32, #tpu.memory_space<vmem>>
        %dma_wait3A_131 = arith.constant 0 : i32
        %dma_wait3A_132 = tpu.memref_slice %arg8[%add3A_91, %dma_wait3A_131] : memref<40x128xi32, #tpu.memory_space<vmem>> -> memref<1x128xi32, #tpu.memory_space<vmem>>
        %dma_wait3A_133 = tpu.memref_squeeze %dma_wait3A_132 : memref<1x128xi32, #tpu.memory_space<vmem>> -> memref<128xi32, #tpu.memory_space<vmem>>
        %dma_wait3A_134 = arith.constant 0 : i32
        %dma_wait3A_135 = arith.constant 0 : i32
        %dma_wait3A_136 = tpu.memref_slice %arg10[%dma_wait3A_134, %dma_wait3A_135] : memref<10240x128xf32, #tpu.memory_space<vmem_shared>> -> memref<10240x128xf32, #tpu.memory_space<vmem_shared>>
        tpu.wait_indirect_dma semaphore(%run_scoped3A_116 : memref<!tpu.dma_semaphore, #tpu.memory_space<semaphore_mem>>) src(%dma_wait3A_130 : memref<128x128xf32, #tpu.memory_space<vmem>>) dst(%dma_wait3A_136 : memref<10240x128xf32, #tpu.memory_space<vmem_shared>>)
        tpu.yield
      }) : () -> ()
      %add3A_108 = arith.constant 2 : i32
      %add3A_109 = arith.addi %add3A_91, %add3A_108 : i32
      %lt3A_110 = arith.constant 40 : i32
      %lt3A_111 = arith.cmpi slt, %add3A_109, %lt3A_110 : i32
      %convert_element_type3A_112 = arith.extui %lt3A_111 : i1 to i32
      %cond3A_113 = arith.constant 0 : i32
      %cond3A_114 = arith.cmpi ne, %convert_element_type3A_112, %cond3A_113 : i32
      scf.if %cond3A_114 {
        %add3A_116 = arith.constant 2 : i32
        %add3A_117 = arith.addi %add3A_91, %add3A_116 : i32
        %dma_start3A_118 = arith.constant 1 : i32
        %dma_start3A_119 = arith.constant 0 : i32
        %dma_start3A_120 = arith.constant 0 : i32
        %dma_start3A_121 = tpu.memref_slice %arg9[%dma_start3A_118, %dma_start3A_119, %dma_start3A_120] : memref<2x128x128xf32, #tpu.memory_space<vmem>> -> memref<1x128x128xf32, #tpu.memory_space<vmem>>
        %dma_start3A_122 = tpu.memref_squeeze %dma_start3A_121 : memref<1x128x128xf32, #tpu.memory_space<vmem>> -> memref<128x128xf32, #tpu.memory_space<vmem>>
        %dma_start3A_123 = arith.constant 0 : i32
        %dma_start3A_124 = tpu.memref_slice %arg7[%add3A_117, %dma_start3A_123] : memref<40x128xi32, #tpu.memory_space<vmem>> -> memref<1x128xi32, #tpu.memory_space<vmem>>
        %dma_start3A_125 = tpu.memref_squeeze %dma_start3A_124 : memref<1x128xi32, #tpu.memory_space<vmem>> -> memref<128xi32, #tpu.memory_space<vmem>>
        %dma_start3A_126 = arith.constant 0 : i32
        %dma_start3A_127 = arith.constant 0 : i32
        %dma_start3A_128 = tpu.memref_slice %arg2[%dma_start3A_126, %dma_start3A_127] : memref<10240x128xf32, #tpu.memory_space<hbm>> -> memref<10240x128xf32, #tpu.memory_space<hbm>>
        tpu.enqueue_indirect_dma source(%dma_start3A_128 : memref<10240x128xf32, #tpu.memory_space<hbm>>) target(%dma_start3A_122 : memref<128x128xf32, #tpu.memory_space<vmem>>) offsets(%dma_start3A_125 : memref<128xi32, #tpu.memory_space<vmem>>) semaphore(%arg12 : memref<!tpu.dma_semaphore, #tpu.memory_space<semaphore_mem>>)
      } else {
      }
      %scan3A_115 = arith.constant 0 : i32
      scf.yield %scan3A_115 : i32
    }
    %scan3A_62 = arith.constant 20 : i32
    %barrier3A_63 = arith.constant 0 : index
    tpu.barrier barrier_id(%barrier3A_63)
    "tpu.region"() ({
      %run_scoped3A = tpu.sem_alloc : memref<!tpu.dma_semaphore, #tpu.memory_space<semaphore_mem>>
      %dma_start3A_64 = arith.constant 0 : i32
      %dma_start3A_65 = tpu.memref_slice %arg6[%arg0, %mul3A_0, %dma_start3A_64] : memref<2x10240x128xf32, #tpu.memory_space<hbm>> -> memref<1x640x128xf32, #tpu.memory_space<hbm>>
      %dma_start3A_66 = tpu.memref_squeeze %dma_start3A_65 : memref<1x640x128xf32, #tpu.memory_space<hbm>> -> memref<640x128xf32, #tpu.memory_space<hbm>>
      %dma_start3A_67 = arith.constant 0 : i32
      %dma_start3A_68 = tpu.memref_slice %arg10[%mul3A_0, %dma_start3A_67] : memref<10240x128xf32, #tpu.memory_space<vmem_shared>> -> memref<640x128xf32, #tpu.memory_space<vmem_shared>>
      tpu.enqueue_dma source(%dma_start3A_68 : memref<640x128xf32, #tpu.memory_space<vmem_shared>>) target(%dma_start3A_66 : memref<640x128xf32, #tpu.memory_space<hbm>>) target_semaphore(%run_scoped3A : memref<!tpu.dma_semaphore, #tpu.memory_space<semaphore_mem>>)
      %dma_wait3A = arith.constant 0 : i32
      %dma_wait3A_69 = tpu.memref_slice %arg6[%arg0, %mul3A_0, %dma_wait3A] : memref<2x10240x128xf32, #tpu.memory_space<hbm>> -> memref<1x640x128xf32, #tpu.memory_space<hbm>>
      %dma_wait3A_70 = tpu.memref_squeeze %dma_wait3A_69 : memref<1x640x128xf32, #tpu.memory_space<hbm>> -> memref<640x128xf32, #tpu.memory_space<hbm>>
      %dma_wait3A_71 = arith.constant 0 : i32
      %dma_wait3A_72 = tpu.memref_slice %arg10[%mul3A_0, %dma_wait3A_71] : memref<10240x128xf32, #tpu.memory_space<vmem_shared>> -> memref<640x128xf32, #tpu.memory_space<vmem_shared>>
      tpu.wait_dma2 semaphore(%run_scoped3A : memref<!tpu.dma_semaphore, #tpu.memory_space<semaphore_mem>>) src(%dma_wait3A_72 : memref<640x128xf32, #tpu.memory_space<vmem_shared>>) dst(%dma_wait3A_70 : memref<640x128xf32, #tpu.memory_space<hbm>>)
      tpu.yield
    }) : () -> ()
    return
  }
}

#map = affine_map<(d0, d1) -> (0, 0)>
#map1 = affine_map<(d0, d1) -> (0, 0, 0)>
module attributes {stable_mosaic.version = 14 : i64} {
  func.func @k(%arg0: i32, %arg1: i32, %arg2: memref<10240x128xf32, #tpu.memory_space<hbm>>, %arg3: memref<32x80x128xi32, #tpu.memory_space<hbm>>, %arg4: memref<32x80x128xi32, #tpu.memory_space<hbm>>, %arg5: memref<640x128xf32, #tpu.memory_space<hbm>>, %arg6: memref<2x10240x128xf32, #tpu.memory_space<hbm>>, %arg7: memref<40x128xi32, #tpu.memory_space<vmem>>, %arg8: memref<40x128xi32, #tpu.memory_space<vmem>>, %arg9: memref<2x128x128xf32, #tpu.memory_space<vmem>>, %arg10: memref<10240x128xf32, #tpu.memory_space<vmem_shared>>, %arg11: memref<!tpu.dma_semaphore, #tpu.memory_space<semaphore_mem>>, %arg12: memref<!tpu.dma_semaphore, #tpu.memory_space<semaphore_mem>>) attributes {dimension_semantics = [#tpu.dimension_semantics<core_parallel>, #tpu.dimension_semantics<subcore_parallel>], iteration_bounds = array<i64: 2, 16>, scalar_prefetch = 0 : i64, scratch_operands = 6 : i64, tpu.core_type = #tpu.core_type<sc_vector_subcore>, window_params = [{transform_indices = #map}, {transform_indices = #map1}, {transform_indices = #map1}, {transform_indices = #map}, {transform_indices = #map1}]} {
    %mul3A = arith.constant 640 : i32
    %mul3A_0 = arith.muli %arg1, %mul3A : i32
    %mul3A_1 = arith.constant 2 : i32
    %mul3A_2 = arith.muli %arg1, %mul3A_1 : i32
    %add3A = arith.addi %mul3A_2, %arg0 : i32
    "tpu.region"() ({
      %run_scoped3A = tpu.sem_alloc : memref<!tpu.dma_semaphore, #tpu.memory_space<semaphore_mem>>
      %dma_start3A_64 = arith.constant 0 : i32
      %dma_start3A_65 = tpu.memref_slice %arg10[%mul3A_0, %dma_start3A_64] : memref<10240x128xf32, #tpu.memory_space<vmem_shared>> -> memref<640x128xf32, #tpu.memory_space<vmem_shared>>
      tpu.enqueue_dma source(%arg5 : memref<640x128xf32, #tpu.memory_space<hbm>>) target(%dma_start3A_65 : memref<640x128xf32, #tpu.memory_space<vmem_shared>>) target_semaphore(%run_scoped3A : memref<!tpu.dma_semaphore, #tpu.memory_space<semaphore_mem>>)
      %dma_wait3A = arith.constant 0 : i32
      %dma_wait3A_66 = tpu.memref_slice %arg10[%mul3A_0, %dma_wait3A] : memref<10240x128xf32, #tpu.memory_space<vmem_shared>> -> memref<640x128xf32, #tpu.memory_space<vmem_shared>>
      tpu.wait_dma2 semaphore(%run_scoped3A : memref<!tpu.dma_semaphore, #tpu.memory_space<semaphore_mem>>) src(%arg5 : memref<640x128xf32, #tpu.memory_space<hbm>>) dst(%dma_wait3A_66 : memref<640x128xf32, #tpu.memory_space<vmem_shared>>)
      tpu.yield
    }) : () -> ()
    %barrier3A = arith.constant 0 : index
    tpu.barrier barrier_id(%barrier3A)
    "tpu.region"() ({
      %run_scoped3A = tpu.sem_alloc : memref<!tpu.dma_semaphore, #tpu.memory_space<semaphore_mem>>
      %dma_start3A_64 = arith.constant 0 : i32
      %dma_start3A_65 = arith.constant 0 : i32
      %dma_start3A_66 = tpu.memref_slice %arg3[%add3A, %dma_start3A_64, %dma_start3A_65] : memref<32x80x128xi32, #tpu.memory_space<hbm>> -> memref<1x40x128xi32, #tpu.memory_space<hbm>>
      %dma_start3A_67 = tpu.memref_squeeze %dma_start3A_66 : memref<1x40x128xi32, #tpu.memory_space<hbm>> -> memref<40x128xi32, #tpu.memory_space<hbm>>
      %dma_start3A_68 = arith.constant 0 : i32
      %dma_start3A_69 = arith.constant 0 : i32
      %dma_start3A_70 = tpu.memref_slice %arg3[%add3A, %dma_start3A_68, %dma_start3A_69] : memref<32x80x128xi32, #tpu.memory_space<hbm>> -> memref<1x40x128xi32, #tpu.memory_space<hbm>>
      %dma_start3A_71 = tpu.memref_squeeze %dma_start3A_70 : memref<1x40x128xi32, #tpu.memory_space<hbm>> -> memref<40x128xi32, #tpu.memory_space<hbm>>
      tpu.enqueue_dma source(%dma_start3A_71 : memref<40x128xi32, #tpu.memory_space<hbm>>) target(%arg7 : memref<40x128xi32, #tpu.memory_space<vmem>>) target_semaphore(%run_scoped3A : memref<!tpu.dma_semaphore, #tpu.memory_space<semaphore_mem>>)
      %dma_wait3A = arith.constant 0 : i32
      %dma_wait3A_72 = arith.constant 0 : i32
      %dma_wait3A_73 = tpu.memref_slice %arg3[%add3A, %dma_wait3A, %dma_wait3A_72] : memref<32x80x128xi32, #tpu.memory_space<hbm>> -> memref<1x40x128xi32, #tpu.memory_space<hbm>>
      %dma_wait3A_74 = tpu.memref_squeeze %dma_wait3A_73 : memref<1x40x128xi32, #tpu.memory_space<hbm>> -> memref<40x128xi32, #tpu.memory_space<hbm>>
      %dma_wait3A_75 = arith.constant 0 : i32
      %dma_wait3A_76 = arith.constant 0 : i32
      %dma_wait3A_77 = tpu.memref_slice %arg3[%add3A, %dma_wait3A_75, %dma_wait3A_76] : memref<32x80x128xi32, #tpu.memory_space<hbm>> -> memref<1x40x128xi32, #tpu.memory_space<hbm>>
      %dma_wait3A_78 = tpu.memref_squeeze %dma_wait3A_77 : memref<1x40x128xi32, #tpu.memory_space<hbm>> -> memref<40x128xi32, #tpu.memory_space<hbm>>
      tpu.wait_dma2 semaphore(%run_scoped3A : memref<!tpu.dma_semaphore, #tpu.memory_space<semaphore_mem>>) src(%dma_wait3A_78 : memref<40x128xi32, #tpu.memory_space<hbm>>) dst(%arg7 : memref<40x128xi32, #tpu.memory_space<vmem>>)
      tpu.yield
    }) : () -> ()
    "tpu.region"() ({
      %run_scoped3A = tpu.sem_alloc : memref<!tpu.dma_semaphore, #tpu.memory_space<semaphore_mem>>
      %dma_start3A_64 = arith.constant 0 : i32
      %dma_start3A_65 = arith.constant 0 : i32
      %dma_start3A_66 = tpu.memref_slice %arg4[%add3A, %dma_start3A_64, %dma_start3A_65] : memref<32x80x128xi32, #tpu.memory_space<hbm>> -> memref<1x40x128xi32, #tpu.memory_space<hbm>>
      %dma_start3A_67 = tpu.memref_squeeze %dma_start3A_66 : memref<1x40x128xi32, #tpu.memory_space<hbm>> -> memref<40x128xi32, #tpu.memory_space<hbm>>
      %dma_start3A_68 = arith.constant 0 : i32
      %dma_start3A_69 = arith.constant 0 : i32
      %dma_start3A_70 = tpu.memref_slice %arg4[%add3A, %dma_start3A_68, %dma_start3A_69] : memref<32x80x128xi32, #tpu.memory_space<hbm>> -> memref<1x40x128xi32, #tpu.memory_space<hbm>>
      %dma_start3A_71 = tpu.memref_squeeze %dma_start3A_70 : memref<1x40x128xi32, #tpu.memory_space<hbm>> -> memref<40x128xi32, #tpu.memory_space<hbm>>
      tpu.enqueue_dma source(%dma_start3A_71 : memref<40x128xi32, #tpu.memory_space<hbm>>) target(%arg8 : memref<40x128xi32, #tpu.memory_space<vmem>>) target_semaphore(%run_scoped3A : memref<!tpu.dma_semaphore, #tpu.memory_space<semaphore_mem>>)
      %dma_wait3A = arith.constant 0 : i32
      %dma_wait3A_72 = arith.constant 0 : i32
      %dma_wait3A_73 = tpu.memref_slice %arg4[%add3A, %dma_wait3A, %dma_wait3A_72] : memref<32x80x128xi32, #tpu.memory_space<hbm>> -> memref<1x40x128xi32, #tpu.memory_space<hbm>>
      %dma_wait3A_74 = tpu.memref_squeeze %dma_wait3A_73 : memref<1x40x128xi32, #tpu.memory_space<hbm>> -> memref<40x128xi32, #tpu.memory_space<hbm>>
      %dma_wait3A_75 = arith.constant 0 : i32
      %dma_wait3A_76 = arith.constant 0 : i32
      %dma_wait3A_77 = tpu.memref_slice %arg4[%add3A, %dma_wait3A_75, %dma_wait3A_76] : memref<32x80x128xi32, #tpu.memory_space<hbm>> -> memref<1x40x128xi32, #tpu.memory_space<hbm>>
      %dma_wait3A_78 = tpu.memref_squeeze %dma_wait3A_77 : memref<1x40x128xi32, #tpu.memory_space<hbm>> -> memref<40x128xi32, #tpu.memory_space<hbm>>
      tpu.wait_dma2 semaphore(%run_scoped3A : memref<!tpu.dma_semaphore, #tpu.memory_space<semaphore_mem>>) src(%dma_wait3A_78 : memref<40x128xi32, #tpu.memory_space<hbm>>) dst(%arg8 : memref<40x128xi32, #tpu.memory_space<vmem>>)
      tpu.yield
    }) : () -> ()
    %dma_start3A = arith.constant 0 : i32
    %dma_start3A_3 = arith.constant 0 : i32
    %dma_start3A_4 = arith.constant 0 : i32
    %dma_start3A_5 = arith.constant 0 : i32
    %dma_start3A_6 = tpu.memref_slice %arg9[%dma_start3A_3, %dma_start3A_4, %dma_start3A_5] : memref<2x128x128xf32, #tpu.memory_space<vmem>> -> memref<1x128x128xf32, #tpu.memory_space<vmem>>
    %dma_start3A_7 = tpu.memref_squeeze %dma_start3A_6 : memref<1x128x128xf32, #tpu.memory_space<vmem>> -> memref<128x128xf32, #tpu.memory_space<vmem>>
    %dma_start3A_8 = arith.constant 0 : i32
    %dma_start3A_9 = tpu.memref_slice %arg7[%dma_start3A, %dma_start3A_8] : memref<40x128xi32, #tpu.memory_space<vmem>> -> memref<1x128xi32, #tpu.memory_space<vmem>>
    %dma_start3A_10 = tpu.memref_squeeze %dma_start3A_9 : memref<1x128xi32, #tpu.memory_space<vmem>> -> memref<128xi32, #tpu.memory_space<vmem>>
    %dma_start3A_11 = arith.constant 0 : i32
    %dma_start3A_12 = arith.constant 0 : i32
    %dma_start3A_13 = tpu.memref_slice %arg2[%dma_start3A_11, %dma_start3A_12] : memref<10240x128xf32, #tpu.memory_space<hbm>> -> memref<10240x128xf32, #tpu.memory_space<hbm>>
    tpu.enqueue_indirect_dma source(%dma_start3A_13 : memref<10240x128xf32, #tpu.memory_space<hbm>>) target(%dma_start3A_7 : memref<128x128xf32, #tpu.memory_space<vmem>>) offsets(%dma_start3A_10 : memref<128xi32, #tpu.memory_space<vmem>>) semaphore(%arg11 : memref<!tpu.dma_semaphore, #tpu.memory_space<semaphore_mem>>)
    %dma_start3A_14 = arith.constant 1 : i32
    %dma_start3A_15 = arith.constant 1 : i32
    %dma_start3A_16 = arith.constant 0 : i32
    %dma_start3A_17 = arith.constant 0 : i32
    %dma_start3A_18 = tpu.memref_slice %arg9[%dma_start3A_15, %dma_start3A_16, %dma_start3A_17] : memref<2x128x128xf32, #tpu.memory_space<vmem>> -> memref<1x128x128xf32, #tpu.memory_space<vmem>>
    %dma_start3A_19 = tpu.memref_squeeze %dma_start3A_18 : memref<1x128x128xf32, #tpu.memory_space<vmem>> -> memref<128x128xf32, #tpu.memory_space<vmem>>
    %dma_start3A_20 = arith.constant 0 : i32
    %dma_start3A_21 = tpu.memref_slice %arg7[%dma_start3A_14, %dma_start3A_20] : memref<40x128xi32, #tpu.memory_space<vmem>> -> memref<1x128xi32, #tpu.memory_space<vmem>>
    %dma_start3A_22 = tpu.memref_squeeze %dma_start3A_21 : memref<1x128xi32, #tpu.memory_space<vmem>> -> memref<128xi32, #tpu.memory_space<vmem>>
    %dma_start3A_23 = arith.constant 0 : i32
    %dma_start3A_24 = arith.constant 0 : i32
    %dma_start3A_25 = tpu.memref_slice %arg2[%dma_start3A_23, %dma_start3A_24] : memref<10240x128xf32, #tpu.memory_space<hbm>> -> memref<10240x128xf32, #tpu.memory_space<hbm>>
    tpu.enqueue_indirect_dma source(%dma_start3A_25 : memref<10240x128xf32, #tpu.memory_space<hbm>>) target(%dma_start3A_19 : memref<128x128xf32, #tpu.memory_space<vmem>>) offsets(%dma_start3A_22 : memref<128xi32, #tpu.memory_space<vmem>>) semaphore(%arg12 : memref<!tpu.dma_semaphore, #tpu.memory_space<semaphore_mem>>)
    %scan3A = arith.constant 0 : i32
    %scan3A_26 = arith.constant 0 : i32
    %scan3A_27 = arith.constant 20 : i32
    %scan3A_28 = arith.addi %scan3A_26, %scan3A_27 : i32
    %scan3A_29 = arith.constant 1 : i32
    %scan3A_30 = scf.for %scan3A_64 = %scan3A_26 to %scan3A_28 step %scan3A_29 iter_args(%scan3A_65 = %scan3A) -> (i32)  : i32 {
      %mul3A_66 = arith.constant 2 : i32
      %mul3A_67 = arith.muli %scan3A_64, %mul3A_66 : i32
      %add3A_68 = arith.constant 0 : i32
      %add3A_69 = arith.addi %mul3A_67, %add3A_68 : i32
      %dma_wait3A = arith.constant 0 : i32
      %dma_wait3A_70 = arith.constant 0 : i32
      %dma_wait3A_71 = arith.constant 0 : i32
      %dma_wait3A_72 = tpu.memref_slice %arg9[%dma_wait3A, %dma_wait3A_70, %dma_wait3A_71] : memref<2x128x128xf32, #tpu.memory_space<vmem>> -> memref<1x128x128xf32, #tpu.memory_space<vmem>>
      %dma_wait3A_73 = tpu.memref_squeeze %dma_wait3A_72 : memref<1x128x128xf32, #tpu.memory_space<vmem>> -> memref<128x128xf32, #tpu.memory_space<vmem>>
      %dma_wait3A_74 = arith.constant 0 : i32
      %dma_wait3A_75 = arith.constant 0 : i32
      %dma_wait3A_76 = tpu.memref_slice %arg2[%dma_wait3A_74, %dma_wait3A_75] : memref<10240x128xf32, #tpu.memory_space<hbm>> -> memref<128x128xf32, #tpu.memory_space<hbm>>
      %dma_wait3A_77 = arith.constant 0 : i32
      %dma_wait3A_78 = arith.constant 0 : i32
      %dma_wait3A_79 = tpu.memref_slice %arg9[%dma_wait3A, %dma_wait3A_77, %dma_wait3A_78] : memref<2x128x128xf32, #tpu.memory_space<vmem>> -> memref<1x128x128xf32, #tpu.memory_space<vmem>>
      %dma_wait3A_80 = tpu.memref_squeeze %dma_wait3A_79 : memref<1x128x128xf32, #tpu.memory_space<vmem>> -> memref<128x128xf32, #tpu.memory_space<vmem>>
      %dma_wait3A_81 = arith.constant 0 : i32
      %dma_wait3A_82 = arith.constant 0 : i32
      %dma_wait3A_83 = tpu.memref_slice %arg2[%dma_wait3A_81, %dma_wait3A_82] : memref<10240x128xf32, #tpu.memory_space<hbm>> -> memref<128x128xf32, #tpu.memory_space<hbm>>
      tpu.wait_dma2 semaphore(%arg11 : memref<!tpu.dma_semaphore, #tpu.memory_space<semaphore_mem>>) src(%dma_wait3A_83 : memref<128x128xf32, #tpu.memory_space<hbm>>) dst(%dma_wait3A_80 : memref<128x128xf32, #tpu.memory_space<vmem>>)
      %run_scoped3A = arith.constant 0 : i32
      "tpu.region"() ({
        %run_scoped3A_116 = tpu.sem_alloc : memref<!tpu.dma_semaphore, #tpu.memory_space<semaphore_mem>>
        %dma_start3A_117 = arith.constant 0 : i32
        %dma_start3A_118 = arith.constant 0 : i32
        %dma_start3A_119 = tpu.memref_slice %arg9[%run_scoped3A, %dma_start3A_117, %dma_start3A_118] : memref<2x128x128xf32, #tpu.memory_space<vmem>> -> memref<1x128x128xf32, #tpu.memory_space<vmem>>
        %dma_start3A_120 = tpu.memref_squeeze %dma_start3A_119 : memref<1x128x128xf32, #tpu.memory_space<vmem>> -> memref<128x128xf32, #tpu.memory_space<vmem>>
        %dma_start3A_121 = arith.constant 0 : i32
        %dma_start3A_122 = tpu.memref_slice %arg8[%add3A_69, %dma_start3A_121] : memref<40x128xi32, #tpu.memory_space<vmem>> -> memref<1x128xi32, #tpu.memory_space<vmem>>
        %dma_start3A_123 = tpu.memref_squeeze %dma_start3A_122 : memref<1x128xi32, #tpu.memory_space<vmem>> -> memref<128xi32, #tpu.memory_space<vmem>>
        %dma_start3A_124 = arith.constant 0 : i32
        %dma_start3A_125 = arith.constant 0 : i32
        %dma_start3A_126 = tpu.memref_slice %arg10[%dma_start3A_124, %dma_start3A_125] : memref<10240x128xf32, #tpu.memory_space<vmem_shared>> -> memref<10240x128xf32, #tpu.memory_space<vmem_shared>>
        tpu.enqueue_indirect_dma source(%dma_start3A_120 : memref<128x128xf32, #tpu.memory_space<vmem>>) target(%dma_start3A_126 : memref<10240x128xf32, #tpu.memory_space<vmem_shared>>) offsets(%dma_start3A_123 : memref<128xi32, #tpu.memory_space<vmem>>) semaphore(%run_scoped3A_116 : memref<!tpu.dma_semaphore, #tpu.memory_space<semaphore_mem>>) {add = true}
        %dma_wait3A_127 = arith.constant 0 : i32
        %dma_wait3A_128 = arith.constant 0 : i32
        %dma_wait3A_129 = tpu.memref_slice %arg9[%run_scoped3A, %dma_wait3A_127, %dma_wait3A_128] : memref<2x128x128xf32, #tpu.memory_space<vmem>> -> memref<1x128x128xf32, #tpu.memory_space<vmem>>
        %dma_wait3A_130 = tpu.memref_squeeze %dma_wait3A_129 : memref<1x128x128xf32, #tpu.memory_space<vmem>> -> memref<128x128xf32, #tpu.memory_space<vmem>>
        %dma_wait3A_131 = arith.constant 0 : i32
        %dma_wait3A_132 = tpu.memref_slice %arg8[%add3A_69, %dma_wait3A_131] : memref<40x128xi32, #tpu.memory_space<vmem>> -> memref<1x128xi32, #tpu.memory_space<vmem>>
        %dma_wait3A_133 = tpu.memref_squeeze %dma_wait3A_132 : memref<1x128xi32, #tpu.memory_space<vmem>> -> memref<128xi32, #tpu.memory_space<vmem>>
        %dma_wait3A_134 = arith.constant 0 : i32
        %dma_wait3A_135 = arith.constant 0 : i32
        %dma_wait3A_136 = tpu.memref_slice %arg10[%dma_wait3A_134, %dma_wait3A_135] : memref<10240x128xf32, #tpu.memory_space<vmem_shared>> -> memref<10240x128xf32, #tpu.memory_space<vmem_shared>>
        tpu.wait_indirect_dma semaphore(%run_scoped3A_116 : memref<!tpu.dma_semaphore, #tpu.memory_space<semaphore_mem>>) src(%dma_wait3A_130 : memref<128x128xf32, #tpu.memory_space<vmem>>) dst(%dma_wait3A_136 : memref<10240x128xf32, #tpu.memory_space<vmem_shared>>)
        tpu.yield
      }) : () -> ()
      %add3A_84 = arith.constant 2 : i32
      %add3A_85 = arith.addi %add3A_69, %add3A_84 : i32
      %lt3A = arith.constant 40 : i32
      %lt3A_86 = arith.cmpi slt, %add3A_85, %lt3A : i32
      %convert_element_type3A = arith.extui %lt3A_86 : i1 to i32
      %cond3A = arith.constant 0 : i32
      %cond3A_87 = arith.cmpi ne, %convert_element_type3A, %cond3A : i32
      scf.if %cond3A_87 {
        %add3A_116 = arith.constant 2 : i32
        %add3A_117 = arith.addi %add3A_69, %add3A_116 : i32
        %dma_start3A_118 = arith.constant 0 : i32
        %dma_start3A_119 = arith.constant 0 : i32
        %dma_start3A_120 = arith.constant 0 : i32
        %dma_start3A_121 = tpu.memref_slice %arg9[%dma_start3A_118, %dma_start3A_119, %dma_start3A_120] : memref<2x128x128xf32, #tpu.memory_space<vmem>> -> memref<1x128x128xf32, #tpu.memory_space<vmem>>
        %dma_start3A_122 = tpu.memref_squeeze %dma_start3A_121 : memref<1x128x128xf32, #tpu.memory_space<vmem>> -> memref<128x128xf32, #tpu.memory_space<vmem>>
        %dma_start3A_123 = arith.constant 0 : i32
        %dma_start3A_124 = tpu.memref_slice %arg7[%add3A_117, %dma_start3A_123] : memref<40x128xi32, #tpu.memory_space<vmem>> -> memref<1x128xi32, #tpu.memory_space<vmem>>
        %dma_start3A_125 = tpu.memref_squeeze %dma_start3A_124 : memref<1x128xi32, #tpu.memory_space<vmem>> -> memref<128xi32, #tpu.memory_space<vmem>>
        %dma_start3A_126 = arith.constant 0 : i32
        %dma_start3A_127 = arith.constant 0 : i32
        %dma_start3A_128 = tpu.memref_slice %arg2[%dma_start3A_126, %dma_start3A_127] : memref<10240x128xf32, #tpu.memory_space<hbm>> -> memref<10240x128xf32, #tpu.memory_space<hbm>>
        tpu.enqueue_indirect_dma source(%dma_start3A_128 : memref<10240x128xf32, #tpu.memory_space<hbm>>) target(%dma_start3A_122 : memref<128x128xf32, #tpu.memory_space<vmem>>) offsets(%dma_start3A_125 : memref<128xi32, #tpu.memory_space<vmem>>) semaphore(%arg11 : memref<!tpu.dma_semaphore, #tpu.memory_space<semaphore_mem>>)
      } else {
      }
      %mul3A_88 = arith.constant 2 : i32
      %mul3A_89 = arith.muli %scan3A_64, %mul3A_88 : i32
      %add3A_90 = arith.constant 1 : i32
      %add3A_91 = arith.addi %mul3A_89, %add3A_90 : i32
      %dma_wait3A_92 = arith.constant 1 : i32
      %dma_wait3A_93 = arith.constant 0 : i32
      %dma_wait3A_94 = arith.constant 0 : i32
      %dma_wait3A_95 = tpu.memref_slice %arg9[%dma_wait3A_92, %dma_wait3A_93, %dma_wait3A_94] : memref<2x128x128xf32, #tpu.memory_space<vmem>> -> memref<1x128x128xf32, #tpu.memory_space<vmem>>
      %dma_wait3A_96 = tpu.memref_squeeze %dma_wait3A_95 : memref<1x128x128xf32, #tpu.memory_space<vmem>> -> memref<128x128xf32, #tpu.memory_space<vmem>>
      %dma_wait3A_97 = arith.constant 0 : i32
      %dma_wait3A_98 = arith.constant 0 : i32
      %dma_wait3A_99 = tpu.memref_slice %arg2[%dma_wait3A_97, %dma_wait3A_98] : memref<10240x128xf32, #tpu.memory_space<hbm>> -> memref<128x128xf32, #tpu.memory_space<hbm>>
      %dma_wait3A_100 = arith.constant 0 : i32
      %dma_wait3A_101 = arith.constant 0 : i32
      %dma_wait3A_102 = tpu.memref_slice %arg9[%dma_wait3A_92, %dma_wait3A_100, %dma_wait3A_101] : memref<2x128x128xf32, #tpu.memory_space<vmem>> -> memref<1x128x128xf32, #tpu.memory_space<vmem>>
      %dma_wait3A_103 = tpu.memref_squeeze %dma_wait3A_102 : memref<1x128x128xf32, #tpu.memory_space<vmem>> -> memref<128x128xf32, #tpu.memory_space<vmem>>
      %dma_wait3A_104 = arith.constant 0 : i32
      %dma_wait3A_105 = arith.constant 0 : i32
      %dma_wait3A_106 = tpu.memref_slice %arg2[%dma_wait3A_104, %dma_wait3A_105] : memref<10240x128xf32, #tpu.memory_space<hbm>> -> memref<128x128xf32, #tpu.memory_space<hbm>>
      tpu.wait_dma2 semaphore(%arg12 : memref<!tpu.dma_semaphore, #tpu.memory_space<semaphore_mem>>) src(%dma_wait3A_106 : memref<128x128xf32, #tpu.memory_space<hbm>>) dst(%dma_wait3A_103 : memref<128x128xf32, #tpu.memory_space<vmem>>)
      %run_scoped3A_107 = arith.constant 1 : i32
      "tpu.region"() ({
        %run_scoped3A_116 = tpu.sem_alloc : memref<!tpu.dma_semaphore, #tpu.memory_space<semaphore_mem>>
        %dma_start3A_117 = arith.constant 0 : i32
        %dma_start3A_118 = arith.constant 0 : i32
        %dma_start3A_119 = tpu.memref_slice %arg9[%run_scoped3A_107, %dma_start3A_117, %dma_start3A_118] : memref<2x128x128xf32, #tpu.memory_space<vmem>> -> memref<1x128x128xf32, #tpu.memory_space<vmem>>
        %dma_start3A_120 = tpu.memref_squeeze %dma_start3A_119 : memref<1x128x128xf32, #tpu.memory_space<vmem>> -> memref<128x128xf32, #tpu.memory_space<vmem>>
        %dma_start3A_121 = arith.constant 0 : i32
        %dma_start3A_122 = tpu.memref_slice %arg8[%add3A_91, %dma_start3A_121] : memref<40x128xi32, #tpu.memory_space<vmem>> -> memref<1x128xi32, #tpu.memory_space<vmem>>
        %dma_start3A_123 = tpu.memref_squeeze %dma_start3A_122 : memref<1x128xi32, #tpu.memory_space<vmem>> -> memref<128xi32, #tpu.memory_space<vmem>>
        %dma_start3A_124 = arith.constant 0 : i32
        %dma_start3A_125 = arith.constant 0 : i32
        %dma_start3A_126 = tpu.memref_slice %arg10[%dma_start3A_124, %dma_start3A_125] : memref<10240x128xf32, #tpu.memory_space<vmem_shared>> -> memref<10240x128xf32, #tpu.memory_space<vmem_shared>>
        tpu.enqueue_indirect_dma source(%dma_start3A_120 : memref<128x128xf32, #tpu.memory_space<vmem>>) target(%dma_start3A_126 : memref<10240x128xf32, #tpu.memory_space<vmem_shared>>) offsets(%dma_start3A_123 : memref<128xi32, #tpu.memory_space<vmem>>) semaphore(%run_scoped3A_116 : memref<!tpu.dma_semaphore, #tpu.memory_space<semaphore_mem>>) {add = true}
        %dma_wait3A_127 = arith.constant 0 : i32
        %dma_wait3A_128 = arith.constant 0 : i32
        %dma_wait3A_129 = tpu.memref_slice %arg9[%run_scoped3A_107, %dma_wait3A_127, %dma_wait3A_128] : memref<2x128x128xf32, #tpu.memory_space<vmem>> -> memref<1x128x128xf32, #tpu.memory_space<vmem>>
        %dma_wait3A_130 = tpu.memref_squeeze %dma_wait3A_129 : memref<1x128x128xf32, #tpu.memory_space<vmem>> -> memref<128x128xf32, #tpu.memory_space<vmem>>
        %dma_wait3A_131 = arith.constant 0 : i32
        %dma_wait3A_132 = tpu.memref_slice %arg8[%add3A_91, %dma_wait3A_131] : memref<40x128xi32, #tpu.memory_space<vmem>> -> memref<1x128xi32, #tpu.memory_space<vmem>>
        %dma_wait3A_133 = tpu.memref_squeeze %dma_wait3A_132 : memref<1x128xi32, #tpu.memory_space<vmem>> -> memref<128xi32, #tpu.memory_space<vmem>>
        %dma_wait3A_134 = arith.constant 0 : i32
        %dma_wait3A_135 = arith.constant 0 : i32
        %dma_wait3A_136 = tpu.memref_slice %arg10[%dma_wait3A_134, %dma_wait3A_135] : memref<10240x128xf32, #tpu.memory_space<vmem_shared>> -> memref<10240x128xf32, #tpu.memory_space<vmem_shared>>
        tpu.wait_indirect_dma semaphore(%run_scoped3A_116 : memref<!tpu.dma_semaphore, #tpu.memory_space<semaphore_mem>>) src(%dma_wait3A_130 : memref<128x128xf32, #tpu.memory_space<vmem>>) dst(%dma_wait3A_136 : memref<10240x128xf32, #tpu.memory_space<vmem_shared>>)
        tpu.yield
      }) : () -> ()
      %add3A_108 = arith.constant 2 : i32
      %add3A_109 = arith.addi %add3A_91, %add3A_108 : i32
      %lt3A_110 = arith.constant 40 : i32
      %lt3A_111 = arith.cmpi slt, %add3A_109, %lt3A_110 : i32
      %convert_element_type3A_112 = arith.extui %lt3A_111 : i1 to i32
      %cond3A_113 = arith.constant 0 : i32
      %cond3A_114 = arith.cmpi ne, %convert_element_type3A_112, %cond3A_113 : i32
      scf.if %cond3A_114 {
        %add3A_116 = arith.constant 2 : i32
        %add3A_117 = arith.addi %add3A_91, %add3A_116 : i32
        %dma_start3A_118 = arith.constant 1 : i32
        %dma_start3A_119 = arith.constant 0 : i32
        %dma_start3A_120 = arith.constant 0 : i32
        %dma_start3A_121 = tpu.memref_slice %arg9[%dma_start3A_118, %dma_start3A_119, %dma_start3A_120] : memref<2x128x128xf32, #tpu.memory_space<vmem>> -> memref<1x128x128xf32, #tpu.memory_space<vmem>>
        %dma_start3A_122 = tpu.memref_squeeze %dma_start3A_121 : memref<1x128x128xf32, #tpu.memory_space<vmem>> -> memref<128x128xf32, #tpu.memory_space<vmem>>
        %dma_start3A_123 = arith.constant 0 : i32
        %dma_start3A_124 = tpu.memref_slice %arg7[%add3A_117, %dma_start3A_123] : memref<40x128xi32, #tpu.memory_space<vmem>> -> memref<1x128xi32, #tpu.memory_space<vmem>>
        %dma_start3A_125 = tpu.memref_squeeze %dma_start3A_124 : memref<1x128xi32, #tpu.memory_space<vmem>> -> memref<128xi32, #tpu.memory_space<vmem>>
        %dma_start3A_126 = arith.constant 0 : i32
        %dma_start3A_127 = arith.constant 0 : i32
        %dma_start3A_128 = tpu.memref_slice %arg2[%dma_start3A_126, %dma_start3A_127] : memref<10240x128xf32, #tpu.memory_space<hbm>> -> memref<10240x128xf32, #tpu.memory_space<hbm>>
        tpu.enqueue_indirect_dma source(%dma_start3A_128 : memref<10240x128xf32, #tpu.memory_space<hbm>>) target(%dma_start3A_122 : memref<128x128xf32, #tpu.memory_space<vmem>>) offsets(%dma_start3A_125 : memref<128xi32, #tpu.memory_space<vmem>>) semaphore(%arg12 : memref<!tpu.dma_semaphore, #tpu.memory_space<semaphore_mem>>)
      } else {
      }
      %scan3A_115 = arith.constant 0 : i32
      scf.yield %scan3A_115 : i32
    }
    %scan3A_31 = arith.constant 20 : i32
    "tpu.region"() ({
      %run_scoped3A = tpu.sem_alloc : memref<!tpu.dma_semaphore, #tpu.memory_space<semaphore_mem>>
      %dma_start3A_64 = arith.constant 40 : i32
      %dma_start3A_65 = arith.constant 0 : i32
      %dma_start3A_66 = tpu.memref_slice %arg3[%add3A, %dma_start3A_64, %dma_start3A_65] : memref<32x80x128xi32, #tpu.memory_space<hbm>> -> memref<1x40x128xi32, #tpu.memory_space<hbm>>
      %dma_start3A_67 = tpu.memref_squeeze %dma_start3A_66 : memref<1x40x128xi32, #tpu.memory_space<hbm>> -> memref<40x128xi32, #tpu.memory_space<hbm>>
      %dma_start3A_68 = arith.constant 40 : i32
      %dma_start3A_69 = arith.constant 0 : i32
      %dma_start3A_70 = tpu.memref_slice %arg3[%add3A, %dma_start3A_68, %dma_start3A_69] : memref<32x80x128xi32, #tpu.memory_space<hbm>> -> memref<1x40x128xi32, #tpu.memory_space<hbm>>
      %dma_start3A_71 = tpu.memref_squeeze %dma_start3A_70 : memref<1x40x128xi32, #tpu.memory_space<hbm>> -> memref<40x128xi32, #tpu.memory_space<hbm>>
      tpu.enqueue_dma source(%dma_start3A_71 : memref<40x128xi32, #tpu.memory_space<hbm>>) target(%arg7 : memref<40x128xi32, #tpu.memory_space<vmem>>) target_semaphore(%run_scoped3A : memref<!tpu.dma_semaphore, #tpu.memory_space<semaphore_mem>>)
      %dma_wait3A = arith.constant 40 : i32
      %dma_wait3A_72 = arith.constant 0 : i32
      %dma_wait3A_73 = tpu.memref_slice %arg3[%add3A, %dma_wait3A, %dma_wait3A_72] : memref<32x80x128xi32, #tpu.memory_space<hbm>> -> memref<1x40x128xi32, #tpu.memory_space<hbm>>
      %dma_wait3A_74 = tpu.memref_squeeze %dma_wait3A_73 : memref<1x40x128xi32, #tpu.memory_space<hbm>> -> memref<40x128xi32, #tpu.memory_space<hbm>>
      %dma_wait3A_75 = arith.constant 40 : i32
      %dma_wait3A_76 = arith.constant 0 : i32
      %dma_wait3A_77 = tpu.memref_slice %arg3[%add3A, %dma_wait3A_75, %dma_wait3A_76] : memref<32x80x128xi32, #tpu.memory_space<hbm>> -> memref<1x40x128xi32, #tpu.memory_space<hbm>>
      %dma_wait3A_78 = tpu.memref_squeeze %dma_wait3A_77 : memref<1x40x128xi32, #tpu.memory_space<hbm>> -> memref<40x128xi32, #tpu.memory_space<hbm>>
      tpu.wait_dma2 semaphore(%run_scoped3A : memref<!tpu.dma_semaphore, #tpu.memory_space<semaphore_mem>>) src(%dma_wait3A_78 : memref<40x128xi32, #tpu.memory_space<hbm>>) dst(%arg7 : memref<40x128xi32, #tpu.memory_space<vmem>>)
      tpu.yield
    }) : () -> ()
    "tpu.region"() ({
      %run_scoped3A = tpu.sem_alloc : memref<!tpu.dma_semaphore, #tpu.memory_space<semaphore_mem>>
      %dma_start3A_64 = arith.constant 40 : i32
      %dma_start3A_65 = arith.constant 0 : i32
      %dma_start3A_66 = tpu.memref_slice %arg4[%add3A, %dma_start3A_64, %dma_start3A_65] : memref<32x80x128xi32, #tpu.memory_space<hbm>> -> memref<1x40x128xi32, #tpu.memory_space<hbm>>
      %dma_start3A_67 = tpu.memref_squeeze %dma_start3A_66 : memref<1x40x128xi32, #tpu.memory_space<hbm>> -> memref<40x128xi32, #tpu.memory_space<hbm>>
      %dma_start3A_68 = arith.constant 40 : i32
      %dma_start3A_69 = arith.constant 0 : i32
      %dma_start3A_70 = tpu.memref_slice %arg4[%add3A, %dma_start3A_68, %dma_start3A_69] : memref<32x80x128xi32, #tpu.memory_space<hbm>> -> memref<1x40x128xi32, #tpu.memory_space<hbm>>
      %dma_start3A_71 = tpu.memref_squeeze %dma_start3A_70 : memref<1x40x128xi32, #tpu.memory_space<hbm>> -> memref<40x128xi32, #tpu.memory_space<hbm>>
      tpu.enqueue_dma source(%dma_start3A_71 : memref<40x128xi32, #tpu.memory_space<hbm>>) target(%arg8 : memref<40x128xi32, #tpu.memory_space<vmem>>) target_semaphore(%run_scoped3A : memref<!tpu.dma_semaphore, #tpu.memory_space<semaphore_mem>>)
      %dma_wait3A = arith.constant 40 : i32
      %dma_wait3A_72 = arith.constant 0 : i32
      %dma_wait3A_73 = tpu.memref_slice %arg4[%add3A, %dma_wait3A, %dma_wait3A_72] : memref<32x80x128xi32, #tpu.memory_space<hbm>> -> memref<1x40x128xi32, #tpu.memory_space<hbm>>
      %dma_wait3A_74 = tpu.memref_squeeze %dma_wait3A_73 : memref<1x40x128xi32, #tpu.memory_space<hbm>> -> memref<40x128xi32, #tpu.memory_space<hbm>>
      %dma_wait3A_75 = arith.constant 40 : i32
      %dma_wait3A_76 = arith.constant 0 : i32
      %dma_wait3A_77 = tpu.memref_slice %arg4[%add3A, %dma_wait3A_75, %dma_wait3A_76] : memref<32x80x128xi32, #tpu.memory_space<hbm>> -> memref<1x40x128xi32, #tpu.memory_space<hbm>>
      %dma_wait3A_78 = tpu.memref_squeeze %dma_wait3A_77 : memref<1x40x128xi32, #tpu.memory_space<hbm>> -> memref<40x128xi32, #tpu.memory_space<hbm>>
      tpu.wait_dma2 semaphore(%run_scoped3A : memref<!tpu.dma_semaphore, #tpu.memory_space<semaphore_mem>>) src(%dma_wait3A_78 : memref<40x128xi32, #tpu.memory_space<hbm>>) dst(%arg8 : memref<40x128xi32, #tpu.memory_space<vmem>>)
      tpu.yield
    }) : () -> ()
    %dma_start3A_32 = arith.constant 0 : i32
    %dma_start3A_33 = arith.constant 0 : i32
    %dma_start3A_34 = arith.constant 0 : i32
    %dma_start3A_35 = arith.constant 0 : i32
    %dma_start3A_36 = tpu.memref_slice %arg9[%dma_start3A_33, %dma_start3A_34, %dma_start3A_35] : memref<2x128x128xf32, #tpu.memory_space<vmem>> -> memref<1x128x128xf32, #tpu.memory_space<vmem>>
    %dma_start3A_37 = tpu.memref_squeeze %dma_start3A_36 : memref<1x128x128xf32, #tpu.memory_space<vmem>> -> memref<128x128xf32, #tpu.memory_space<vmem>>
    %dma_start3A_38 = arith.constant 0 : i32
    %dma_start3A_39 = tpu.memref_slice %arg7[%dma_start3A_32, %dma_start3A_38] : memref<40x128xi32, #tpu.memory_space<vmem>> -> memref<1x128xi32, #tpu.memory_space<vmem>>
    %dma_start3A_40 = tpu.memref_squeeze %dma_start3A_39 : memref<1x128xi32, #tpu.memory_space<vmem>> -> memref<128xi32, #tpu.memory_space<vmem>>
    %dma_start3A_41 = arith.constant 0 : i32
    %dma_start3A_42 = arith.constant 0 : i32
    %dma_start3A_43 = tpu.memref_slice %arg2[%dma_start3A_41, %dma_start3A_42] : memref<10240x128xf32, #tpu.memory_space<hbm>> -> memref<10240x128xf32, #tpu.memory_space<hbm>>
    tpu.enqueue_indirect_dma source(%dma_start3A_43 : memref<10240x128xf32, #tpu.memory_space<hbm>>) target(%dma_start3A_37 : memref<128x128xf32, #tpu.memory_space<vmem>>) offsets(%dma_start3A_40 : memref<128xi32, #tpu.memory_space<vmem>>) semaphore(%arg11 : memref<!tpu.dma_semaphore, #tpu.memory_space<semaphore_mem>>)
    %dma_start3A_44 = arith.constant 1 : i32
    %dma_start3A_45 = arith.constant 1 : i32
    %dma_start3A_46 = arith.constant 0 : i32
    %dma_start3A_47 = arith.constant 0 : i32
    %dma_start3A_48 = tpu.memref_slice %arg9[%dma_start3A_45, %dma_start3A_46, %dma_start3A_47] : memref<2x128x128xf32, #tpu.memory_space<vmem>> -> memref<1x128x128xf32, #tpu.memory_space<vmem>>
    %dma_start3A_49 = tpu.memref_squeeze %dma_start3A_48 : memref<1x128x128xf32, #tpu.memory_space<vmem>> -> memref<128x128xf32, #tpu.memory_space<vmem>>
    %dma_start3A_50 = arith.constant 0 : i32
    %dma_start3A_51 = tpu.memref_slice %arg7[%dma_start3A_44, %dma_start3A_50] : memref<40x128xi32, #tpu.memory_space<vmem>> -> memref<1x128xi32, #tpu.memory_space<vmem>>
    %dma_start3A_52 = tpu.memref_squeeze %dma_start3A_51 : memref<1x128xi32, #tpu.memory_space<vmem>> -> memref<128xi32, #tpu.memory_space<vmem>>
    %dma_start3A_53 = arith.constant 0 : i32
    %dma_start3A_54 = arith.constant 0 : i32
    %dma_start3A_55 = tpu.memref_slice %arg2[%dma_start3A_53, %dma_start3A_54] : memref<10240x128xf32, #tpu.memory_space<hbm>> -> memref<10240x128xf32, #tpu.memory_space<hbm>>
    tpu.enqueue_indirect_dma source(%dma_start3A_55 : memref<10240x128xf32, #tpu.memory_space<hbm>>) target(%dma_start3A_49 : memref<128x128xf32, #tpu.memory_space<vmem>>) offsets(%dma_start3A_52 : memref<128xi32, #tpu.memory_space<vmem>>) semaphore(%arg12 : memref<!tpu.dma_semaphore, #tpu.memory_space<semaphore_mem>>)
    %scan3A_56 = arith.constant 0 : i32
    %scan3A_57 = arith.constant 0 : i32
    %scan3A_58 = arith.constant 20 : i32
    %scan3A_59 = arith.addi %scan3A_57, %scan3A_58 : i32
    %scan3A_60 = arith.constant 1 : i32
    %scan3A_61 = scf.for %scan3A_64 = %scan3A_57 to %scan3A_59 step %scan3A_60 iter_args(%scan3A_65 = %scan3A_56) -> (i32)  : i32 {
      %mul3A_66 = arith.constant 2 : i32
      %mul3A_67 = arith.muli %scan3A_64, %mul3A_66 : i32
      %add3A_68 = arith.constant 0 : i32
      %add3A_69 = arith.addi %mul3A_67, %add3A_68 : i32
      %dma_wait3A = arith.constant 0 : i32
      %dma_wait3A_70 = arith.constant 0 : i32
      %dma_wait3A_71 = arith.constant 0 : i32
      %dma_wait3A_72 = tpu.memref_slice %arg9[%dma_wait3A, %dma_wait3A_70, %dma_wait3A_71] : memref<2x128x128xf32, #tpu.memory_space<vmem>> -> memref<1x128x128xf32, #tpu.memory_space<vmem>>
      %dma_wait3A_73 = tpu.memref_squeeze %dma_wait3A_72 : memref<1x128x128xf32, #tpu.memory_space<vmem>> -> memref<128x128xf32, #tpu.memory_space<vmem>>
      %dma_wait3A_74 = arith.constant 0 : i32
      %dma_wait3A_75 = arith.constant 0 : i32
      %dma_wait3A_76 = tpu.memref_slice %arg2[%dma_wait3A_74, %dma_wait3A_75] : memref<10240x128xf32, #tpu.memory_space<hbm>> -> memref<128x128xf32, #tpu.memory_space<hbm>>
      %dma_wait3A_77 = arith.constant 0 : i32
      %dma_wait3A_78 = arith.constant 0 : i32
      %dma_wait3A_79 = tpu.memref_slice %arg9[%dma_wait3A, %dma_wait3A_77, %dma_wait3A_78] : memref<2x128x128xf32, #tpu.memory_space<vmem>> -> memref<1x128x128xf32, #tpu.memory_space<vmem>>
      %dma_wait3A_80 = tpu.memref_squeeze %dma_wait3A_79 : memref<1x128x128xf32, #tpu.memory_space<vmem>> -> memref<128x128xf32, #tpu.memory_space<vmem>>
      %dma_wait3A_81 = arith.constant 0 : i32
      %dma_wait3A_82 = arith.constant 0 : i32
      %dma_wait3A_83 = tpu.memref_slice %arg2[%dma_wait3A_81, %dma_wait3A_82] : memref<10240x128xf32, #tpu.memory_space<hbm>> -> memref<128x128xf32, #tpu.memory_space<hbm>>
      tpu.wait_dma2 semaphore(%arg11 : memref<!tpu.dma_semaphore, #tpu.memory_space<semaphore_mem>>) src(%dma_wait3A_83 : memref<128x128xf32, #tpu.memory_space<hbm>>) dst(%dma_wait3A_80 : memref<128x128xf32, #tpu.memory_space<vmem>>)
      %run_scoped3A = arith.constant 0 : i32
      "tpu.region"() ({
        %run_scoped3A_116 = tpu.sem_alloc : memref<!tpu.dma_semaphore, #tpu.memory_space<semaphore_mem>>
        %dma_start3A_117 = arith.constant 0 : i32
        %dma_start3A_118 = arith.constant 0 : i32
        %dma_start3A_119 = tpu.memref_slice %arg9[%run_scoped3A, %dma_start3A_117, %dma_start3A_118] : memref<2x128x128xf32, #tpu.memory_space<vmem>> -> memref<1x128x128xf32, #tpu.memory_space<vmem>>
        %dma_start3A_120 = tpu.memref_squeeze %dma_start3A_119 : memref<1x128x128xf32, #tpu.memory_space<vmem>> -> memref<128x128xf32, #tpu.memory_space<vmem>>
        %dma_start3A_121 = arith.constant 0 : i32
        %dma_start3A_122 = tpu.memref_slice %arg8[%add3A_69, %dma_start3A_121] : memref<40x128xi32, #tpu.memory_space<vmem>> -> memref<1x128xi32, #tpu.memory_space<vmem>>
        %dma_start3A_123 = tpu.memref_squeeze %dma_start3A_122 : memref<1x128xi32, #tpu.memory_space<vmem>> -> memref<128xi32, #tpu.memory_space<vmem>>
        %dma_start3A_124 = arith.constant 0 : i32
        %dma_start3A_125 = arith.constant 0 : i32
        %dma_start3A_126 = tpu.memref_slice %arg10[%dma_start3A_124, %dma_start3A_125] : memref<10240x128xf32, #tpu.memory_space<vmem_shared>> -> memref<10240x128xf32, #tpu.memory_space<vmem_shared>>
        tpu.enqueue_indirect_dma source(%dma_start3A_120 : memref<128x128xf32, #tpu.memory_space<vmem>>) target(%dma_start3A_126 : memref<10240x128xf32, #tpu.memory_space<vmem_shared>>) offsets(%dma_start3A_123 : memref<128xi32, #tpu.memory_space<vmem>>) semaphore(%run_scoped3A_116 : memref<!tpu.dma_semaphore, #tpu.memory_space<semaphore_mem>>) {add = true}
        %dma_wait3A_127 = arith.constant 0 : i32
        %dma_wait3A_128 = arith.constant 0 : i32
        %dma_wait3A_129 = tpu.memref_slice %arg9[%run_scoped3A, %dma_wait3A_127, %dma_wait3A_128] : memref<2x128x128xf32, #tpu.memory_space<vmem>> -> memref<1x128x128xf32, #tpu.memory_space<vmem>>
        %dma_wait3A_130 = tpu.memref_squeeze %dma_wait3A_129 : memref<1x128x128xf32, #tpu.memory_space<vmem>> -> memref<128x128xf32, #tpu.memory_space<vmem>>
        %dma_wait3A_131 = arith.constant 0 : i32
        %dma_wait3A_132 = tpu.memref_slice %arg8[%add3A_69, %dma_wait3A_131] : memref<40x128xi32, #tpu.memory_space<vmem>> -> memref<1x128xi32, #tpu.memory_space<vmem>>
        %dma_wait3A_133 = tpu.memref_squeeze %dma_wait3A_132 : memref<1x128xi32, #tpu.memory_space<vmem>> -> memref<128xi32, #tpu.memory_space<vmem>>
        %dma_wait3A_134 = arith.constant 0 : i32
        %dma_wait3A_135 = arith.constant 0 : i32
        %dma_wait3A_136 = tpu.memref_slice %arg10[%dma_wait3A_134, %dma_wait3A_135] : memref<10240x128xf32, #tpu.memory_space<vmem_shared>> -> memref<10240x128xf32, #tpu.memory_space<vmem_shared>>
        tpu.wait_indirect_dma semaphore(%run_scoped3A_116 : memref<!tpu.dma_semaphore, #tpu.memory_space<semaphore_mem>>) src(%dma_wait3A_130 : memref<128x128xf32, #tpu.memory_space<vmem>>) dst(%dma_wait3A_136 : memref<10240x128xf32, #tpu.memory_space<vmem_shared>>)
        tpu.yield
      }) : () -> ()
      %add3A_84 = arith.constant 2 : i32
      %add3A_85 = arith.addi %add3A_69, %add3A_84 : i32
      %lt3A = arith.constant 40 : i32
      %lt3A_86 = arith.cmpi slt, %add3A_85, %lt3A : i32
      %convert_element_type3A = arith.extui %lt3A_86 : i1 to i32
      %cond3A = arith.constant 0 : i32
      %cond3A_87 = arith.cmpi ne, %convert_element_type3A, %cond3A : i32
      scf.if %cond3A_87 {
        %add3A_116 = arith.constant 2 : i32
        %add3A_117 = arith.addi %add3A_69, %add3A_116 : i32
        %dma_start3A_118 = arith.constant 0 : i32
        %dma_start3A_119 = arith.constant 0 : i32
        %dma_start3A_120 = arith.constant 0 : i32
        %dma_start3A_121 = tpu.memref_slice %arg9[%dma_start3A_118, %dma_start3A_119, %dma_start3A_120] : memref<2x128x128xf32, #tpu.memory_space<vmem>> -> memref<1x128x128xf32, #tpu.memory_space<vmem>>
        %dma_start3A_122 = tpu.memref_squeeze %dma_start3A_121 : memref<1x128x128xf32, #tpu.memory_space<vmem>> -> memref<128x128xf32, #tpu.memory_space<vmem>>
        %dma_start3A_123 = arith.constant 0 : i32
        %dma_start3A_124 = tpu.memref_slice %arg7[%add3A_117, %dma_start3A_123] : memref<40x128xi32, #tpu.memory_space<vmem>> -> memref<1x128xi32, #tpu.memory_space<vmem>>
        %dma_start3A_125 = tpu.memref_squeeze %dma_start3A_124 : memref<1x128xi32, #tpu.memory_space<vmem>> -> memref<128xi32, #tpu.memory_space<vmem>>
        %dma_start3A_126 = arith.constant 0 : i32
        %dma_start3A_127 = arith.constant 0 : i32
        %dma_start3A_128 = tpu.memref_slice %arg2[%dma_start3A_126, %dma_start3A_127] : memref<10240x128xf32, #tpu.memory_space<hbm>> -> memref<10240x128xf32, #tpu.memory_space<hbm>>
        tpu.enqueue_indirect_dma source(%dma_start3A_128 : memref<10240x128xf32, #tpu.memory_space<hbm>>) target(%dma_start3A_122 : memref<128x128xf32, #tpu.memory_space<vmem>>) offsets(%dma_start3A_125 : memref<128xi32, #tpu.memory_space<vmem>>) semaphore(%arg11 : memref<!tpu.dma_semaphore, #tpu.memory_space<semaphore_mem>>)
      } else {
      }
      %mul3A_88 = arith.constant 2 : i32
      %mul3A_89 = arith.muli %scan3A_64, %mul3A_88 : i32
      %add3A_90 = arith.constant 1 : i32
      %add3A_91 = arith.addi %mul3A_89, %add3A_90 : i32
      %dma_wait3A_92 = arith.constant 1 : i32
      %dma_wait3A_93 = arith.constant 0 : i32
      %dma_wait3A_94 = arith.constant 0 : i32
      %dma_wait3A_95 = tpu.memref_slice %arg9[%dma_wait3A_92, %dma_wait3A_93, %dma_wait3A_94] : memref<2x128x128xf32, #tpu.memory_space<vmem>> -> memref<1x128x128xf32, #tpu.memory_space<vmem>>
      %dma_wait3A_96 = tpu.memref_squeeze %dma_wait3A_95 : memref<1x128x128xf32, #tpu.memory_space<vmem>> -> memref<128x128xf32, #tpu.memory_space<vmem>>
      %dma_wait3A_97 = arith.constant 0 : i32
      %dma_wait3A_98 = arith.constant 0 : i32
      %dma_wait3A_99 = tpu.memref_slice %arg2[%dma_wait3A_97, %dma_wait3A_98] : memref<10240x128xf32, #tpu.memory_space<hbm>> -> memref<128x128xf32, #tpu.memory_space<hbm>>
      %dma_wait3A_100 = arith.constant 0 : i32
      %dma_wait3A_101 = arith.constant 0 : i32
      %dma_wait3A_102 = tpu.memref_slice %arg9[%dma_wait3A_92, %dma_wait3A_100, %dma_wait3A_101] : memref<2x128x128xf32, #tpu.memory_space<vmem>> -> memref<1x128x128xf32, #tpu.memory_space<vmem>>
      %dma_wait3A_103 = tpu.memref_squeeze %dma_wait3A_102 : memref<1x128x128xf32, #tpu.memory_space<vmem>> -> memref<128x128xf32, #tpu.memory_space<vmem>>
      %dma_wait3A_104 = arith.constant 0 : i32
      %dma_wait3A_105 = arith.constant 0 : i32
      %dma_wait3A_106 = tpu.memref_slice %arg2[%dma_wait3A_104, %dma_wait3A_105] : memref<10240x128xf32, #tpu.memory_space<hbm>> -> memref<128x128xf32, #tpu.memory_space<hbm>>
      tpu.wait_dma2 semaphore(%arg12 : memref<!tpu.dma_semaphore, #tpu.memory_space<semaphore_mem>>) src(%dma_wait3A_106 : memref<128x128xf32, #tpu.memory_space<hbm>>) dst(%dma_wait3A_103 : memref<128x128xf32, #tpu.memory_space<vmem>>)
      %run_scoped3A_107 = arith.constant 1 : i32
      "tpu.region"() ({
        %run_scoped3A_116 = tpu.sem_alloc : memref<!tpu.dma_semaphore, #tpu.memory_space<semaphore_mem>>
        %dma_start3A_117 = arith.constant 0 : i32
        %dma_start3A_118 = arith.constant 0 : i32
        %dma_start3A_119 = tpu.memref_slice %arg9[%run_scoped3A_107, %dma_start3A_117, %dma_start3A_118] : memref<2x128x128xf32, #tpu.memory_space<vmem>> -> memref<1x128x128xf32, #tpu.memory_space<vmem>>
        %dma_start3A_120 = tpu.memref_squeeze %dma_start3A_119 : memref<1x128x128xf32, #tpu.memory_space<vmem>> -> memref<128x128xf32, #tpu.memory_space<vmem>>
        %dma_start3A_121 = arith.constant 0 : i32
        %dma_start3A_122 = tpu.memref_slice %arg8[%add3A_91, %dma_start3A_121] : memref<40x128xi32, #tpu.memory_space<vmem>> -> memref<1x128xi32, #tpu.memory_space<vmem>>
        %dma_start3A_123 = tpu.memref_squeeze %dma_start3A_122 : memref<1x128xi32, #tpu.memory_space<vmem>> -> memref<128xi32, #tpu.memory_space<vmem>>
        %dma_start3A_124 = arith.constant 0 : i32
        %dma_start3A_125 = arith.constant 0 : i32
        %dma_start3A_126 = tpu.memref_slice %arg10[%dma_start3A_124, %dma_start3A_125] : memref<10240x128xf32, #tpu.memory_space<vmem_shared>> -> memref<10240x128xf32, #tpu.memory_space<vmem_shared>>
        tpu.enqueue_indirect_dma source(%dma_start3A_120 : memref<128x128xf32, #tpu.memory_space<vmem>>) target(%dma_start3A_126 : memref<10240x128xf32, #tpu.memory_space<vmem_shared>>) offsets(%dma_start3A_123 : memref<128xi32, #tpu.memory_space<vmem>>) semaphore(%run_scoped3A_116 : memref<!tpu.dma_semaphore, #tpu.memory_space<semaphore_mem>>) {add = true}
        %dma_wait3A_127 = arith.constant 0 : i32
        %dma_wait3A_128 = arith.constant 0 : i32
        %dma_wait3A_129 = tpu.memref_slice %arg9[%run_scoped3A_107, %dma_wait3A_127, %dma_wait3A_128] : memref<2x128x128xf32, #tpu.memory_space<vmem>> -> memref<1x128x128xf32, #tpu.memory_space<vmem>>
        %dma_wait3A_130 = tpu.memref_squeeze %dma_wait3A_129 : memref<1x128x128xf32, #tpu.memory_space<vmem>> -> memref<128x128xf32, #tpu.memory_space<vmem>>
        %dma_wait3A_131 = arith.constant 0 : i32
        %dma_wait3A_132 = tpu.memref_slice %arg8[%add3A_91, %dma_wait3A_131] : memref<40x128xi32, #tpu.memory_space<vmem>> -> memref<1x128xi32, #tpu.memory_space<vmem>>
        %dma_wait3A_133 = tpu.memref_squeeze %dma_wait3A_132 : memref<1x128xi32, #tpu.memory_space<vmem>> -> memref<128xi32, #tpu.memory_space<vmem>>
        %dma_wait3A_134 = arith.constant 0 : i32
        %dma_wait3A_135 = arith.constant 0 : i32
        %dma_wait3A_136 = tpu.memref_slice %arg10[%dma_wait3A_134, %dma_wait3A_135] : memref<10240x128xf32, #tpu.memory_space<vmem_shared>> -> memref<10240x128xf32, #tpu.memory_space<vmem_shared>>
        tpu.wait_indirect_dma semaphore(%run_scoped3A_116 : memref<!tpu.dma_semaphore, #tpu.memory_space<semaphore_mem>>) src(%dma_wait3A_130 : memref<128x128xf32, #tpu.memory_space<vmem>>) dst(%dma_wait3A_136 : memref<10240x128xf32, #tpu.memory_space<vmem_shared>>)
        tpu.yield
      }) : () -> ()
      %add3A_108 = arith.constant 2 : i32
      %add3A_109 = arith.addi %add3A_91, %add3A_108 : i32
      %lt3A_110 = arith.constant 40 : i32
      %lt3A_111 = arith.cmpi slt, %add3A_109, %lt3A_110 : i32
      %convert_element_type3A_112 = arith.extui %lt3A_111 : i1 to i32
      %cond3A_113 = arith.constant 0 : i32
      %cond3A_114 = arith.cmpi ne, %convert_element_type3A_112, %cond3A_113 : i32
      scf.if %cond3A_114 {
        %add3A_116 = arith.constant 2 : i32
        %add3A_117 = arith.addi %add3A_91, %add3A_116 : i32
        %dma_start3A_118 = arith.constant 1 : i32
        %dma_start3A_119 = arith.constant 0 : i32
        %dma_start3A_120 = arith.constant 0 : i32
        %dma_start3A_121 = tpu.memref_slice %arg9[%dma_start3A_118, %dma_start3A_119, %dma_start3A_120] : memref<2x128x128xf32, #tpu.memory_space<vmem>> -> memref<1x128x128xf32, #tpu.memory_space<vmem>>
        %dma_start3A_122 = tpu.memref_squeeze %dma_start3A_121 : memref<1x128x128xf32, #tpu.memory_space<vmem>> -> memref<128x128xf32, #tpu.memory_space<vmem>>
        %dma_start3A_123 = arith.constant 0 : i32
        %dma_start3A_124 = tpu.memref_slice %arg7[%add3A_117, %dma_start3A_123] : memref<40x128xi32, #tpu.memory_space<vmem>> -> memref<1x128xi32, #tpu.memory_space<vmem>>
        %dma_start3A_125 = tpu.memref_squeeze %dma_start3A_124 : memref<1x128xi32, #tpu.memory_space<vmem>> -> memref<128xi32, #tpu.memory_space<vmem>>
        %dma_start3A_126 = arith.constant 0 : i32
        %dma_start3A_127 = arith.constant 0 : i32
        %dma_start3A_128 = tpu.memref_slice %arg2[%dma_start3A_126, %dma_start3A_127] : memref<10240x128xf32, #tpu.memory_space<hbm>> -> memref<10240x128xf32, #tpu.memory_space<hbm>>
        tpu.enqueue_indirect_dma source(%dma_start3A_128 : memref<10240x128xf32, #tpu.memory_space<hbm>>) target(%dma_start3A_122 : memref<128x128xf32, #tpu.memory_space<vmem>>) offsets(%dma_start3A_125 : memref<128xi32, #tpu.memory_space<vmem>>) semaphore(%arg12 : memref<!tpu.dma_semaphore, #tpu.memory_space<semaphore_mem>>)
      } else {
      }
      %scan3A_115 = arith.constant 0 : i32
      scf.yield %scan3A_115 : i32
    }
    %scan3A_62 = arith.constant 20 : i32
    %barrier3A_63 = arith.constant 0 : index
    tpu.barrier barrier_id(%barrier3A_63)
    "tpu.region"() ({
      %run_scoped3A = tpu.sem_alloc : memref<!tpu.dma_semaphore, #tpu.memory_space<semaphore_mem>>
      %dma_start3A_64 = arith.constant 0 : i32
      %dma_start3A_65 = tpu.memref_slice %arg6[%arg0, %mul3A_0, %dma_start3A_64] : memref<2x10240x128xf32, #tpu.memory_space<hbm>> -> memref<1x640x128xf32, #tpu.memory_space<hbm>>
      %dma_start3A_66 = tpu.memref_squeeze %dma_start3A_65 : memref<1x640x128xf32, #tpu.memory_space<hbm>> -> memref<640x128xf32, #tpu.memory_space<hbm>>
      %dma_start3A_67 = arith.constant 0 : i32
      %dma_start3A_68 = tpu.memref_slice %arg10[%mul3A_0, %dma_start3A_67] : memref<10240x128xf32, #tpu.memory_space<vmem_shared>> -> memref<640x128xf32, #tpu.memory_space<vmem_shared>>
      tpu.enqueue_dma source(%dma_start3A_68 : memref<640x128xf32, #tpu.memory_space<vmem_shared>>) target(%dma_start3A_66 : memref<640x128xf32, #tpu.memory_space<hbm>>) target_semaphore(%run_scoped3A : memref<!tpu.dma_semaphore, #tpu.memory_space<semaphore_mem>>)
      %dma_wait3A = arith.constant 0 : i32
      %dma_wait3A_69 = tpu.memref_slice %arg6[%arg0, %mul3A_0, %dma_wait3A] : memref<2x10240x128xf32, #tpu.memory_space<hbm>> -> memref<1x640x128xf32, #tpu.memory_space<hbm>>
      %dma_wait3A_70 = tpu.memref_squeeze %dma_wait3A_69 : memref<1x640x128xf32, #tpu.memory_space<hbm>> -> memref<640x128xf32, #tpu.memory_space<hbm>>
      %dma_wait3A_71 = arith.constant 0 : i32
      %dma_wait3A_72 = tpu.memref_slice %arg10[%mul3A_0, %dma_wait3A_71] : memref<10240x128xf32, #tpu.memory_space<vmem_shared>> -> memref<640x128xf32, #tpu.memory_space<vmem_shared>>
      tpu.wait_dma2 semaphore(%run_scoped3A : memref<!tpu.dma_semaphore, #tpu.memory_space<semaphore_mem>>) src(%dma_wait3A_72 : memref<640x128xf32, #tpu.memory_space<vmem_shared>>) dst(%dma_wait3A_70 : memref<640x128xf32, #tpu.memory_space<hbm>>)
      tpu.yield
    }) : () -> ()
    return
  }
}

#map = affine_map<(d0, d1) -> (0, 0)>
#map1 = affine_map<(d0, d1) -> (0, 0, 0)>
module attributes {stable_mosaic.version = 14 : i64} {
  func.func @k(%arg0: i32, %arg1: i32, %arg2: memref<10240x128xf32, #tpu.memory_space<hbm>>, %arg3: memref<32x80x128xi32, #tpu.memory_space<hbm>>, %arg4: memref<32x80x128xi32, #tpu.memory_space<hbm>>, %arg5: memref<640x128xf32, #tpu.memory_space<hbm>>, %arg6: memref<2x10240x128xf32, #tpu.memory_space<hbm>>, %arg7: memref<40x128xi32, #tpu.memory_space<vmem>>, %arg8: memref<40x128xi32, #tpu.memory_space<vmem>>, %arg9: memref<2x128x128xf32, #tpu.memory_space<vmem>>, %arg10: memref<10240x128xf32, #tpu.memory_space<vmem_shared>>, %arg11: memref<!tpu.dma_semaphore, #tpu.memory_space<semaphore_mem>>, %arg12: memref<!tpu.dma_semaphore, #tpu.memory_space<semaphore_mem>>) attributes {dimension_semantics = [#tpu.dimension_semantics<core_parallel>, #tpu.dimension_semantics<subcore_parallel>], iteration_bounds = array<i64: 2, 16>, scalar_prefetch = 0 : i64, scratch_operands = 6 : i64, tpu.core_type = #tpu.core_type<sc_vector_subcore>, window_params = [{transform_indices = #map}, {transform_indices = #map1}, {transform_indices = #map1}, {transform_indices = #map}, {transform_indices = #map1}]} {
    %mul3A = arith.constant 640 : i32
    %mul3A_0 = arith.muli %arg1, %mul3A : i32
    %mul3A_1 = arith.constant 2 : i32
    %mul3A_2 = arith.muli %arg1, %mul3A_1 : i32
    %add3A = arith.addi %mul3A_2, %arg0 : i32
    "tpu.region"() ({
      %run_scoped3A = tpu.sem_alloc : memref<!tpu.dma_semaphore, #tpu.memory_space<semaphore_mem>>
      %dma_start3A_64 = arith.constant 0 : i32
      %dma_start3A_65 = tpu.memref_slice %arg10[%mul3A_0, %dma_start3A_64] : memref<10240x128xf32, #tpu.memory_space<vmem_shared>> -> memref<640x128xf32, #tpu.memory_space<vmem_shared>>
      tpu.enqueue_dma source(%arg5 : memref<640x128xf32, #tpu.memory_space<hbm>>) target(%dma_start3A_65 : memref<640x128xf32, #tpu.memory_space<vmem_shared>>) target_semaphore(%run_scoped3A : memref<!tpu.dma_semaphore, #tpu.memory_space<semaphore_mem>>)
      %dma_wait3A = arith.constant 0 : i32
      %dma_wait3A_66 = tpu.memref_slice %arg10[%mul3A_0, %dma_wait3A] : memref<10240x128xf32, #tpu.memory_space<vmem_shared>> -> memref<640x128xf32, #tpu.memory_space<vmem_shared>>
      tpu.wait_dma2 semaphore(%run_scoped3A : memref<!tpu.dma_semaphore, #tpu.memory_space<semaphore_mem>>) src(%arg5 : memref<640x128xf32, #tpu.memory_space<hbm>>) dst(%dma_wait3A_66 : memref<640x128xf32, #tpu.memory_space<vmem_shared>>)
      tpu.yield
    }) : () -> ()
    %barrier3A = arith.constant 0 : index
    tpu.barrier barrier_id(%barrier3A)
    "tpu.region"() ({
      %run_scoped3A = tpu.sem_alloc : memref<!tpu.dma_semaphore, #tpu.memory_space<semaphore_mem>>
      %dma_start3A_64 = arith.constant 0 : i32
      %dma_start3A_65 = arith.constant 0 : i32
      %dma_start3A_66 = tpu.memref_slice %arg3[%add3A, %dma_start3A_64, %dma_start3A_65] : memref<32x80x128xi32, #tpu.memory_space<hbm>> -> memref<1x40x128xi32, #tpu.memory_space<hbm>>
      %dma_start3A_67 = tpu.memref_squeeze %dma_start3A_66 : memref<1x40x128xi32, #tpu.memory_space<hbm>> -> memref<40x128xi32, #tpu.memory_space<hbm>>
      %dma_start3A_68 = arith.constant 0 : i32
      %dma_start3A_69 = arith.constant 0 : i32
      %dma_start3A_70 = tpu.memref_slice %arg3[%add3A, %dma_start3A_68, %dma_start3A_69] : memref<32x80x128xi32, #tpu.memory_space<hbm>> -> memref<1x40x128xi32, #tpu.memory_space<hbm>>
      %dma_start3A_71 = tpu.memref_squeeze %dma_start3A_70 : memref<1x40x128xi32, #tpu.memory_space<hbm>> -> memref<40x128xi32, #tpu.memory_space<hbm>>
      tpu.enqueue_dma source(%dma_start3A_71 : memref<40x128xi32, #tpu.memory_space<hbm>>) target(%arg7 : memref<40x128xi32, #tpu.memory_space<vmem>>) target_semaphore(%run_scoped3A : memref<!tpu.dma_semaphore, #tpu.memory_space<semaphore_mem>>)
      %dma_wait3A = arith.constant 0 : i32
      %dma_wait3A_72 = arith.constant 0 : i32
      %dma_wait3A_73 = tpu.memref_slice %arg3[%add3A, %dma_wait3A, %dma_wait3A_72] : memref<32x80x128xi32, #tpu.memory_space<hbm>> -> memref<1x40x128xi32, #tpu.memory_space<hbm>>
      %dma_wait3A_74 = tpu.memref_squeeze %dma_wait3A_73 : memref<1x40x128xi32, #tpu.memory_space<hbm>> -> memref<40x128xi32, #tpu.memory_space<hbm>>
      %dma_wait3A_75 = arith.constant 0 : i32
      %dma_wait3A_76 = arith.constant 0 : i32
      %dma_wait3A_77 = tpu.memref_slice %arg3[%add3A, %dma_wait3A_75, %dma_wait3A_76] : memref<32x80x128xi32, #tpu.memory_space<hbm>> -> memref<1x40x128xi32, #tpu.memory_space<hbm>>
      %dma_wait3A_78 = tpu.memref_squeeze %dma_wait3A_77 : memref<1x40x128xi32, #tpu.memory_space<hbm>> -> memref<40x128xi32, #tpu.memory_space<hbm>>
      tpu.wait_dma2 semaphore(%run_scoped3A : memref<!tpu.dma_semaphore, #tpu.memory_space<semaphore_mem>>) src(%dma_wait3A_78 : memref<40x128xi32, #tpu.memory_space<hbm>>) dst(%arg7 : memref<40x128xi32, #tpu.memory_space<vmem>>)
      tpu.yield
    }) : () -> ()
    "tpu.region"() ({
      %run_scoped3A = tpu.sem_alloc : memref<!tpu.dma_semaphore, #tpu.memory_space<semaphore_mem>>
      %dma_start3A_64 = arith.constant 0 : i32
      %dma_start3A_65 = arith.constant 0 : i32
      %dma_start3A_66 = tpu.memref_slice %arg4[%add3A, %dma_start3A_64, %dma_start3A_65] : memref<32x80x128xi32, #tpu.memory_space<hbm>> -> memref<1x40x128xi32, #tpu.memory_space<hbm>>
      %dma_start3A_67 = tpu.memref_squeeze %dma_start3A_66 : memref<1x40x128xi32, #tpu.memory_space<hbm>> -> memref<40x128xi32, #tpu.memory_space<hbm>>
      %dma_start3A_68 = arith.constant 0 : i32
      %dma_start3A_69 = arith.constant 0 : i32
      %dma_start3A_70 = tpu.memref_slice %arg4[%add3A, %dma_start3A_68, %dma_start3A_69] : memref<32x80x128xi32, #tpu.memory_space<hbm>> -> memref<1x40x128xi32, #tpu.memory_space<hbm>>
      %dma_start3A_71 = tpu.memref_squeeze %dma_start3A_70 : memref<1x40x128xi32, #tpu.memory_space<hbm>> -> memref<40x128xi32, #tpu.memory_space<hbm>>
      tpu.enqueue_dma source(%dma_start3A_71 : memref<40x128xi32, #tpu.memory_space<hbm>>) target(%arg8 : memref<40x128xi32, #tpu.memory_space<vmem>>) target_semaphore(%run_scoped3A : memref<!tpu.dma_semaphore, #tpu.memory_space<semaphore_mem>>)
      %dma_wait3A = arith.constant 0 : i32
      %dma_wait3A_72 = arith.constant 0 : i32
      %dma_wait3A_73 = tpu.memref_slice %arg4[%add3A, %dma_wait3A, %dma_wait3A_72] : memref<32x80x128xi32, #tpu.memory_space<hbm>> -> memref<1x40x128xi32, #tpu.memory_space<hbm>>
      %dma_wait3A_74 = tpu.memref_squeeze %dma_wait3A_73 : memref<1x40x128xi32, #tpu.memory_space<hbm>> -> memref<40x128xi32, #tpu.memory_space<hbm>>
      %dma_wait3A_75 = arith.constant 0 : i32
      %dma_wait3A_76 = arith.constant 0 : i32
      %dma_wait3A_77 = tpu.memref_slice %arg4[%add3A, %dma_wait3A_75, %dma_wait3A_76] : memref<32x80x128xi32, #tpu.memory_space<hbm>> -> memref<1x40x128xi32, #tpu.memory_space<hbm>>
      %dma_wait3A_78 = tpu.memref_squeeze %dma_wait3A_77 : memref<1x40x128xi32, #tpu.memory_space<hbm>> -> memref<40x128xi32, #tpu.memory_space<hbm>>
      tpu.wait_dma2 semaphore(%run_scoped3A : memref<!tpu.dma_semaphore, #tpu.memory_space<semaphore_mem>>) src(%dma_wait3A_78 : memref<40x128xi32, #tpu.memory_space<hbm>>) dst(%arg8 : memref<40x128xi32, #tpu.memory_space<vmem>>)
      tpu.yield
    }) : () -> ()
    %dma_start3A = arith.constant 0 : i32
    %dma_start3A_3 = arith.constant 0 : i32
    %dma_start3A_4 = arith.constant 0 : i32
    %dma_start3A_5 = arith.constant 0 : i32
    %dma_start3A_6 = tpu.memref_slice %arg9[%dma_start3A_3, %dma_start3A_4, %dma_start3A_5] : memref<2x128x128xf32, #tpu.memory_space<vmem>> -> memref<1x128x128xf32, #tpu.memory_space<vmem>>
    %dma_start3A_7 = tpu.memref_squeeze %dma_start3A_6 : memref<1x128x128xf32, #tpu.memory_space<vmem>> -> memref<128x128xf32, #tpu.memory_space<vmem>>
    %dma_start3A_8 = arith.constant 0 : i32
    %dma_start3A_9 = tpu.memref_slice %arg7[%dma_start3A, %dma_start3A_8] : memref<40x128xi32, #tpu.memory_space<vmem>> -> memref<1x128xi32, #tpu.memory_space<vmem>>
    %dma_start3A_10 = tpu.memref_squeeze %dma_start3A_9 : memref<1x128xi32, #tpu.memory_space<vmem>> -> memref<128xi32, #tpu.memory_space<vmem>>
    %dma_start3A_11 = arith.constant 0 : i32
    %dma_start3A_12 = arith.constant 0 : i32
    %dma_start3A_13 = tpu.memref_slice %arg2[%dma_start3A_11, %dma_start3A_12] : memref<10240x128xf32, #tpu.memory_space<hbm>> -> memref<10240x128xf32, #tpu.memory_space<hbm>>
    tpu.enqueue_indirect_dma source(%dma_start3A_13 : memref<10240x128xf32, #tpu.memory_space<hbm>>) target(%dma_start3A_7 : memref<128x128xf32, #tpu.memory_space<vmem>>) offsets(%dma_start3A_10 : memref<128xi32, #tpu.memory_space<vmem>>) semaphore(%arg11 : memref<!tpu.dma_semaphore, #tpu.memory_space<semaphore_mem>>)
    %dma_start3A_14 = arith.constant 1 : i32
    %dma_start3A_15 = arith.constant 1 : i32
    %dma_start3A_16 = arith.constant 0 : i32
    %dma_start3A_17 = arith.constant 0 : i32
    %dma_start3A_18 = tpu.memref_slice %arg9[%dma_start3A_15, %dma_start3A_16, %dma_start3A_17] : memref<2x128x128xf32, #tpu.memory_space<vmem>> -> memref<1x128x128xf32, #tpu.memory_space<vmem>>
    %dma_start3A_19 = tpu.memref_squeeze %dma_start3A_18 : memref<1x128x128xf32, #tpu.memory_space<vmem>> -> memref<128x128xf32, #tpu.memory_space<vmem>>
    %dma_start3A_20 = arith.constant 0 : i32
    %dma_start3A_21 = tpu.memref_slice %arg7[%dma_start3A_14, %dma_start3A_20] : memref<40x128xi32, #tpu.memory_space<vmem>> -> memref<1x128xi32, #tpu.memory_space<vmem>>
    %dma_start3A_22 = tpu.memref_squeeze %dma_start3A_21 : memref<1x128xi32, #tpu.memory_space<vmem>> -> memref<128xi32, #tpu.memory_space<vmem>>
    %dma_start3A_23 = arith.constant 0 : i32
    %dma_start3A_24 = arith.constant 0 : i32
    %dma_start3A_25 = tpu.memref_slice %arg2[%dma_start3A_23, %dma_start3A_24] : memref<10240x128xf32, #tpu.memory_space<hbm>> -> memref<10240x128xf32, #tpu.memory_space<hbm>>
    tpu.enqueue_indirect_dma source(%dma_start3A_25 : memref<10240x128xf32, #tpu.memory_space<hbm>>) target(%dma_start3A_19 : memref<128x128xf32, #tpu.memory_space<vmem>>) offsets(%dma_start3A_22 : memref<128xi32, #tpu.memory_space<vmem>>) semaphore(%arg12 : memref<!tpu.dma_semaphore, #tpu.memory_space<semaphore_mem>>)
    %scan3A = arith.constant 0 : i32
    %scan3A_26 = arith.constant 0 : i32
    %scan3A_27 = arith.constant 20 : i32
    %scan3A_28 = arith.addi %scan3A_26, %scan3A_27 : i32
    %scan3A_29 = arith.constant 1 : i32
    %scan3A_30 = scf.for %scan3A_64 = %scan3A_26 to %scan3A_28 step %scan3A_29 iter_args(%scan3A_65 = %scan3A) -> (i32)  : i32 {
      %mul3A_66 = arith.constant 2 : i32
      %mul3A_67 = arith.muli %scan3A_64, %mul3A_66 : i32
      %add3A_68 = arith.constant 0 : i32
      %add3A_69 = arith.addi %mul3A_67, %add3A_68 : i32
      %dma_wait3A = arith.constant 0 : i32
      %dma_wait3A_70 = arith.constant 0 : i32
      %dma_wait3A_71 = arith.constant 0 : i32
      %dma_wait3A_72 = tpu.memref_slice %arg9[%dma_wait3A, %dma_wait3A_70, %dma_wait3A_71] : memref<2x128x128xf32, #tpu.memory_space<vmem>> -> memref<1x128x128xf32, #tpu.memory_space<vmem>>
      %dma_wait3A_73 = tpu.memref_squeeze %dma_wait3A_72 : memref<1x128x128xf32, #tpu.memory_space<vmem>> -> memref<128x128xf32, #tpu.memory_space<vmem>>
      %dma_wait3A_74 = arith.constant 0 : i32
      %dma_wait3A_75 = arith.constant 0 : i32
      %dma_wait3A_76 = tpu.memref_slice %arg2[%dma_wait3A_74, %dma_wait3A_75] : memref<10240x128xf32, #tpu.memory_space<hbm>> -> memref<128x128xf32, #tpu.memory_space<hbm>>
      %dma_wait3A_77 = arith.constant 0 : i32
      %dma_wait3A_78 = arith.constant 0 : i32
      %dma_wait3A_79 = tpu.memref_slice %arg9[%dma_wait3A, %dma_wait3A_77, %dma_wait3A_78] : memref<2x128x128xf32, #tpu.memory_space<vmem>> -> memref<1x128x128xf32, #tpu.memory_space<vmem>>
      %dma_wait3A_80 = tpu.memref_squeeze %dma_wait3A_79 : memref<1x128x128xf32, #tpu.memory_space<vmem>> -> memref<128x128xf32, #tpu.memory_space<vmem>>
      %dma_wait3A_81 = arith.constant 0 : i32
      %dma_wait3A_82 = arith.constant 0 : i32
      %dma_wait3A_83 = tpu.memref_slice %arg2[%dma_wait3A_81, %dma_wait3A_82] : memref<10240x128xf32, #tpu.memory_space<hbm>> -> memref<128x128xf32, #tpu.memory_space<hbm>>
      tpu.wait_dma2 semaphore(%arg11 : memref<!tpu.dma_semaphore, #tpu.memory_space<semaphore_mem>>) src(%dma_wait3A_83 : memref<128x128xf32, #tpu.memory_space<hbm>>) dst(%dma_wait3A_80 : memref<128x128xf32, #tpu.memory_space<vmem>>)
      %run_scoped3A = arith.constant 0 : i32
      "tpu.region"() ({
        %run_scoped3A_116 = tpu.sem_alloc : memref<!tpu.dma_semaphore, #tpu.memory_space<semaphore_mem>>
        %dma_start3A_117 = arith.constant 0 : i32
        %dma_start3A_118 = arith.constant 0 : i32
        %dma_start3A_119 = tpu.memref_slice %arg9[%run_scoped3A, %dma_start3A_117, %dma_start3A_118] : memref<2x128x128xf32, #tpu.memory_space<vmem>> -> memref<1x128x128xf32, #tpu.memory_space<vmem>>
        %dma_start3A_120 = tpu.memref_squeeze %dma_start3A_119 : memref<1x128x128xf32, #tpu.memory_space<vmem>> -> memref<128x128xf32, #tpu.memory_space<vmem>>
        %dma_start3A_121 = arith.constant 0 : i32
        %dma_start3A_122 = tpu.memref_slice %arg8[%add3A_69, %dma_start3A_121] : memref<40x128xi32, #tpu.memory_space<vmem>> -> memref<1x128xi32, #tpu.memory_space<vmem>>
        %dma_start3A_123 = tpu.memref_squeeze %dma_start3A_122 : memref<1x128xi32, #tpu.memory_space<vmem>> -> memref<128xi32, #tpu.memory_space<vmem>>
        %dma_start3A_124 = arith.constant 0 : i32
        %dma_start3A_125 = arith.constant 0 : i32
        %dma_start3A_126 = tpu.memref_slice %arg10[%dma_start3A_124, %dma_start3A_125] : memref<10240x128xf32, #tpu.memory_space<vmem_shared>> -> memref<10240x128xf32, #tpu.memory_space<vmem_shared>>
        tpu.enqueue_indirect_dma source(%dma_start3A_120 : memref<128x128xf32, #tpu.memory_space<vmem>>) target(%dma_start3A_126 : memref<10240x128xf32, #tpu.memory_space<vmem_shared>>) offsets(%dma_start3A_123 : memref<128xi32, #tpu.memory_space<vmem>>) semaphore(%run_scoped3A_116 : memref<!tpu.dma_semaphore, #tpu.memory_space<semaphore_mem>>) {add = true}
        %dma_wait3A_127 = arith.constant 0 : i32
        %dma_wait3A_128 = arith.constant 0 : i32
        %dma_wait3A_129 = tpu.memref_slice %arg9[%run_scoped3A, %dma_wait3A_127, %dma_wait3A_128] : memref<2x128x128xf32, #tpu.memory_space<vmem>> -> memref<1x128x128xf32, #tpu.memory_space<vmem>>
        %dma_wait3A_130 = tpu.memref_squeeze %dma_wait3A_129 : memref<1x128x128xf32, #tpu.memory_space<vmem>> -> memref<128x128xf32, #tpu.memory_space<vmem>>
        %dma_wait3A_131 = arith.constant 0 : i32
        %dma_wait3A_132 = tpu.memref_slice %arg8[%add3A_69, %dma_wait3A_131] : memref<40x128xi32, #tpu.memory_space<vmem>> -> memref<1x128xi32, #tpu.memory_space<vmem>>
        %dma_wait3A_133 = tpu.memref_squeeze %dma_wait3A_132 : memref<1x128xi32, #tpu.memory_space<vmem>> -> memref<128xi32, #tpu.memory_space<vmem>>
        %dma_wait3A_134 = arith.constant 0 : i32
        %dma_wait3A_135 = arith.constant 0 : i32
        %dma_wait3A_136 = tpu.memref_slice %arg10[%dma_wait3A_134, %dma_wait3A_135] : memref<10240x128xf32, #tpu.memory_space<vmem_shared>> -> memref<10240x128xf32, #tpu.memory_space<vmem_shared>>
        tpu.wait_indirect_dma semaphore(%run_scoped3A_116 : memref<!tpu.dma_semaphore, #tpu.memory_space<semaphore_mem>>) src(%dma_wait3A_130 : memref<128x128xf32, #tpu.memory_space<vmem>>) dst(%dma_wait3A_136 : memref<10240x128xf32, #tpu.memory_space<vmem_shared>>)
        tpu.yield
      }) : () -> ()
      %add3A_84 = arith.constant 2 : i32
      %add3A_85 = arith.addi %add3A_69, %add3A_84 : i32
      %lt3A = arith.constant 40 : i32
      %lt3A_86 = arith.cmpi slt, %add3A_85, %lt3A : i32
      %convert_element_type3A = arith.extui %lt3A_86 : i1 to i32
      %cond3A = arith.constant 0 : i32
      %cond3A_87 = arith.cmpi ne, %convert_element_type3A, %cond3A : i32
      scf.if %cond3A_87 {
        %add3A_116 = arith.constant 2 : i32
        %add3A_117 = arith.addi %add3A_69, %add3A_116 : i32
        %dma_start3A_118 = arith.constant 0 : i32
        %dma_start3A_119 = arith.constant 0 : i32
        %dma_start3A_120 = arith.constant 0 : i32
        %dma_start3A_121 = tpu.memref_slice %arg9[%dma_start3A_118, %dma_start3A_119, %dma_start3A_120] : memref<2x128x128xf32, #tpu.memory_space<vmem>> -> memref<1x128x128xf32, #tpu.memory_space<vmem>>
        %dma_start3A_122 = tpu.memref_squeeze %dma_start3A_121 : memref<1x128x128xf32, #tpu.memory_space<vmem>> -> memref<128x128xf32, #tpu.memory_space<vmem>>
        %dma_start3A_123 = arith.constant 0 : i32
        %dma_start3A_124 = tpu.memref_slice %arg7[%add3A_117, %dma_start3A_123] : memref<40x128xi32, #tpu.memory_space<vmem>> -> memref<1x128xi32, #tpu.memory_space<vmem>>
        %dma_start3A_125 = tpu.memref_squeeze %dma_start3A_124 : memref<1x128xi32, #tpu.memory_space<vmem>> -> memref<128xi32, #tpu.memory_space<vmem>>
        %dma_start3A_126 = arith.constant 0 : i32
        %dma_start3A_127 = arith.constant 0 : i32
        %dma_start3A_128 = tpu.memref_slice %arg2[%dma_start3A_126, %dma_start3A_127] : memref<10240x128xf32, #tpu.memory_space<hbm>> -> memref<10240x128xf32, #tpu.memory_space<hbm>>
        tpu.enqueue_indirect_dma source(%dma_start3A_128 : memref<10240x128xf32, #tpu.memory_space<hbm>>) target(%dma_start3A_122 : memref<128x128xf32, #tpu.memory_space<vmem>>) offsets(%dma_start3A_125 : memref<128xi32, #tpu.memory_space<vmem>>) semaphore(%arg11 : memref<!tpu.dma_semaphore, #tpu.memory_space<semaphore_mem>>)
      } else {
      }
      %mul3A_88 = arith.constant 2 : i32
      %mul3A_89 = arith.muli %scan3A_64, %mul3A_88 : i32
      %add3A_90 = arith.constant 1 : i32
      %add3A_91 = arith.addi %mul3A_89, %add3A_90 : i32
      %dma_wait3A_92 = arith.constant 1 : i32
      %dma_wait3A_93 = arith.constant 0 : i32
      %dma_wait3A_94 = arith.constant 0 : i32
      %dma_wait3A_95 = tpu.memref_slice %arg9[%dma_wait3A_92, %dma_wait3A_93, %dma_wait3A_94] : memref<2x128x128xf32, #tpu.memory_space<vmem>> -> memref<1x128x128xf32, #tpu.memory_space<vmem>>
      %dma_wait3A_96 = tpu.memref_squeeze %dma_wait3A_95 : memref<1x128x128xf32, #tpu.memory_space<vmem>> -> memref<128x128xf32, #tpu.memory_space<vmem>>
      %dma_wait3A_97 = arith.constant 0 : i32
      %dma_wait3A_98 = arith.constant 0 : i32
      %dma_wait3A_99 = tpu.memref_slice %arg2[%dma_wait3A_97, %dma_wait3A_98] : memref<10240x128xf32, #tpu.memory_space<hbm>> -> memref<128x128xf32, #tpu.memory_space<hbm>>
      %dma_wait3A_100 = arith.constant 0 : i32
      %dma_wait3A_101 = arith.constant 0 : i32
      %dma_wait3A_102 = tpu.memref_slice %arg9[%dma_wait3A_92, %dma_wait3A_100, %dma_wait3A_101] : memref<2x128x128xf32, #tpu.memory_space<vmem>> -> memref<1x128x128xf32, #tpu.memory_space<vmem>>
      %dma_wait3A_103 = tpu.memref_squeeze %dma_wait3A_102 : memref<1x128x128xf32, #tpu.memory_space<vmem>> -> memref<128x128xf32, #tpu.memory_space<vmem>>
      %dma_wait3A_104 = arith.constant 0 : i32
      %dma_wait3A_105 = arith.constant 0 : i32
      %dma_wait3A_106 = tpu.memref_slice %arg2[%dma_wait3A_104, %dma_wait3A_105] : memref<10240x128xf32, #tpu.memory_space<hbm>> -> memref<128x128xf32, #tpu.memory_space<hbm>>
      tpu.wait_dma2 semaphore(%arg12 : memref<!tpu.dma_semaphore, #tpu.memory_space<semaphore_mem>>) src(%dma_wait3A_106 : memref<128x128xf32, #tpu.memory_space<hbm>>) dst(%dma_wait3A_103 : memref<128x128xf32, #tpu.memory_space<vmem>>)
      %run_scoped3A_107 = arith.constant 1 : i32
      "tpu.region"() ({
        %run_scoped3A_116 = tpu.sem_alloc : memref<!tpu.dma_semaphore, #tpu.memory_space<semaphore_mem>>
        %dma_start3A_117 = arith.constant 0 : i32
        %dma_start3A_118 = arith.constant 0 : i32
        %dma_start3A_119 = tpu.memref_slice %arg9[%run_scoped3A_107, %dma_start3A_117, %dma_start3A_118] : memref<2x128x128xf32, #tpu.memory_space<vmem>> -> memref<1x128x128xf32, #tpu.memory_space<vmem>>
        %dma_start3A_120 = tpu.memref_squeeze %dma_start3A_119 : memref<1x128x128xf32, #tpu.memory_space<vmem>> -> memref<128x128xf32, #tpu.memory_space<vmem>>
        %dma_start3A_121 = arith.constant 0 : i32
        %dma_start3A_122 = tpu.memref_slice %arg8[%add3A_91, %dma_start3A_121] : memref<40x128xi32, #tpu.memory_space<vmem>> -> memref<1x128xi32, #tpu.memory_space<vmem>>
        %dma_start3A_123 = tpu.memref_squeeze %dma_start3A_122 : memref<1x128xi32, #tpu.memory_space<vmem>> -> memref<128xi32, #tpu.memory_space<vmem>>
        %dma_start3A_124 = arith.constant 0 : i32
        %dma_start3A_125 = arith.constant 0 : i32
        %dma_start3A_126 = tpu.memref_slice %arg10[%dma_start3A_124, %dma_start3A_125] : memref<10240x128xf32, #tpu.memory_space<vmem_shared>> -> memref<10240x128xf32, #tpu.memory_space<vmem_shared>>
        tpu.enqueue_indirect_dma source(%dma_start3A_120 : memref<128x128xf32, #tpu.memory_space<vmem>>) target(%dma_start3A_126 : memref<10240x128xf32, #tpu.memory_space<vmem_shared>>) offsets(%dma_start3A_123 : memref<128xi32, #tpu.memory_space<vmem>>) semaphore(%run_scoped3A_116 : memref<!tpu.dma_semaphore, #tpu.memory_space<semaphore_mem>>) {add = true}
        %dma_wait3A_127 = arith.constant 0 : i32
        %dma_wait3A_128 = arith.constant 0 : i32
        %dma_wait3A_129 = tpu.memref_slice %arg9[%run_scoped3A_107, %dma_wait3A_127, %dma_wait3A_128] : memref<2x128x128xf32, #tpu.memory_space<vmem>> -> memref<1x128x128xf32, #tpu.memory_space<vmem>>
        %dma_wait3A_130 = tpu.memref_squeeze %dma_wait3A_129 : memref<1x128x128xf32, #tpu.memory_space<vmem>> -> memref<128x128xf32, #tpu.memory_space<vmem>>
        %dma_wait3A_131 = arith.constant 0 : i32
        %dma_wait3A_132 = tpu.memref_slice %arg8[%add3A_91, %dma_wait3A_131] : memref<40x128xi32, #tpu.memory_space<vmem>> -> memref<1x128xi32, #tpu.memory_space<vmem>>
        %dma_wait3A_133 = tpu.memref_squeeze %dma_wait3A_132 : memref<1x128xi32, #tpu.memory_space<vmem>> -> memref<128xi32, #tpu.memory_space<vmem>>
        %dma_wait3A_134 = arith.constant 0 : i32
        %dma_wait3A_135 = arith.constant 0 : i32
        %dma_wait3A_136 = tpu.memref_slice %arg10[%dma_wait3A_134, %dma_wait3A_135] : memref<10240x128xf32, #tpu.memory_space<vmem_shared>> -> memref<10240x128xf32, #tpu.memory_space<vmem_shared>>
        tpu.wait_indirect_dma semaphore(%run_scoped3A_116 : memref<!tpu.dma_semaphore, #tpu.memory_space<semaphore_mem>>) src(%dma_wait3A_130 : memref<128x128xf32, #tpu.memory_space<vmem>>) dst(%dma_wait3A_136 : memref<10240x128xf32, #tpu.memory_space<vmem_shared>>)
        tpu.yield
      }) : () -> ()
      %add3A_108 = arith.constant 2 : i32
      %add3A_109 = arith.addi %add3A_91, %add3A_108 : i32
      %lt3A_110 = arith.constant 40 : i32
      %lt3A_111 = arith.cmpi slt, %add3A_109, %lt3A_110 : i32
      %convert_element_type3A_112 = arith.extui %lt3A_111 : i1 to i32
      %cond3A_113 = arith.constant 0 : i32
      %cond3A_114 = arith.cmpi ne, %convert_element_type3A_112, %cond3A_113 : i32
      scf.if %cond3A_114 {
        %add3A_116 = arith.constant 2 : i32
        %add3A_117 = arith.addi %add3A_91, %add3A_116 : i32
        %dma_start3A_118 = arith.constant 1 : i32
        %dma_start3A_119 = arith.constant 0 : i32
        %dma_start3A_120 = arith.constant 0 : i32
        %dma_start3A_121 = tpu.memref_slice %arg9[%dma_start3A_118, %dma_start3A_119, %dma_start3A_120] : memref<2x128x128xf32, #tpu.memory_space<vmem>> -> memref<1x128x128xf32, #tpu.memory_space<vmem>>
        %dma_start3A_122 = tpu.memref_squeeze %dma_start3A_121 : memref<1x128x128xf32, #tpu.memory_space<vmem>> -> memref<128x128xf32, #tpu.memory_space<vmem>>
        %dma_start3A_123 = arith.constant 0 : i32
        %dma_start3A_124 = tpu.memref_slice %arg7[%add3A_117, %dma_start3A_123] : memref<40x128xi32, #tpu.memory_space<vmem>> -> memref<1x128xi32, #tpu.memory_space<vmem>>
        %dma_start3A_125 = tpu.memref_squeeze %dma_start3A_124 : memref<1x128xi32, #tpu.memory_space<vmem>> -> memref<128xi32, #tpu.memory_space<vmem>>
        %dma_start3A_126 = arith.constant 0 : i32
        %dma_start3A_127 = arith.constant 0 : i32
        %dma_start3A_128 = tpu.memref_slice %arg2[%dma_start3A_126, %dma_start3A_127] : memref<10240x128xf32, #tpu.memory_space<hbm>> -> memref<10240x128xf32, #tpu.memory_space<hbm>>
        tpu.enqueue_indirect_dma source(%dma_start3A_128 : memref<10240x128xf32, #tpu.memory_space<hbm>>) target(%dma_start3A_122 : memref<128x128xf32, #tpu.memory_space<vmem>>) offsets(%dma_start3A_125 : memref<128xi32, #tpu.memory_space<vmem>>) semaphore(%arg12 : memref<!tpu.dma_semaphore, #tpu.memory_space<semaphore_mem>>)
      } else {
      }
      %scan3A_115 = arith.constant 0 : i32
      scf.yield %scan3A_115 : i32
    }
    %scan3A_31 = arith.constant 20 : i32
    "tpu.region"() ({
      %run_scoped3A = tpu.sem_alloc : memref<!tpu.dma_semaphore, #tpu.memory_space<semaphore_mem>>
      %dma_start3A_64 = arith.constant 40 : i32
      %dma_start3A_65 = arith.constant 0 : i32
      %dma_start3A_66 = tpu.memref_slice %arg3[%add3A, %dma_start3A_64, %dma_start3A_65] : memref<32x80x128xi32, #tpu.memory_space<hbm>> -> memref<1x40x128xi32, #tpu.memory_space<hbm>>
      %dma_start3A_67 = tpu.memref_squeeze %dma_start3A_66 : memref<1x40x128xi32, #tpu.memory_space<hbm>> -> memref<40x128xi32, #tpu.memory_space<hbm>>
      %dma_start3A_68 = arith.constant 40 : i32
      %dma_start3A_69 = arith.constant 0 : i32
      %dma_start3A_70 = tpu.memref_slice %arg3[%add3A, %dma_start3A_68, %dma_start3A_69] : memref<32x80x128xi32, #tpu.memory_space<hbm>> -> memref<1x40x128xi32, #tpu.memory_space<hbm>>
      %dma_start3A_71 = tpu.memref_squeeze %dma_start3A_70 : memref<1x40x128xi32, #tpu.memory_space<hbm>> -> memref<40x128xi32, #tpu.memory_space<hbm>>
      tpu.enqueue_dma source(%dma_start3A_71 : memref<40x128xi32, #tpu.memory_space<hbm>>) target(%arg7 : memref<40x128xi32, #tpu.memory_space<vmem>>) target_semaphore(%run_scoped3A : memref<!tpu.dma_semaphore, #tpu.memory_space<semaphore_mem>>)
      %dma_wait3A = arith.constant 40 : i32
      %dma_wait3A_72 = arith.constant 0 : i32
      %dma_wait3A_73 = tpu.memref_slice %arg3[%add3A, %dma_wait3A, %dma_wait3A_72] : memref<32x80x128xi32, #tpu.memory_space<hbm>> -> memref<1x40x128xi32, #tpu.memory_space<hbm>>
      %dma_wait3A_74 = tpu.memref_squeeze %dma_wait3A_73 : memref<1x40x128xi32, #tpu.memory_space<hbm>> -> memref<40x128xi32, #tpu.memory_space<hbm>>
      %dma_wait3A_75 = arith.constant 40 : i32
      %dma_wait3A_76 = arith.constant 0 : i32
      %dma_wait3A_77 = tpu.memref_slice %arg3[%add3A, %dma_wait3A_75, %dma_wait3A_76] : memref<32x80x128xi32, #tpu.memory_space<hbm>> -> memref<1x40x128xi32, #tpu.memory_space<hbm>>
      %dma_wait3A_78 = tpu.memref_squeeze %dma_wait3A_77 : memref<1x40x128xi32, #tpu.memory_space<hbm>> -> memref<40x128xi32, #tpu.memory_space<hbm>>
      tpu.wait_dma2 semaphore(%run_scoped3A : memref<!tpu.dma_semaphore, #tpu.memory_space<semaphore_mem>>) src(%dma_wait3A_78 : memref<40x128xi32, #tpu.memory_space<hbm>>) dst(%arg7 : memref<40x128xi32, #tpu.memory_space<vmem>>)
      tpu.yield
    }) : () -> ()
    "tpu.region"() ({
      %run_scoped3A = tpu.sem_alloc : memref<!tpu.dma_semaphore, #tpu.memory_space<semaphore_mem>>
      %dma_start3A_64 = arith.constant 40 : i32
      %dma_start3A_65 = arith.constant 0 : i32
      %dma_start3A_66 = tpu.memref_slice %arg4[%add3A, %dma_start3A_64, %dma_start3A_65] : memref<32x80x128xi32, #tpu.memory_space<hbm>> -> memref<1x40x128xi32, #tpu.memory_space<hbm>>
      %dma_start3A_67 = tpu.memref_squeeze %dma_start3A_66 : memref<1x40x128xi32, #tpu.memory_space<hbm>> -> memref<40x128xi32, #tpu.memory_space<hbm>>
      %dma_start3A_68 = arith.constant 40 : i32
      %dma_start3A_69 = arith.constant 0 : i32
      %dma_start3A_70 = tpu.memref_slice %arg4[%add3A, %dma_start3A_68, %dma_start3A_69] : memref<32x80x128xi32, #tpu.memory_space<hbm>> -> memref<1x40x128xi32, #tpu.memory_space<hbm>>
      %dma_start3A_71 = tpu.memref_squeeze %dma_start3A_70 : memref<1x40x128xi32, #tpu.memory_space<hbm>> -> memref<40x128xi32, #tpu.memory_space<hbm>>
      tpu.enqueue_dma source(%dma_start3A_71 : memref<40x128xi32, #tpu.memory_space<hbm>>) target(%arg8 : memref<40x128xi32, #tpu.memory_space<vmem>>) target_semaphore(%run_scoped3A : memref<!tpu.dma_semaphore, #tpu.memory_space<semaphore_mem>>)
      %dma_wait3A = arith.constant 40 : i32
      %dma_wait3A_72 = arith.constant 0 : i32
      %dma_wait3A_73 = tpu.memref_slice %arg4[%add3A, %dma_wait3A, %dma_wait3A_72] : memref<32x80x128xi32, #tpu.memory_space<hbm>> -> memref<1x40x128xi32, #tpu.memory_space<hbm>>
      %dma_wait3A_74 = tpu.memref_squeeze %dma_wait3A_73 : memref<1x40x128xi32, #tpu.memory_space<hbm>> -> memref<40x128xi32, #tpu.memory_space<hbm>>
      %dma_wait3A_75 = arith.constant 40 : i32
      %dma_wait3A_76 = arith.constant 0 : i32
      %dma_wait3A_77 = tpu.memref_slice %arg4[%add3A, %dma_wait3A_75, %dma_wait3A_76] : memref<32x80x128xi32, #tpu.memory_space<hbm>> -> memref<1x40x128xi32, #tpu.memory_space<hbm>>
      %dma_wait3A_78 = tpu.memref_squeeze %dma_wait3A_77 : memref<1x40x128xi32, #tpu.memory_space<hbm>> -> memref<40x128xi32, #tpu.memory_space<hbm>>
      tpu.wait_dma2 semaphore(%run_scoped3A : memref<!tpu.dma_semaphore, #tpu.memory_space<semaphore_mem>>) src(%dma_wait3A_78 : memref<40x128xi32, #tpu.memory_space<hbm>>) dst(%arg8 : memref<40x128xi32, #tpu.memory_space<vmem>>)
      tpu.yield
    }) : () -> ()
    %dma_start3A_32 = arith.constant 0 : i32
    %dma_start3A_33 = arith.constant 0 : i32
    %dma_start3A_34 = arith.constant 0 : i32
    %dma_start3A_35 = arith.constant 0 : i32
    %dma_start3A_36 = tpu.memref_slice %arg9[%dma_start3A_33, %dma_start3A_34, %dma_start3A_35] : memref<2x128x128xf32, #tpu.memory_space<vmem>> -> memref<1x128x128xf32, #tpu.memory_space<vmem>>
    %dma_start3A_37 = tpu.memref_squeeze %dma_start3A_36 : memref<1x128x128xf32, #tpu.memory_space<vmem>> -> memref<128x128xf32, #tpu.memory_space<vmem>>
    %dma_start3A_38 = arith.constant 0 : i32
    %dma_start3A_39 = tpu.memref_slice %arg7[%dma_start3A_32, %dma_start3A_38] : memref<40x128xi32, #tpu.memory_space<vmem>> -> memref<1x128xi32, #tpu.memory_space<vmem>>
    %dma_start3A_40 = tpu.memref_squeeze %dma_start3A_39 : memref<1x128xi32, #tpu.memory_space<vmem>> -> memref<128xi32, #tpu.memory_space<vmem>>
    %dma_start3A_41 = arith.constant 0 : i32
    %dma_start3A_42 = arith.constant 0 : i32
    %dma_start3A_43 = tpu.memref_slice %arg2[%dma_start3A_41, %dma_start3A_42] : memref<10240x128xf32, #tpu.memory_space<hbm>> -> memref<10240x128xf32, #tpu.memory_space<hbm>>
    tpu.enqueue_indirect_dma source(%dma_start3A_43 : memref<10240x128xf32, #tpu.memory_space<hbm>>) target(%dma_start3A_37 : memref<128x128xf32, #tpu.memory_space<vmem>>) offsets(%dma_start3A_40 : memref<128xi32, #tpu.memory_space<vmem>>) semaphore(%arg11 : memref<!tpu.dma_semaphore, #tpu.memory_space<semaphore_mem>>)
    %dma_start3A_44 = arith.constant 1 : i32
    %dma_start3A_45 = arith.constant 1 : i32
    %dma_start3A_46 = arith.constant 0 : i32
    %dma_start3A_47 = arith.constant 0 : i32
    %dma_start3A_48 = tpu.memref_slice %arg9[%dma_start3A_45, %dma_start3A_46, %dma_start3A_47] : memref<2x128x128xf32, #tpu.memory_space<vmem>> -> memref<1x128x128xf32, #tpu.memory_space<vmem>>
    %dma_start3A_49 = tpu.memref_squeeze %dma_start3A_48 : memref<1x128x128xf32, #tpu.memory_space<vmem>> -> memref<128x128xf32, #tpu.memory_space<vmem>>
    %dma_start3A_50 = arith.constant 0 : i32
    %dma_start3A_51 = tpu.memref_slice %arg7[%dma_start3A_44, %dma_start3A_50] : memref<40x128xi32, #tpu.memory_space<vmem>> -> memref<1x128xi32, #tpu.memory_space<vmem>>
    %dma_start3A_52 = tpu.memref_squeeze %dma_start3A_51 : memref<1x128xi32, #tpu.memory_space<vmem>> -> memref<128xi32, #tpu.memory_space<vmem>>
    %dma_start3A_53 = arith.constant 0 : i32
    %dma_start3A_54 = arith.constant 0 : i32
    %dma_start3A_55 = tpu.memref_slice %arg2[%dma_start3A_53, %dma_start3A_54] : memref<10240x128xf32, #tpu.memory_space<hbm>> -> memref<10240x128xf32, #tpu.memory_space<hbm>>
    tpu.enqueue_indirect_dma source(%dma_start3A_55 : memref<10240x128xf32, #tpu.memory_space<hbm>>) target(%dma_start3A_49 : memref<128x128xf32, #tpu.memory_space<vmem>>) offsets(%dma_start3A_52 : memref<128xi32, #tpu.memory_space<vmem>>) semaphore(%arg12 : memref<!tpu.dma_semaphore, #tpu.memory_space<semaphore_mem>>)
    %scan3A_56 = arith.constant 0 : i32
    %scan3A_57 = arith.constant 0 : i32
    %scan3A_58 = arith.constant 20 : i32
    %scan3A_59 = arith.addi %scan3A_57, %scan3A_58 : i32
    %scan3A_60 = arith.constant 1 : i32
    %scan3A_61 = scf.for %scan3A_64 = %scan3A_57 to %scan3A_59 step %scan3A_60 iter_args(%scan3A_65 = %scan3A_56) -> (i32)  : i32 {
      %mul3A_66 = arith.constant 2 : i32
      %mul3A_67 = arith.muli %scan3A_64, %mul3A_66 : i32
      %add3A_68 = arith.constant 0 : i32
      %add3A_69 = arith.addi %mul3A_67, %add3A_68 : i32
      %dma_wait3A = arith.constant 0 : i32
      %dma_wait3A_70 = arith.constant 0 : i32
      %dma_wait3A_71 = arith.constant 0 : i32
      %dma_wait3A_72 = tpu.memref_slice %arg9[%dma_wait3A, %dma_wait3A_70, %dma_wait3A_71] : memref<2x128x128xf32, #tpu.memory_space<vmem>> -> memref<1x128x128xf32, #tpu.memory_space<vmem>>
      %dma_wait3A_73 = tpu.memref_squeeze %dma_wait3A_72 : memref<1x128x128xf32, #tpu.memory_space<vmem>> -> memref<128x128xf32, #tpu.memory_space<vmem>>
      %dma_wait3A_74 = arith.constant 0 : i32
      %dma_wait3A_75 = arith.constant 0 : i32
      %dma_wait3A_76 = tpu.memref_slice %arg2[%dma_wait3A_74, %dma_wait3A_75] : memref<10240x128xf32, #tpu.memory_space<hbm>> -> memref<128x128xf32, #tpu.memory_space<hbm>>
      %dma_wait3A_77 = arith.constant 0 : i32
      %dma_wait3A_78 = arith.constant 0 : i32
      %dma_wait3A_79 = tpu.memref_slice %arg9[%dma_wait3A, %dma_wait3A_77, %dma_wait3A_78] : memref<2x128x128xf32, #tpu.memory_space<vmem>> -> memref<1x128x128xf32, #tpu.memory_space<vmem>>
      %dma_wait3A_80 = tpu.memref_squeeze %dma_wait3A_79 : memref<1x128x128xf32, #tpu.memory_space<vmem>> -> memref<128x128xf32, #tpu.memory_space<vmem>>
      %dma_wait3A_81 = arith.constant 0 : i32
      %dma_wait3A_82 = arith.constant 0 : i32
      %dma_wait3A_83 = tpu.memref_slice %arg2[%dma_wait3A_81, %dma_wait3A_82] : memref<10240x128xf32, #tpu.memory_space<hbm>> -> memref<128x128xf32, #tpu.memory_space<hbm>>
      tpu.wait_dma2 semaphore(%arg11 : memref<!tpu.dma_semaphore, #tpu.memory_space<semaphore_mem>>) src(%dma_wait3A_83 : memref<128x128xf32, #tpu.memory_space<hbm>>) dst(%dma_wait3A_80 : memref<128x128xf32, #tpu.memory_space<vmem>>)
      %run_scoped3A = arith.constant 0 : i32
      "tpu.region"() ({
        %run_scoped3A_116 = tpu.sem_alloc : memref<!tpu.dma_semaphore, #tpu.memory_space<semaphore_mem>>
        %dma_start3A_117 = arith.constant 0 : i32
        %dma_start3A_118 = arith.constant 0 : i32
        %dma_start3A_119 = tpu.memref_slice %arg9[%run_scoped3A, %dma_start3A_117, %dma_start3A_118] : memref<2x128x128xf32, #tpu.memory_space<vmem>> -> memref<1x128x128xf32, #tpu.memory_space<vmem>>
        %dma_start3A_120 = tpu.memref_squeeze %dma_start3A_119 : memref<1x128x128xf32, #tpu.memory_space<vmem>> -> memref<128x128xf32, #tpu.memory_space<vmem>>
        %dma_start3A_121 = arith.constant 0 : i32
        %dma_start3A_122 = tpu.memref_slice %arg8[%add3A_69, %dma_start3A_121] : memref<40x128xi32, #tpu.memory_space<vmem>> -> memref<1x128xi32, #tpu.memory_space<vmem>>
        %dma_start3A_123 = tpu.memref_squeeze %dma_start3A_122 : memref<1x128xi32, #tpu.memory_space<vmem>> -> memref<128xi32, #tpu.memory_space<vmem>>
        %dma_start3A_124 = arith.constant 0 : i32
        %dma_start3A_125 = arith.constant 0 : i32
        %dma_start3A_126 = tpu.memref_slice %arg10[%dma_start3A_124, %dma_start3A_125] : memref<10240x128xf32, #tpu.memory_space<vmem_shared>> -> memref<10240x128xf32, #tpu.memory_space<vmem_shared>>
        tpu.enqueue_indirect_dma source(%dma_start3A_120 : memref<128x128xf32, #tpu.memory_space<vmem>>) target(%dma_start3A_126 : memref<10240x128xf32, #tpu.memory_space<vmem_shared>>) offsets(%dma_start3A_123 : memref<128xi32, #tpu.memory_space<vmem>>) semaphore(%run_scoped3A_116 : memref<!tpu.dma_semaphore, #tpu.memory_space<semaphore_mem>>) {add = true}
        %dma_wait3A_127 = arith.constant 0 : i32
        %dma_wait3A_128 = arith.constant 0 : i32
        %dma_wait3A_129 = tpu.memref_slice %arg9[%run_scoped3A, %dma_wait3A_127, %dma_wait3A_128] : memref<2x128x128xf32, #tpu.memory_space<vmem>> -> memref<1x128x128xf32, #tpu.memory_space<vmem>>
        %dma_wait3A_130 = tpu.memref_squeeze %dma_wait3A_129 : memref<1x128x128xf32, #tpu.memory_space<vmem>> -> memref<128x128xf32, #tpu.memory_space<vmem>>
        %dma_wait3A_131 = arith.constant 0 : i32
        %dma_wait3A_132 = tpu.memref_slice %arg8[%add3A_69, %dma_wait3A_131] : memref<40x128xi32, #tpu.memory_space<vmem>> -> memref<1x128xi32, #tpu.memory_space<vmem>>
        %dma_wait3A_133 = tpu.memref_squeeze %dma_wait3A_132 : memref<1x128xi32, #tpu.memory_space<vmem>> -> memref<128xi32, #tpu.memory_space<vmem>>
        %dma_wait3A_134 = arith.constant 0 : i32
        %dma_wait3A_135 = arith.constant 0 : i32
        %dma_wait3A_136 = tpu.memref_slice %arg10[%dma_wait3A_134, %dma_wait3A_135] : memref<10240x128xf32, #tpu.memory_space<vmem_shared>> -> memref<10240x128xf32, #tpu.memory_space<vmem_shared>>
        tpu.wait_indirect_dma semaphore(%run_scoped3A_116 : memref<!tpu.dma_semaphore, #tpu.memory_space<semaphore_mem>>) src(%dma_wait3A_130 : memref<128x128xf32, #tpu.memory_space<vmem>>) dst(%dma_wait3A_136 : memref<10240x128xf32, #tpu.memory_space<vmem_shared>>)
        tpu.yield
      }) : () -> ()
      %add3A_84 = arith.constant 2 : i32
      %add3A_85 = arith.addi %add3A_69, %add3A_84 : i32
      %lt3A = arith.constant 40 : i32
      %lt3A_86 = arith.cmpi slt, %add3A_85, %lt3A : i32
      %convert_element_type3A = arith.extui %lt3A_86 : i1 to i32
      %cond3A = arith.constant 0 : i32
      %cond3A_87 = arith.cmpi ne, %convert_element_type3A, %cond3A : i32
      scf.if %cond3A_87 {
        %add3A_116 = arith.constant 2 : i32
        %add3A_117 = arith.addi %add3A_69, %add3A_116 : i32
        %dma_start3A_118 = arith.constant 0 : i32
        %dma_start3A_119 = arith.constant 0 : i32
        %dma_start3A_120 = arith.constant 0 : i32
        %dma_start3A_121 = tpu.memref_slice %arg9[%dma_start3A_118, %dma_start3A_119, %dma_start3A_120] : memref<2x128x128xf32, #tpu.memory_space<vmem>> -> memref<1x128x128xf32, #tpu.memory_space<vmem>>
        %dma_start3A_122 = tpu.memref_squeeze %dma_start3A_121 : memref<1x128x128xf32, #tpu.memory_space<vmem>> -> memref<128x128xf32, #tpu.memory_space<vmem>>
        %dma_start3A_123 = arith.constant 0 : i32
        %dma_start3A_124 = tpu.memref_slice %arg7[%add3A_117, %dma_start3A_123] : memref<40x128xi32, #tpu.memory_space<vmem>> -> memref<1x128xi32, #tpu.memory_space<vmem>>
        %dma_start3A_125 = tpu.memref_squeeze %dma_start3A_124 : memref<1x128xi32, #tpu.memory_space<vmem>> -> memref<128xi32, #tpu.memory_space<vmem>>
        %dma_start3A_126 = arith.constant 0 : i32
        %dma_start3A_127 = arith.constant 0 : i32
        %dma_start3A_128 = tpu.memref_slice %arg2[%dma_start3A_126, %dma_start3A_127] : memref<10240x128xf32, #tpu.memory_space<hbm>> -> memref<10240x128xf32, #tpu.memory_space<hbm>>
        tpu.enqueue_indirect_dma source(%dma_start3A_128 : memref<10240x128xf32, #tpu.memory_space<hbm>>) target(%dma_start3A_122 : memref<128x128xf32, #tpu.memory_space<vmem>>) offsets(%dma_start3A_125 : memref<128xi32, #tpu.memory_space<vmem>>) semaphore(%arg11 : memref<!tpu.dma_semaphore, #tpu.memory_space<semaphore_mem>>)
      } else {
      }
      %mul3A_88 = arith.constant 2 : i32
      %mul3A_89 = arith.muli %scan3A_64, %mul3A_88 : i32
      %add3A_90 = arith.constant 1 : i32
      %add3A_91 = arith.addi %mul3A_89, %add3A_90 : i32
      %dma_wait3A_92 = arith.constant 1 : i32
      %dma_wait3A_93 = arith.constant 0 : i32
      %dma_wait3A_94 = arith.constant 0 : i32
      %dma_wait3A_95 = tpu.memref_slice %arg9[%dma_wait3A_92, %dma_wait3A_93, %dma_wait3A_94] : memref<2x128x128xf32, #tpu.memory_space<vmem>> -> memref<1x128x128xf32, #tpu.memory_space<vmem>>
      %dma_wait3A_96 = tpu.memref_squeeze %dma_wait3A_95 : memref<1x128x128xf32, #tpu.memory_space<vmem>> -> memref<128x128xf32, #tpu.memory_space<vmem>>
      %dma_wait3A_97 = arith.constant 0 : i32
      %dma_wait3A_98 = arith.constant 0 : i32
      %dma_wait3A_99 = tpu.memref_slice %arg2[%dma_wait3A_97, %dma_wait3A_98] : memref<10240x128xf32, #tpu.memory_space<hbm>> -> memref<128x128xf32, #tpu.memory_space<hbm>>
      %dma_wait3A_100 = arith.constant 0 : i32
      %dma_wait3A_101 = arith.constant 0 : i32
      %dma_wait3A_102 = tpu.memref_slice %arg9[%dma_wait3A_92, %dma_wait3A_100, %dma_wait3A_101] : memref<2x128x128xf32, #tpu.memory_space<vmem>> -> memref<1x128x128xf32, #tpu.memory_space<vmem>>
      %dma_wait3A_103 = tpu.memref_squeeze %dma_wait3A_102 : memref<1x128x128xf32, #tpu.memory_space<vmem>> -> memref<128x128xf32, #tpu.memory_space<vmem>>
      %dma_wait3A_104 = arith.constant 0 : i32
      %dma_wait3A_105 = arith.constant 0 : i32
      %dma_wait3A_106 = tpu.memref_slice %arg2[%dma_wait3A_104, %dma_wait3A_105] : memref<10240x128xf32, #tpu.memory_space<hbm>> -> memref<128x128xf32, #tpu.memory_space<hbm>>
      tpu.wait_dma2 semaphore(%arg12 : memref<!tpu.dma_semaphore, #tpu.memory_space<semaphore_mem>>) src(%dma_wait3A_106 : memref<128x128xf32, #tpu.memory_space<hbm>>) dst(%dma_wait3A_103 : memref<128x128xf32, #tpu.memory_space<vmem>>)
      %run_scoped3A_107 = arith.constant 1 : i32
      "tpu.region"() ({
        %run_scoped3A_116 = tpu.sem_alloc : memref<!tpu.dma_semaphore, #tpu.memory_space<semaphore_mem>>
        %dma_start3A_117 = arith.constant 0 : i32
        %dma_start3A_118 = arith.constant 0 : i32
        %dma_start3A_119 = tpu.memref_slice %arg9[%run_scoped3A_107, %dma_start3A_117, %dma_start3A_118] : memref<2x128x128xf32, #tpu.memory_space<vmem>> -> memref<1x128x128xf32, #tpu.memory_space<vmem>>
        %dma_start3A_120 = tpu.memref_squeeze %dma_start3A_119 : memref<1x128x128xf32, #tpu.memory_space<vmem>> -> memref<128x128xf32, #tpu.memory_space<vmem>>
        %dma_start3A_121 = arith.constant 0 : i32
        %dma_start3A_122 = tpu.memref_slice %arg8[%add3A_91, %dma_start3A_121] : memref<40x128xi32, #tpu.memory_space<vmem>> -> memref<1x128xi32, #tpu.memory_space<vmem>>
        %dma_start3A_123 = tpu.memref_squeeze %dma_start3A_122 : memref<1x128xi32, #tpu.memory_space<vmem>> -> memref<128xi32, #tpu.memory_space<vmem>>
        %dma_start3A_124 = arith.constant 0 : i32
        %dma_start3A_125 = arith.constant 0 : i32
        %dma_start3A_126 = tpu.memref_slice %arg10[%dma_start3A_124, %dma_start3A_125] : memref<10240x128xf32, #tpu.memory_space<vmem_shared>> -> memref<10240x128xf32, #tpu.memory_space<vmem_shared>>
        tpu.enqueue_indirect_dma source(%dma_start3A_120 : memref<128x128xf32, #tpu.memory_space<vmem>>) target(%dma_start3A_126 : memref<10240x128xf32, #tpu.memory_space<vmem_shared>>) offsets(%dma_start3A_123 : memref<128xi32, #tpu.memory_space<vmem>>) semaphore(%run_scoped3A_116 : memref<!tpu.dma_semaphore, #tpu.memory_space<semaphore_mem>>) {add = true}
        %dma_wait3A_127 = arith.constant 0 : i32
        %dma_wait3A_128 = arith.constant 0 : i32
        %dma_wait3A_129 = tpu.memref_slice %arg9[%run_scoped3A_107, %dma_wait3A_127, %dma_wait3A_128] : memref<2x128x128xf32, #tpu.memory_space<vmem>> -> memref<1x128x128xf32, #tpu.memory_space<vmem>>
        %dma_wait3A_130 = tpu.memref_squeeze %dma_wait3A_129 : memref<1x128x128xf32, #tpu.memory_space<vmem>> -> memref<128x128xf32, #tpu.memory_space<vmem>>
        %dma_wait3A_131 = arith.constant 0 : i32
        %dma_wait3A_132 = tpu.memref_slice %arg8[%add3A_91, %dma_wait3A_131] : memref<40x128xi32, #tpu.memory_space<vmem>> -> memref<1x128xi32, #tpu.memory_space<vmem>>
        %dma_wait3A_133 = tpu.memref_squeeze %dma_wait3A_132 : memref<1x128xi32, #tpu.memory_space<vmem>> -> memref<128xi32, #tpu.memory_space<vmem>>
        %dma_wait3A_134 = arith.constant 0 : i32
        %dma_wait3A_135 = arith.constant 0 : i32
        %dma_wait3A_136 = tpu.memref_slice %arg10[%dma_wait3A_134, %dma_wait3A_135] : memref<10240x128xf32, #tpu.memory_space<vmem_shared>> -> memref<10240x128xf32, #tpu.memory_space<vmem_shared>>
        tpu.wait_indirect_dma semaphore(%run_scoped3A_116 : memref<!tpu.dma_semaphore, #tpu.memory_space<semaphore_mem>>) src(%dma_wait3A_130 : memref<128x128xf32, #tpu.memory_space<vmem>>) dst(%dma_wait3A_136 : memref<10240x128xf32, #tpu.memory_space<vmem_shared>>)
        tpu.yield
      }) : () -> ()
      %add3A_108 = arith.constant 2 : i32
      %add3A_109 = arith.addi %add3A_91, %add3A_108 : i32
      %lt3A_110 = arith.constant 40 : i32
      %lt3A_111 = arith.cmpi slt, %add3A_109, %lt3A_110 : i32
      %convert_element_type3A_112 = arith.extui %lt3A_111 : i1 to i32
      %cond3A_113 = arith.constant 0 : i32
      %cond3A_114 = arith.cmpi ne, %convert_element_type3A_112, %cond3A_113 : i32
      scf.if %cond3A_114 {
        %add3A_116 = arith.constant 2 : i32
        %add3A_117 = arith.addi %add3A_91, %add3A_116 : i32
        %dma_start3A_118 = arith.constant 1 : i32
        %dma_start3A_119 = arith.constant 0 : i32
        %dma_start3A_120 = arith.constant 0 : i32
        %dma_start3A_121 = tpu.memref_slice %arg9[%dma_start3A_118, %dma_start3A_119, %dma_start3A_120] : memref<2x128x128xf32, #tpu.memory_space<vmem>> -> memref<1x128x128xf32, #tpu.memory_space<vmem>>
        %dma_start3A_122 = tpu.memref_squeeze %dma_start3A_121 : memref<1x128x128xf32, #tpu.memory_space<vmem>> -> memref<128x128xf32, #tpu.memory_space<vmem>>
        %dma_start3A_123 = arith.constant 0 : i32
        %dma_start3A_124 = tpu.memref_slice %arg7[%add3A_117, %dma_start3A_123] : memref<40x128xi32, #tpu.memory_space<vmem>> -> memref<1x128xi32, #tpu.memory_space<vmem>>
        %dma_start3A_125 = tpu.memref_squeeze %dma_start3A_124 : memref<1x128xi32, #tpu.memory_space<vmem>> -> memref<128xi32, #tpu.memory_space<vmem>>
        %dma_start3A_126 = arith.constant 0 : i32
        %dma_start3A_127 = arith.constant 0 : i32
        %dma_start3A_128 = tpu.memref_slice %arg2[%dma_start3A_126, %dma_start3A_127] : memref<10240x128xf32, #tpu.memory_space<hbm>> -> memref<10240x128xf32, #tpu.memory_space<hbm>>
        tpu.enqueue_indirect_dma source(%dma_start3A_128 : memref<10240x128xf32, #tpu.memory_space<hbm>>) target(%dma_start3A_122 : memref<128x128xf32, #tpu.memory_space<vmem>>) offsets(%dma_start3A_125 : memref<128xi32, #tpu.memory_space<vmem>>) semaphore(%arg12 : memref<!tpu.dma_semaphore, #tpu.memory_space<semaphore_mem>>)
      } else {
      }
      %scan3A_115 = arith.constant 0 : i32
      scf.yield %scan3A_115 : i32
    }
    %scan3A_62 = arith.constant 20 : i32
    %barrier3A_63 = arith.constant 0 : index
    tpu.barrier barrier_id(%barrier3A_63)
    "tpu.region"() ({
      %run_scoped3A = tpu.sem_alloc : memref<!tpu.dma_semaphore, #tpu.memory_space<semaphore_mem>>
      %dma_start3A_64 = arith.constant 0 : i32
      %dma_start3A_65 = tpu.memref_slice %arg6[%arg0, %mul3A_0, %dma_start3A_64] : memref<2x10240x128xf32, #tpu.memory_space<hbm>> -> memref<1x640x128xf32, #tpu.memory_space<hbm>>
      %dma_start3A_66 = tpu.memref_squeeze %dma_start3A_65 : memref<1x640x128xf32, #tpu.memory_space<hbm>> -> memref<640x128xf32, #tpu.memory_space<hbm>>
      %dma_start3A_67 = arith.constant 0 : i32
      %dma_start3A_68 = tpu.memref_slice %arg10[%mul3A_0, %dma_start3A_67] : memref<10240x128xf32, #tpu.memory_space<vmem_shared>> -> memref<640x128xf32, #tpu.memory_space<vmem_shared>>
      tpu.enqueue_dma source(%dma_start3A_68 : memref<640x128xf32, #tpu.memory_space<vmem_shared>>) target(%dma_start3A_66 : memref<640x128xf32, #tpu.memory_space<hbm>>) target_semaphore(%run_scoped3A : memref<!tpu.dma_semaphore, #tpu.memory_space<semaphore_mem>>)
      %dma_wait3A = arith.constant 0 : i32
      %dma_wait3A_69 = tpu.memref_slice %arg6[%arg0, %mul3A_0, %dma_wait3A] : memref<2x10240x128xf32, #tpu.memory_space<hbm>> -> memref<1x640x128xf32, #tpu.memory_space<hbm>>
      %dma_wait3A_70 = tpu.memref_squeeze %dma_wait3A_69 : memref<1x640x128xf32, #tpu.memory_space<hbm>> -> memref<640x128xf32, #tpu.memory_space<hbm>>
      %dma_wait3A_71 = arith.constant 0 : i32
      %dma_wait3A_72 = tpu.memref_slice %arg10[%mul3A_0, %dma_wait3A_71] : memref<10240x128xf32, #tpu.memory_space<vmem_shared>> -> memref<640x128xf32, #tpu.memory_space<vmem_shared>>
      tpu.wait_dma2 semaphore(%run_scoped3A : memref<!tpu.dma_semaphore, #tpu.memory_space<semaphore_mem>>) src(%dma_wait3A_72 : memref<640x128xf32, #tpu.memory_space<vmem_shared>>) dst(%dma_wait3A_70 : memref<640x128xf32, #tpu.memory_space<hbm>>)
      tpu.yield
    }) : () -> ()
    return
  }
}

module attributes {stable_mosaic.version = 14 : i64} {
  func.func @body(%arg0: i32, %arg1: memref<512x128xf32, #tpu.memory_space<vmem>>, %arg2: memref<128x128xf32, #tpu.memory_space<vmem>>, %arg3: memref<1x128xf32, #tpu.memory_space<vmem>>, %arg4: memref<1x128xf32, #tpu.memory_space<vmem>>, %arg5: memref<1x128xf32, #tpu.memory_space<vmem>>, %arg6: memref<128x128xf32, #tpu.memory_space<vmem>>, %arg7: memref<128x384xf32, #tpu.memory_space<vmem>>, %arg8: memref<1x384xf32, #tpu.memory_space<vmem>>, %arg9: memref<512x128xf32, #tpu.memory_space<vmem>>, %arg10: memref<512x128xf32, #tpu.memory_space<vmem>>, %arg11: memref<512x384xf32, #tpu.memory_space<vmem>>) attributes {dimension_semantics = [#tpu.dimension_semantics<arbitrary>], iteration_bounds = array<i64: 20>, scalar_prefetch = 0 : i64, scratch_operands = 0 : i64, tpu.core_type = #tpu.core_type<tc>, window_params = [{transform_indices = @transform_0, window_bounds = array<i64: 512, 128>}, {pipeline_mode = #tpu.pipeline_mode<synchronous>, transform_indices = @transform_1, window_bounds = array<i64: 128, 128>}, {pipeline_mode = #tpu.pipeline_mode<synchronous>, transform_indices = @transform_2, window_bounds = array<i64: 1, 128>}, {pipeline_mode = #tpu.pipeline_mode<synchronous>, transform_indices = @transform_3, window_bounds = array<i64: 1, 128>}, {pipeline_mode = #tpu.pipeline_mode<synchronous>, transform_indices = @transform_4, window_bounds = array<i64: 1, 128>}, {pipeline_mode = #tpu.pipeline_mode<synchronous>, transform_indices = @transform_5, window_bounds = array<i64: 128, 128>}, {pipeline_mode = #tpu.pipeline_mode<synchronous>, transform_indices = @transform_6, window_bounds = array<i64: 128, 384>}, {pipeline_mode = #tpu.pipeline_mode<synchronous>, transform_indices = @transform_7, window_bounds = array<i64: 1, 384>}, {transform_indices = @transform_8, window_bounds = array<i64: 512, 128>}, {transform_indices = @transform_9, window_bounds = array<i64: 512, 128>}, {transform_indices = @transform_10, window_bounds = array<i64: 512, 384>}]} {
    %get3A = arith.constant 0 : index
    %get3A_0 = arith.constant 0 : index
    %get3A_1 = vector.load %arg1[%get3A, %get3A_0] : memref<512x128xf32, #tpu.memory_space<vmem>>, vector<512x128xf32>
    %get3A_2 = arith.constant 0 : index
    %get3A_3 = arith.constant 0 : index
    %get3A_4 = vector.load %arg2[%get3A_2, %get3A_3] : memref<128x128xf32, #tpu.memory_space<vmem>>, vector<128x128xf32>
    %dot_general3A = arith.constant dense<0.000000e+00> : vector<512x128xf32>
    %dot_general3A_5 = tpu.matmul %get3A_1, %get3A_4, %dot_general3A {dimension_numbers = #tpu.dot_dimension_numbers<[1], [0], [0], [1], [0, 0, 1, 1], [], []>, transpose_lhs_hint = false} : vector<512x128xf32>, vector<128x128xf32>, vector<512x128xf32> -> vector<512x128xf32>
    %get3A_6 = arith.constant 0 : index
    %get3A_7 = arith.constant 0 : index
    %get3A_8 = vector.load %arg3[%get3A_6, %get3A_7] : memref<1x128xf32, #tpu.memory_space<vmem>>, vector<1x128xf32>
    %add3A = vector.broadcast %get3A_8 : vector<1x128xf32> to vector<512x128xf32>
    %add3A_9 = arith.addf %dot_general3A_5, %add3A : vector<512x128xf32>
    %get3A_10 = arith.constant 0 : index
    %get3A_11 = arith.constant 0 : index
    %get3A_12 = vector.load %arg4[%get3A_10, %get3A_11] : memref<1x128xf32, #tpu.memory_space<vmem>>, vector<1x128xf32>
    %mul3A = vector.broadcast %get3A_12 : vector<1x128xf32> to vector<512x128xf32>
    %mul3A_13 = arith.mulf %add3A_9, %mul3A : vector<512x128xf32>
    %get3A_14 = arith.constant 0 : index
    %get3A_15 = arith.constant 0 : index
    %get3A_16 = vector.load %arg5[%get3A_14, %get3A_15] : memref<1x128xf32, #tpu.memory_space<vmem>>, vector<1x128xf32>
    %add3A_17 = vector.broadcast %get3A_16 : vector<1x128xf32> to vector<512x128xf32>
    %add3A_18 = arith.addf %mul3A_13, %add3A_17 : vector<512x128xf32>
    %max3A = arith.constant 0.000000e+00 : f32
    %max3A_19 = vector.broadcast %max3A : f32 to vector<512x128xf32>
    %max3A_20 = arith.maximumf %add3A_18, %max3A_19 : vector<512x128xf32>
    %swap3A = arith.constant 0 : index
    %swap3A_21 = arith.constant 0 : index
    %swap3A_22 = vector.load %arg9[%swap3A, %swap3A_21] : memref<512x128xf32, #tpu.memory_space<vmem>>, vector<512x128xf32>
    tpu.vector_store %arg9[%swap3A, %swap3A_21], %max3A_20 {strides = array<i32>} : memref<512x128xf32, #tpu.memory_space<vmem>>, vector<512x128xf32>,
    %get3A_23 = arith.constant 0 : index
    %get3A_24 = arith.constant 0 : index
    %get3A_25 = vector.load %arg6[%get3A_23, %get3A_24] : memref<128x128xf32, #tpu.memory_space<vmem>>, vector<128x128xf32>
    %dot_general3A_26 = arith.constant dense<0.000000e+00> : vector<512x128xf32>
    %dot_general3A_27 = tpu.matmul %max3A_20, %get3A_25, %dot_general3A_26 {dimension_numbers = #tpu.dot_dimension_numbers<[1], [0], [0], [1], [0, 0, 1, 1], [], []>, transpose_lhs_hint = false} : vector<512x128xf32>, vector<128x128xf32>, vector<512x128xf32> -> vector<512x128xf32>
    %swap3A_28 = arith.constant 0 : index
    %swap3A_29 = arith.constant 0 : index
    %swap3A_30 = vector.load %arg10[%swap3A_28, %swap3A_29] : memref<512x128xf32, #tpu.memory_space<vmem>>, vector<512x128xf32>
    tpu.vector_store %arg10[%swap3A_28, %swap3A_29], %dot_general3A_27 {strides = array<i32>} : memref<512x128xf32, #tpu.memory_space<vmem>>, vector<512x128xf32>,
    %get3A_31 = arith.constant 0 : index
    %get3A_32 = arith.constant 0 : index
    %get3A_33 = vector.load %arg7[%get3A_31, %get3A_32] : memref<128x384xf32, #tpu.memory_space<vmem>>, vector<128x384xf32>
    %dot_general3A_34 = arith.constant dense<0.000000e+00> : vector<512x384xf32>
    %dot_general3A_35 = tpu.matmul %max3A_20, %get3A_33, %dot_general3A_34 {dimension_numbers = #tpu.dot_dimension_numbers<[1], [0], [0], [1], [0, 0, 1, 1], [], []>, transpose_lhs_hint = false} : vector<512x128xf32>, vector<128x384xf32>, vector<512x384xf32> -> vector<512x384xf32>
    %get3A_36 = arith.constant 0 : index
    %get3A_37 = arith.constant 0 : index
    %get3A_38 = vector.load %arg8[%get3A_36, %get3A_37] : memref<1x384xf32, #tpu.memory_space<vmem>>, vector<1x384xf32>
    %add3A_39 = vector.broadcast %get3A_38 : vector<1x384xf32> to vector<512x384xf32>
    %add3A_40 = arith.addf %dot_general3A_35, %add3A_39 : vector<512x384xf32>
    %swap3A_41 = arith.constant 0 : index
    %swap3A_42 = arith.constant 0 : index
    %swap3A_43 = vector.load %arg11[%swap3A_41, %swap3A_42] : memref<512x384xf32, #tpu.memory_space<vmem>>, vector<512x384xf32>
    tpu.vector_store %arg11[%swap3A_41, %swap3A_42], %add3A_40 {strides = array<i32>} : memref<512x384xf32, #tpu.memory_space<vmem>>, vector<512x384xf32>,
    return
  }
  func.func @transform_0(%arg0: i32) -> (i32, i32) {
    %c0_i32 = arith.constant 0 : i32
    %c0_i32_0 = arith.constant 0 : i32
    return %arg0, %c0_i32 : i32, i32
  }
  func.func @transform_1(%arg0: i32) -> (i32, i32) {
    %c0_i32 = arith.constant 0 : i32
    %c0_i32_0 = arith.constant 0 : i32
    %c0_i32_1 = arith.constant 0 : i32
    return %c0_i32, %c0_i32_0 : i32, i32
  }
  func.func @transform_2(%arg0: i32) -> (i32, i32) {
    %c0_i32 = arith.constant 0 : i32
    %c0_i32_0 = arith.constant 0 : i32
    %c0_i32_1 = arith.constant 0 : i32
    return %c0_i32, %c0_i32_0 : i32, i32
  }
  func.func @transform_3(%arg0: i32) -> (i32, i32) {
    %c0_i32 = arith.constant 0 : i32
    %c0_i32_0 = arith.constant 0 : i32
    %c0_i32_1 = arith.constant 0 : i32
    return %c0_i32, %c0_i32_0 : i32, i32
  }
  func.func @transform_4(%arg0: i32) -> (i32, i32) {
    %c0_i32 = arith.constant 0 : i32
    %c0_i32_0 = arith.constant 0 : i32
    %c0_i32_1 = arith.constant 0 : i32
    return %c0_i32, %c0_i32_0 : i32, i32
  }
  func.func @transform_5(%arg0: i32) -> (i32, i32) {
    %c0_i32 = arith.constant 0 : i32
    %c0_i32_0 = arith.constant 0 : i32
    %c0_i32_1 = arith.constant 0 : i32
    return %c0_i32, %c0_i32_0 : i32, i32
  }
  func.func @transform_6(%arg0: i32) -> (i32, i32) {
    %c0_i32 = arith.constant 0 : i32
    %c0_i32_0 = arith.constant 0 : i32
    %c0_i32_1 = arith.constant 0 : i32
    return %c0_i32, %c0_i32_0 : i32, i32
  }
  func.func @transform_7(%arg0: i32) -> (i32, i32) {
    %c0_i32 = arith.constant 0 : i32
    %c0_i32_0 = arith.constant 0 : i32
    %c0_i32_1 = arith.constant 0 : i32
    return %c0_i32, %c0_i32_0 : i32, i32
  }
  func.func @transform_8(%arg0: i32) -> (i32, i32) {
    %c0_i32 = arith.constant 0 : i32
    %c0_i32_0 = arith.constant 0 : i32
    return %arg0, %c0_i32 : i32, i32
  }
  func.func @transform_9(%arg0: i32) -> (i32, i32) {
    %c0_i32 = arith.constant 0 : i32
    %c0_i32_0 = arith.constant 0 : i32
    return %arg0, %c0_i32 : i32, i32
  }
  func.func @transform_10(%arg0: i32) -> (i32, i32) {
    %c0_i32 = arith.constant 0 : i32
    %c0_i32_0 = arith.constant 0 : i32
    return %arg0, %c0_i32 : i32, i32
  }
}

module attributes {stable_mosaic.version = 14 : i64} {
  func.func @body(%arg0: i32, %arg1: memref<2x512x128xf32, #tpu.memory_space<vmem>>, %arg2: memref<512x384xf32, #tpu.memory_space<vmem>>, %arg3: memref<512x128xf32, #tpu.memory_space<vmem>>, %arg4: memref<128x384xf32, #tpu.memory_space<vmem>>, %arg5: memref<1x384xf32, #tpu.memory_space<vmem>>, %arg6: memref<128x128xf32, #tpu.memory_space<vmem>>, %arg7: memref<128x384xf32, #tpu.memory_space<vmem>>, %arg8: memref<1x384xf32, #tpu.memory_space<vmem>>, %arg9: memref<512x128xf32, #tpu.memory_space<vmem>>, %arg10: memref<512x128xf32, #tpu.memory_space<vmem>>, %arg11: memref<512x384xf32, #tpu.memory_space<vmem>>) attributes {dimension_semantics = [#tpu.dimension_semantics<arbitrary>], iteration_bounds = array<i64: 20>, scalar_prefetch = 0 : i64, scratch_operands = 0 : i64, tpu.core_type = #tpu.core_type<tc>, window_params = [{transform_indices = @transform_0, window_bounds = array<i64: 2, 512, 128>}, {transform_indices = @transform_1, window_bounds = array<i64: 512, 384>}, {transform_indices = @transform_2, window_bounds = array<i64: 512, 128>}, {pipeline_mode = #tpu.pipeline_mode<synchronous>, transform_indices = @transform_3, window_bounds = array<i64: 128, 384>}, {pipeline_mode = #tpu.pipeline_mode<synchronous>, transform_indices = @transform_4, window_bounds = array<i64: 1, 384>}, {pipeline_mode = #tpu.pipeline_mode<synchronous>, transform_indices = @transform_5, window_bounds = array<i64: 128, 128>}, {pipeline_mode = #tpu.pipeline_mode<synchronous>, transform_indices = @transform_6, window_bounds = array<i64: 128, 384>}, {pipeline_mode = #tpu.pipeline_mode<synchronous>, transform_indices = @transform_7, window_bounds = array<i64: 1, 384>}, {transform_indices = @transform_8, window_bounds = array<i64: 512, 128>}, {transform_indices = @transform_9, window_bounds = array<i64: 512, 128>}, {transform_indices = @transform_10, window_bounds = array<i64: 512, 384>}]} {
    %get3A = arith.constant 0 : index
    %get3A_0 = arith.constant 0 : index
    %get3A_1 = arith.constant 0 : index
    %get3A_2 = vector.load %arg1[%get3A, %get3A_0, %get3A_1] : memref<2x512x128xf32, #tpu.memory_space<vmem>>, vector<2x512x128xf32>
    %get3A_3 = arith.constant 0 : index
    %get3A_4 = arith.constant 0 : index
    %get3A_5 = vector.load %arg2[%get3A_3, %get3A_4] : memref<512x384xf32, #tpu.memory_space<vmem>>, vector<512x384xf32>
    %get3A_6 = arith.constant 0 : index
    %get3A_7 = arith.constant 0 : index
    %get3A_8 = vector.load %arg3[%get3A_6, %get3A_7] : memref<512x128xf32, #tpu.memory_space<vmem>>, vector<512x128xf32>
    %get3A_9 = arith.constant 0 : index
    %get3A_10 = arith.constant 0 : index
    %get3A_11 = vector.load %arg4[%get3A_9, %get3A_10] : memref<128x384xf32, #tpu.memory_space<vmem>>, vector<128x384xf32>
    %get3A_12 = arith.constant 0 : index
    %get3A_13 = arith.constant 0 : index
    %get3A_14 = vector.load %arg5[%get3A_12, %get3A_13] : memref<1x384xf32, #tpu.memory_space<vmem>>, vector<1x384xf32>
    %slice3A = vector.extract_strided_slice %get3A_2 {offsets = [0, 0, 0], sizes = [1, 512, 128], strides = [1, 1, 1]} : vector<2x512x128xf32> to vector<1x512x128xf32>
    %squeeze3A = vector.shape_cast %slice3A : vector<1x512x128xf32> to vector<512x128xf32>
    %slice3A_15 = vector.extract_strided_slice %get3A_2 {offsets = [1, 0, 0], sizes = [1, 512, 128], strides = [1, 1, 1]} : vector<2x512x128xf32> to vector<1x512x128xf32>
    %squeeze3A_16 = vector.shape_cast %slice3A_15 : vector<1x512x128xf32> to vector<512x128xf32>
    %add3A = arith.addf %squeeze3A, %squeeze3A_16 : vector<512x128xf32>
    %dot_general3A = arith.constant dense<0.000000e+00> : vector<512x384xf32>
    %dot_general3A_17 = tpu.matmul %add3A, %get3A_11, %dot_general3A {dimension_numbers = #tpu.dot_dimension_numbers<[1], [0], [0], [1], [0, 0, 1, 1], [], []>, transpose_lhs_hint = false} : vector<512x128xf32>, vector<128x384xf32>, vector<512x384xf32> -> vector<512x384xf32>
    %add3A_18 = vector.broadcast %get3A_14 : vector<1x384xf32> to vector<512x384xf32>
    %add3A_19 = arith.addf %dot_general3A_17, %add3A_18 : vector<512x384xf32>
    %slice3A_20 = vector.extract_strided_slice %add3A_19 {offsets = [0, 0], sizes = [512, 128], strides = [1, 1]} : vector<512x384xf32> to vector<512x128xf32>
    %slice3A_21 = vector.extract_strided_slice %get3A_5 {offsets = [0, 0], sizes = [512, 128], strides = [1, 1]} : vector<512x384xf32> to vector<512x128xf32>
    %add3A_22 = arith.addf %slice3A_20, %slice3A_21 : vector<512x128xf32>
    %logistic3A = arith.negf %add3A_22 : vector<512x128xf32>
    %logistic3A_23 = math.exp %logistic3A : vector<512x128xf32>
    %logistic3A_24 = arith.constant 1.000000e+00 : f32
    %logistic3A_25 = vector.broadcast %logistic3A_24 : f32 to vector<512x128xf32>
    %logistic3A_26 = arith.addf %logistic3A_25, %logistic3A_23 : vector<512x128xf32>
    %logistic3A_27 = arith.divf %logistic3A_25, %logistic3A_26 : vector<512x128xf32>
    %slice3A_28 = vector.extract_strided_slice %add3A_19 {offsets = [0, 128], sizes = [512, 128], strides = [1, 1]} : vector<512x384xf32> to vector<512x128xf32>
    %slice3A_29 = vector.extract_strided_slice %get3A_5 {offsets = [0, 128], sizes = [512, 128], strides = [1, 1]} : vector<512x384xf32> to vector<512x128xf32>
    %add3A_30 = arith.addf %slice3A_28, %slice3A_29 : vector<512x128xf32>
    %logistic3A_31 = arith.negf %add3A_30 : vector<512x128xf32>
    %logistic3A_32 = math.exp %logistic3A_31 : vector<512x128xf32>
    %logistic3A_33 = arith.constant 1.000000e+00 : f32
    %logistic3A_34 = vector.broadcast %logistic3A_33 : f32 to vector<512x128xf32>
    %logistic3A_35 = arith.addf %logistic3A_34, %logistic3A_32 : vector<512x128xf32>
    %logistic3A_36 = arith.divf %logistic3A_34, %logistic3A_35 : vector<512x128xf32>
    %slice3A_37 = vector.extract_strided_slice %add3A_19 {offsets = [0, 256], sizes = [512, 128], strides = [1, 1]} : vector<512x384xf32> to vector<512x128xf32>
    %slice3A_38 = vector.extract_strided_slice %get3A_5 {offsets = [0, 256], sizes = [512, 128], strides = [1, 1]} : vector<512x384xf32> to vector<512x128xf32>
    %mul3A = arith.mulf %logistic3A_27, %slice3A_38 : vector<512x128xf32>
    %add3A_39 = arith.addf %slice3A_37, %mul3A : vector<512x128xf32>
    %tanh3A = math.tanh %add3A_39 : vector<512x128xf32>
    %sub3A = arith.constant 1.000000e+00 : f32
    %sub3A_40 = vector.broadcast %sub3A : f32 to vector<512x128xf32>
    %sub3A_41 = arith.subf %sub3A_40, %logistic3A_36 : vector<512x128xf32>
    %mul3A_42 = arith.mulf %sub3A_41, %tanh3A : vector<512x128xf32>
    %mul3A_43 = arith.mulf %logistic3A_36, %get3A_8 : vector<512x128xf32>
    %add3A_44 = arith.addf %mul3A_42, %mul3A_43 : vector<512x128xf32>
    %swap3A = arith.constant 0 : index
    %swap3A_45 = arith.constant 0 : index
    %swap3A_46 = vector.load %arg9[%swap3A, %swap3A_45] : memref<512x128xf32, #tpu.memory_space<vmem>>, vector<512x128xf32>
    tpu.vector_store %arg9[%swap3A, %swap3A_45], %add3A_44 {strides = array<i32>} : memref<512x128xf32, #tpu.memory_space<vmem>>, vector<512x128xf32>,
    %get3A_47 = arith.constant 0 : index
    %get3A_48 = arith.constant 0 : index
    %get3A_49 = vector.load %arg6[%get3A_47, %get3A_48] : memref<128x128xf32, #tpu.memory_space<vmem>>, vector<128x128xf32>
    %dot_general3A_50 = arith.constant dense<0.000000e+00> : vector<512x128xf32>
    %dot_general3A_51 = tpu.matmul %add3A_44, %get3A_49, %dot_general3A_50 {dimension_numbers = #tpu.dot_dimension_numbers<[1], [0], [0], [1], [0, 0, 1, 1], [], []>, transpose_lhs_hint = false} : vector<512x128xf32>, vector<128x128xf32>, vector<512x128xf32> -> vector<512x128xf32>
    %swap3A_52 = arith.constant 0 : index
    %swap3A_53 = arith.constant 0 : index
    %swap3A_54 = vector.load %arg10[%swap3A_52, %swap3A_53] : memref<512x128xf32, #tpu.memory_space<vmem>>, vector<512x128xf32>
    tpu.vector_store %arg10[%swap3A_52, %swap3A_53], %dot_general3A_51 {strides = array<i32>} : memref<512x128xf32, #tpu.memory_space<vmem>>, vector<512x128xf32>,
    %get3A_55 = arith.constant 0 : index
    %get3A_56 = arith.constant 0 : index
    %get3A_57 = vector.load %arg7[%get3A_55, %get3A_56] : memref<128x384xf32, #tpu.memory_space<vmem>>, vector<128x384xf32>
    %dot_general3A_58 = arith.constant dense<0.000000e+00> : vector<512x384xf32>
    %dot_general3A_59 = tpu.matmul %add3A_44, %get3A_57, %dot_general3A_58 {dimension_numbers = #tpu.dot_dimension_numbers<[1], [0], [0], [1], [0, 0, 1, 1], [], []>, transpose_lhs_hint = false} : vector<512x128xf32>, vector<128x384xf32>, vector<512x384xf32> -> vector<512x384xf32>
    %get3A_60 = arith.constant 0 : index
    %get3A_61 = arith.constant 0 : index
    %get3A_62 = vector.load %arg8[%get3A_60, %get3A_61] : memref<1x384xf32, #tpu.memory_space<vmem>>, vector<1x384xf32>
    %add3A_63 = vector.broadcast %get3A_62 : vector<1x384xf32> to vector<512x384xf32>
    %add3A_64 = arith.addf %dot_general3A_59, %add3A_63 : vector<512x384xf32>
    %swap3A_65 = arith.constant 0 : index
    %swap3A_66 = arith.constant 0 : index
    %swap3A_67 = vector.load %arg11[%swap3A_65, %swap3A_66] : memref<512x384xf32, #tpu.memory_space<vmem>>, vector<512x384xf32>
    tpu.vector_store %arg11[%swap3A_65, %swap3A_66], %add3A_64 {strides = array<i32>} : memref<512x384xf32, #tpu.memory_space<vmem>>, vector<512x384xf32>,
    return
  }
  func.func @transform_0(%arg0: i32) -> (i32, i32, i32) {
    %c0_i32 = arith.constant 0 : i32
    %c0_i32_0 = arith.constant 0 : i32
    %c0_i32_1 = arith.constant 0 : i32
    return %c0_i32, %arg0, %c0_i32_0 : i32, i32, i32
  }
  func.func @transform_1(%arg0: i32) -> (i32, i32) {
    %c0_i32 = arith.constant 0 : i32
    %c0_i32_0 = arith.constant 0 : i32
    return %arg0, %c0_i32 : i32, i32
  }
  func.func @transform_2(%arg0: i32) -> (i32, i32) {
    %c0_i32 = arith.constant 0 : i32
    %c0_i32_0 = arith.constant 0 : i32
    return %arg0, %c0_i32 : i32, i32
  }
  func.func @transform_3(%arg0: i32) -> (i32, i32) {
    %c0_i32 = arith.constant 0 : i32
    %c0_i32_0 = arith.constant 0 : i32
    %c0_i32_1 = arith.constant 0 : i32
    return %c0_i32, %c0_i32_0 : i32, i32
  }
  func.func @transform_4(%arg0: i32) -> (i32, i32) {
    %c0_i32 = arith.constant 0 : i32
    %c0_i32_0 = arith.constant 0 : i32
    %c0_i32_1 = arith.constant 0 : i32
    return %c0_i32, %c0_i32_0 : i32, i32
  }
  func.func @transform_5(%arg0: i32) -> (i32, i32) {
    %c0_i32 = arith.constant 0 : i32
    %c0_i32_0 = arith.constant 0 : i32
    %c0_i32_1 = arith.constant 0 : i32
    return %c0_i32, %c0_i32_0 : i32, i32
  }
  func.func @transform_6(%arg0: i32) -> (i32, i32) {
    %c0_i32 = arith.constant 0 : i32
    %c0_i32_0 = arith.constant 0 : i32
    %c0_i32_1 = arith.constant 0 : i32
    return %c0_i32, %c0_i32_0 : i32, i32
  }
  func.func @transform_7(%arg0: i32) -> (i32, i32) {
    %c0_i32 = arith.constant 0 : i32
    %c0_i32_0 = arith.constant 0 : i32
    %c0_i32_1 = arith.constant 0 : i32
    return %c0_i32, %c0_i32_0 : i32, i32
  }
  func.func @transform_8(%arg0: i32) -> (i32, i32) {
    %c0_i32 = arith.constant 0 : i32
    %c0_i32_0 = arith.constant 0 : i32
    return %arg0, %c0_i32 : i32, i32
  }
  func.func @transform_9(%arg0: i32) -> (i32, i32) {
    %c0_i32 = arith.constant 0 : i32
    %c0_i32_0 = arith.constant 0 : i32
    return %arg0, %c0_i32 : i32, i32
  }
  func.func @transform_10(%arg0: i32) -> (i32, i32) {
    %c0_i32 = arith.constant 0 : i32
    %c0_i32_0 = arith.constant 0 : i32
    return %arg0, %c0_i32 : i32, i32
  }
}

module attributes {stable_mosaic.version = 14 : i64} {
  func.func @body(%arg0: i32, %arg1: memref<2x512x128xf32, #tpu.memory_space<vmem>>, %arg2: memref<512x384xf32, #tpu.memory_space<vmem>>, %arg3: memref<512x128xf32, #tpu.memory_space<vmem>>, %arg4: memref<128x384xf32, #tpu.memory_space<vmem>>, %arg5: memref<1x384xf32, #tpu.memory_space<vmem>>, %arg6: memref<1x128xf32, #tpu.memory_space<vmem>>, %arg7: memref<1x128xf32, #tpu.memory_space<vmem>>, %arg8: memref<64x512xf32, #tpu.memory_space<vmem>>, %arg9: memref<64x128xf32, #tpu.memory_space<vmem>>, %arg10: memref<64x128xf32, #tpu.memory_space<vmem>>) attributes {dimension_semantics = [#tpu.dimension_semantics<arbitrary>], iteration_bounds = array<i64: 20>, scalar_prefetch = 0 : i64, scratch_operands = 0 : i64, tpu.core_type = #tpu.core_type<tc>, window_params = [{transform_indices = @transform_0, window_bounds = array<i64: 2, 512, 128>}, {transform_indices = @transform_1, window_bounds = array<i64: 512, 384>}, {transform_indices = @transform_2, window_bounds = array<i64: 512, 128>}, {pipeline_mode = #tpu.pipeline_mode<synchronous>, transform_indices = @transform_3, window_bounds = array<i64: 128, 384>}, {pipeline_mode = #tpu.pipeline_mode<synchronous>, transform_indices = @transform_4, window_bounds = array<i64: 1, 384>}, {pipeline_mode = #tpu.pipeline_mode<synchronous>, transform_indices = @transform_5, window_bounds = array<i64: 1, 128>}, {pipeline_mode = #tpu.pipeline_mode<synchronous>, transform_indices = @transform_6, window_bounds = array<i64: 1, 128>}, {transform_indices = @transform_7, window_bounds = array<i64: 64, 512>}, {pipeline_mode = #tpu.pipeline_mode<synchronous>, transform_indices = @transform_8, window_bounds = array<i64: 64, 128>}, {pipeline_mode = #tpu.pipeline_mode<synchronous>, transform_indices = @transform_9, window_bounds = array<i64: 64, 128>}]} {
    %get3A = arith.constant 0 : index
    %get3A_0 = arith.constant 0 : index
    %get3A_1 = arith.constant 0 : index
    %get3A_2 = vector.load %arg1[%get3A, %get3A_0, %get3A_1] : memref<2x512x128xf32, #tpu.memory_space<vmem>>, vector<2x512x128xf32>
    %get3A_3 = arith.constant 0 : index
    %get3A_4 = arith.constant 0 : index
    %get3A_5 = vector.load %arg2[%get3A_3, %get3A_4] : memref<512x384xf32, #tpu.memory_space<vmem>>, vector<512x384xf32>
    %get3A_6 = arith.constant 0 : index
    %get3A_7 = arith.constant 0 : index
    %get3A_8 = vector.load %arg3[%get3A_6, %get3A_7] : memref<512x128xf32, #tpu.memory_space<vmem>>, vector<512x128xf32>
    %get3A_9 = arith.constant 0 : index
    %get3A_10 = arith.constant 0 : index
    %get3A_11 = vector.load %arg4[%get3A_9, %get3A_10] : memref<128x384xf32, #tpu.memory_space<vmem>>, vector<128x384xf32>
    %get3A_12 = arith.constant 0 : index
    %get3A_13 = arith.constant 0 : index
    %get3A_14 = vector.load %arg5[%get3A_12, %get3A_13] : memref<1x384xf32, #tpu.memory_space<vmem>>, vector<1x384xf32>
    %slice3A = vector.extract_strided_slice %get3A_2 {offsets = [0, 0, 0], sizes = [1, 512, 128], strides = [1, 1, 1]} : vector<2x512x128xf32> to vector<1x512x128xf32>
    %squeeze3A = vector.shape_cast %slice3A : vector<1x512x128xf32> to vector<512x128xf32>
    %slice3A_15 = vector.extract_strided_slice %get3A_2 {offsets = [1, 0, 0], sizes = [1, 512, 128], strides = [1, 1, 1]} : vector<2x512x128xf32> to vector<1x512x128xf32>
    %squeeze3A_16 = vector.shape_cast %slice3A_15 : vector<1x512x128xf32> to vector<512x128xf32>
    %add3A = arith.addf %squeeze3A, %squeeze3A_16 : vector<512x128xf32>
    %dot_general3A = arith.constant dense<0.000000e+00> : vector<512x384xf32>
    %dot_general3A_17 = tpu.matmul %add3A, %get3A_11, %dot_general3A {dimension_numbers = #tpu.dot_dimension_numbers<[1], [0], [0], [1], [0, 0, 1, 1], [], []>, transpose_lhs_hint = false} : vector<512x128xf32>, vector<128x384xf32>, vector<512x384xf32> -> vector<512x384xf32>
    %add3A_18 = vector.broadcast %get3A_14 : vector<1x384xf32> to vector<512x384xf32>
    %add3A_19 = arith.addf %dot_general3A_17, %add3A_18 : vector<512x384xf32>
    %slice3A_20 = vector.extract_strided_slice %add3A_19 {offsets = [0, 0], sizes = [512, 128], strides = [1, 1]} : vector<512x384xf32> to vector<512x128xf32>
    %slice3A_21 = vector.extract_strided_slice %get3A_5 {offsets = [0, 0], sizes = [512, 128], strides = [1, 1]} : vector<512x384xf32> to vector<512x128xf32>
    %add3A_22 = arith.addf %slice3A_20, %slice3A_21 : vector<512x128xf32>
    %logistic3A = arith.negf %add3A_22 : vector<512x128xf32>
    %logistic3A_23 = math.exp %logistic3A : vector<512x128xf32>
    %logistic3A_24 = arith.constant 1.000000e+00 : f32
    %logistic3A_25 = vector.broadcast %logistic3A_24 : f32 to vector<512x128xf32>
    %logistic3A_26 = arith.addf %logistic3A_25, %logistic3A_23 : vector<512x128xf32>
    %logistic3A_27 = arith.divf %logistic3A_25, %logistic3A_26 : vector<512x128xf32>
    %slice3A_28 = vector.extract_strided_slice %add3A_19 {offsets = [0, 128], sizes = [512, 128], strides = [1, 1]} : vector<512x384xf32> to vector<512x128xf32>
    %slice3A_29 = vector.extract_strided_slice %get3A_5 {offsets = [0, 128], sizes = [512, 128], strides = [1, 1]} : vector<512x384xf32> to vector<512x128xf32>
    %add3A_30 = arith.addf %slice3A_28, %slice3A_29 : vector<512x128xf32>
    %logistic3A_31 = arith.negf %add3A_30 : vector<512x128xf32>
    %logistic3A_32 = math.exp %logistic3A_31 : vector<512x128xf32>
    %logistic3A_33 = arith.constant 1.000000e+00 : f32
    %logistic3A_34 = vector.broadcast %logistic3A_33 : f32 to vector<512x128xf32>
    %logistic3A_35 = arith.addf %logistic3A_34, %logistic3A_32 : vector<512x128xf32>
    %logistic3A_36 = arith.divf %logistic3A_34, %logistic3A_35 : vector<512x128xf32>
    %slice3A_37 = vector.extract_strided_slice %add3A_19 {offsets = [0, 256], sizes = [512, 128], strides = [1, 1]} : vector<512x384xf32> to vector<512x128xf32>
    %slice3A_38 = vector.extract_strided_slice %get3A_5 {offsets = [0, 256], sizes = [512, 128], strides = [1, 1]} : vector<512x384xf32> to vector<512x128xf32>
    %mul3A = arith.mulf %logistic3A_27, %slice3A_38 : vector<512x128xf32>
    %add3A_39 = arith.addf %slice3A_37, %mul3A : vector<512x128xf32>
    %tanh3A = math.tanh %add3A_39 : vector<512x128xf32>
    %sub3A = arith.constant 1.000000e+00 : f32
    %sub3A_40 = vector.broadcast %sub3A : f32 to vector<512x128xf32>
    %sub3A_41 = arith.subf %sub3A_40, %logistic3A_36 : vector<512x128xf32>
    %mul3A_42 = arith.mulf %sub3A_41, %tanh3A : vector<512x128xf32>
    %mul3A_43 = arith.mulf %logistic3A_36, %get3A_8 : vector<512x128xf32>
    %add3A_44 = arith.addf %mul3A_42, %mul3A_43 : vector<512x128xf32>
    %get3A_45 = arith.constant 0 : index
    %get3A_46 = arith.constant 0 : index
    %get3A_47 = vector.load %arg6[%get3A_45, %get3A_46] : memref<1x128xf32, #tpu.memory_space<vmem>>, vector<1x128xf32>
    %mul3A_48 = vector.broadcast %get3A_47 : vector<1x128xf32> to vector<512x128xf32>
    %mul3A_49 = arith.mulf %add3A_44, %mul3A_48 : vector<512x128xf32>
    %get3A_50 = arith.constant 0 : index
    %get3A_51 = arith.constant 0 : index
    %get3A_52 = vector.load %arg7[%get3A_50, %get3A_51] : memref<1x128xf32, #tpu.memory_space<vmem>>, vector<1x128xf32>
    %add3A_53 = vector.broadcast %get3A_52 : vector<1x128xf32> to vector<512x128xf32>
    %add3A_54 = arith.addf %mul3A_49, %add3A_53 : vector<512x128xf32>
    %max3A = arith.constant 0.000000e+00 : f32
    %max3A_55 = vector.broadcast %max3A : f32 to vector<512x128xf32>
    %max3A_56 = arith.maximumf %add3A_54, %max3A_55 : vector<512x128xf32>
    %get3A_57 = arith.constant 0 : index
    %get3A_58 = arith.constant 0 : index
    %get3A_59 = vector.load %arg8[%get3A_57, %get3A_58] : memref<64x512xf32, #tpu.memory_space<vmem>>, vector<64x512xf32>
    %eq3A = arith.constant 0 : i32
    %eq3A_60 = arith.cmpi eq, %arg0, %eq3A : i32
    %convert_element_type3A = arith.extui %eq3A_60 : i1 to i32
    %cond3A = arith.constant 0 : i32
    %cond3A_61 = arith.cmpi ne, %convert_element_type3A, %cond3A : i32
    scf.if %cond3A_61 {
      %broadcast_in_dim3A_80 = arith.constant 0.000000e+00 : f32
      %broadcast_in_dim3A_81 = vector.broadcast %broadcast_in_dim3A_80 : f32 to vector<64x128xf32>
      %swap3A_82 = arith.constant 0 : index
      %swap3A_83 = arith.constant 0 : index
      %swap3A_84 = vector.load %arg9[%swap3A_82, %swap3A_83] : memref<64x128xf32, #tpu.memory_space<vmem>>, vector<64x128xf32>
      tpu.vector_store %arg9[%swap3A_82, %swap3A_83], %broadcast_in_dim3A_81 {strides = array<i32>} : memref<64x128xf32, #tpu.memory_space<vmem>>, vector<64x128xf32>,
      %broadcast_in_dim3A_85 = arith.constant 0.000000e+00 : f32
      %broadcast_in_dim3A_86 = vector.broadcast %broadcast_in_dim3A_85 : f32 to vector<64x128xf32>
      %swap3A_87 = arith.constant 0 : index
      %swap3A_88 = arith.constant 0 : index
      %swap3A_89 = vector.load %arg10[%swap3A_87, %swap3A_88] : memref<64x128xf32, #tpu.memory_space<vmem>>, vector<64x128xf32>
      tpu.vector_store %arg10[%swap3A_87, %swap3A_88], %broadcast_in_dim3A_86 {strides = array<i32>} : memref<64x128xf32, #tpu.memory_space<vmem>>, vector<64x128xf32>,
    } else {
    }
    %get3A_62 = arith.constant 0 : index
    %get3A_63 = arith.constant 0 : index
    %get3A_64 = vector.load %arg9[%get3A_62, %get3A_63] : memref<64x128xf32, #tpu.memory_space<vmem>>, vector<64x128xf32>
    %dot_general3A_65 = arith.constant dense<0.000000e+00> : vector<64x128xf32>
    %dot_general3A_66 = tpu.matmul %get3A_59, %max3A_56, %dot_general3A_65 {dimension_numbers = #tpu.dot_dimension_numbers<[1], [0], [0], [1], [0, 0, 1, 1], [], []>, transpose_lhs_hint = false} : vector<64x512xf32>, vector<512x128xf32>, vector<64x128xf32> -> vector<64x128xf32>
    %add3A_67 = arith.addf %get3A_64, %dot_general3A_66 : vector<64x128xf32>
    %swap3A = arith.constant 0 : index
    %swap3A_68 = arith.constant 0 : index
    %swap3A_69 = vector.load %arg9[%swap3A, %swap3A_68] : memref<64x128xf32, #tpu.memory_space<vmem>>, vector<64x128xf32>
    tpu.vector_store %arg9[%swap3A, %swap3A_68], %add3A_67 {strides = array<i32>} : memref<64x128xf32, #tpu.memory_space<vmem>>, vector<64x128xf32>,
    %get3A_70 = arith.constant 0 : index
    %get3A_71 = arith.constant 0 : index
    %get3A_72 = vector.load %arg10[%get3A_70, %get3A_71] : memref<64x128xf32, #tpu.memory_space<vmem>>, vector<64x128xf32>
    %reduce_sum3A = arith.constant dense<0.000000e+00> : vector<64xf32>
    %reduce_sum3A_73 = vector.multi_reduction <add>, %get3A_59, %reduce_sum3A [1] : vector<64x512xf32> to vector<64xf32>
    %broadcast_in_dim3A = vector.shape_cast %reduce_sum3A_73 : vector<64xf32> to vector<64x1xf32>
    %broadcast_in_dim3A_74 = vector.shape_cast %broadcast_in_dim3A : vector<64x1xf32> to vector<64x1xf32>
    %broadcast_in_dim3A_75 = vector.broadcast %broadcast_in_dim3A_74 : vector<64x1xf32> to vector<64x128xf32>
    %add3A_76 = arith.addf %get3A_72, %broadcast_in_dim3A_75 : vector<64x128xf32>
    %swap3A_77 = arith.constant 0 : index
    %swap3A_78 = arith.constant 0 : index
    %swap3A_79 = vector.load %arg10[%swap3A_77, %swap3A_78] : memref<64x128xf32, #tpu.memory_space<vmem>>, vector<64x128xf32>
    tpu.vector_store %arg10[%swap3A_77, %swap3A_78], %add3A_76 {strides = array<i32>} : memref<64x128xf32, #tpu.memory_space<vmem>>, vector<64x128xf32>,
    return
  }
  func.func @transform_0(%arg0: i32) -> (i32, i32, i32) {
    %c0_i32 = arith.constant 0 : i32
    %c0_i32_0 = arith.constant 0 : i32
    %c0_i32_1 = arith.constant 0 : i32
    return %c0_i32, %arg0, %c0_i32_0 : i32, i32, i32
  }
  func.func @transform_1(%arg0: i32) -> (i32, i32) {
    %c0_i32 = arith.constant 0 : i32
    %c0_i32_0 = arith.constant 0 : i32
    return %arg0, %c0_i32 : i32, i32
  }
  func.func @transform_2(%arg0: i32) -> (i32, i32) {
    %c0_i32 = arith.constant 0 : i32
    %c0_i32_0 = arith.constant 0 : i32
    return %arg0, %c0_i32 : i32, i32
  }
  func.func @transform_3(%arg0: i32) -> (i32, i32) {
    %c0_i32 = arith.constant 0 : i32
    %c0_i32_0 = arith.constant 0 : i32
    %c0_i32_1 = arith.constant 0 : i32
    return %c0_i32, %c0_i32_0 : i32, i32
  }
  func.func @transform_4(%arg0: i32) -> (i32, i32) {
    %c0_i32 = arith.constant 0 : i32
    %c0_i32_0 = arith.constant 0 : i32
    %c0_i32_1 = arith.constant 0 : i32
    return %c0_i32, %c0_i32_0 : i32, i32
  }
  func.func @transform_5(%arg0: i32) -> (i32, i32) {
    %c0_i32 = arith.constant 0 : i32
    %c0_i32_0 = arith.constant 0 : i32
    %c0_i32_1 = arith.constant 0 : i32
    return %c0_i32, %c0_i32_0 : i32, i32
  }
  func.func @transform_6(%arg0: i32) -> (i32, i32) {
    %c0_i32 = arith.constant 0 : i32
    %c0_i32_0 = arith.constant 0 : i32
    %c0_i32_1 = arith.constant 0 : i32
    return %c0_i32, %c0_i32_0 : i32, i32
  }
  func.func @transform_7(%arg0: i32) -> (i32, i32) {
    %c0_i32 = arith.constant 0 : i32
    %c0_i32_0 = arith.constant 0 : i32
    return %c0_i32, %arg0 : i32, i32
  }
  func.func @transform_8(%arg0: i32) -> (i32, i32) {
    %c0_i32 = arith.constant 0 : i32
    %c0_i32_0 = arith.constant 0 : i32
    %c0_i32_1 = arith.constant 0 : i32
    return %c0_i32, %c0_i32_0 : i32, i32
  }
  func.func @transform_9(%arg0: i32) -> (i32, i32) {
    %c0_i32 = arith.constant 0 : i32
    %c0_i32_0 = arith.constant 0 : i32
    %c0_i32_1 = arith.constant 0 : i32
    return %c0_i32, %c0_i32_0 : i32, i32
  }
}

module attributes {stable_mosaic.version = 14 : i64} {
  func.func @body(%arg0: memref<64x128xf32, #tpu.memory_space<vmem>>, %arg1: memref<64x128xf32, #tpu.memory_space<vmem>>, %arg2: memref<128x128xf32, #tpu.memory_space<vmem>>, %arg3: memref<1x128xf32, #tpu.memory_space<vmem>>, %arg4: memref<1x128xf32, #tpu.memory_space<vmem>>, %arg5: memref<1x128xf32, #tpu.memory_space<vmem>>, %arg6: memref<128x128xf32, #tpu.memory_space<vmem>>, %arg7: memref<1x128xf32, #tpu.memory_space<vmem>>, %arg8: memref<1x128xf32, #tpu.memory_space<vmem>>, %arg9: memref<1x128xf32, #tpu.memory_space<vmem>>, %arg10: memref<128x128xf32, #tpu.memory_space<vmem>>, %arg11: memref<1x128xf32, #tpu.memory_space<vmem>>, %arg12: memref<64x128xf32, #tpu.memory_space<vmem>>) attributes {dimension_semantics = [], scalar_prefetch = 0 : i64, scratch_operands = 0 : i64, tpu.core_type = #tpu.core_type<tc>} {
    %get3A = arith.constant 0 : index
    %get3A_0 = arith.constant 0 : index
    %get3A_1 = vector.load %arg0[%get3A, %get3A_0] : memref<64x128xf32, #tpu.memory_space<vmem>>, vector<64x128xf32>
    %get3A_2 = arith.constant 0 : index
    %get3A_3 = arith.constant 0 : index
    %get3A_4 = vector.load %arg1[%get3A_2, %get3A_3] : memref<64x128xf32, #tpu.memory_space<vmem>>, vector<64x128xf32>
    %max3A = arith.constant 1.000000e+00 : f32
    %max3A_5 = vector.broadcast %max3A : f32 to vector<64x128xf32>
    %max3A_6 = arith.maximumf %get3A_4, %max3A_5 : vector<64x128xf32>
    %div3A = arith.constant 1.000000e+00 : f32
    %div3A_7 = vector.broadcast %div3A : f32 to vector<64x128xf32>
    %div3A_8 = arith.divf %div3A_7, %max3A_6 : vector<64x128xf32>
    %mul3A = arith.mulf %get3A_1, %div3A_8 : vector<64x128xf32>
    %get3A_9 = arith.constant 0 : index
    %get3A_10 = arith.constant 0 : index
    %get3A_11 = vector.load %arg2[%get3A_9, %get3A_10] : memref<128x128xf32, #tpu.memory_space<vmem>>, vector<128x128xf32>
    %dot_general3A = arith.constant dense<0.000000e+00> : vector<64x128xf32>
    %dot_general3A_12 = tpu.matmul %mul3A, %get3A_11, %dot_general3A {dimension_numbers = #tpu.dot_dimension_numbers<[1], [0], [0], [1], [0, 0, 1, 1], [], []>, transpose_lhs_hint = false} : vector<64x128xf32>, vector<128x128xf32>, vector<64x128xf32> -> vector<64x128xf32>
    %get3A_13 = arith.constant 0 : index
    %get3A_14 = arith.constant 0 : index
    %get3A_15 = vector.load %arg3[%get3A_13, %get3A_14] : memref<1x128xf32, #tpu.memory_space<vmem>>, vector<1x128xf32>
    %add3A = vector.broadcast %get3A_15 : vector<1x128xf32> to vector<64x128xf32>
    %add3A_16 = arith.addf %dot_general3A_12, %add3A : vector<64x128xf32>
    %get3A_17 = arith.constant 0 : index
    %get3A_18 = arith.constant 0 : index
    %get3A_19 = vector.load %arg4[%get3A_17, %get3A_18] : memref<1x128xf32, #tpu.memory_space<vmem>>, vector<1x128xf32>
    %mul3A_20 = vector.broadcast %get3A_19 : vector<1x128xf32> to vector<64x128xf32>
    %mul3A_21 = arith.mulf %add3A_16, %mul3A_20 : vector<64x128xf32>
    %get3A_22 = arith.constant 0 : index
    %get3A_23 = arith.constant 0 : index
    %get3A_24 = vector.load %arg5[%get3A_22, %get3A_23] : memref<1x128xf32, #tpu.memory_space<vmem>>, vector<1x128xf32>
    %add3A_25 = vector.broadcast %get3A_24 : vector<1x128xf32> to vector<64x128xf32>
    %add3A_26 = arith.addf %mul3A_21, %add3A_25 : vector<64x128xf32>
    %max3A_27 = arith.constant 0.000000e+00 : f32
    %max3A_28 = vector.broadcast %max3A_27 : f32 to vector<64x128xf32>
    %max3A_29 = arith.maximumf %add3A_26, %max3A_28 : vector<64x128xf32>
    %get3A_30 = arith.constant 0 : index
    %get3A_31 = arith.constant 0 : index
    %get3A_32 = vector.load %arg6[%get3A_30, %get3A_31] : memref<128x128xf32, #tpu.memory_space<vmem>>, vector<128x128xf32>
    %dot_general3A_33 = arith.constant dense<0.000000e+00> : vector<64x128xf32>
    %dot_general3A_34 = tpu.matmul %max3A_29, %get3A_32, %dot_general3A_33 {dimension_numbers = #tpu.dot_dimension_numbers<[1], [0], [0], [1], [0, 0, 1, 1], [], []>, transpose_lhs_hint = false} : vector<64x128xf32>, vector<128x128xf32>, vector<64x128xf32> -> vector<64x128xf32>
    %get3A_35 = arith.constant 0 : index
    %get3A_36 = arith.constant 0 : index
    %get3A_37 = vector.load %arg7[%get3A_35, %get3A_36] : memref<1x128xf32, #tpu.memory_space<vmem>>, vector<1x128xf32>
    %add3A_38 = vector.broadcast %get3A_37 : vector<1x128xf32> to vector<64x128xf32>
    %add3A_39 = arith.addf %dot_general3A_34, %add3A_38 : vector<64x128xf32>
    %get3A_40 = arith.constant 0 : index
    %get3A_41 = arith.constant 0 : index
    %get3A_42 = vector.load %arg8[%get3A_40, %get3A_41] : memref<1x128xf32, #tpu.memory_space<vmem>>, vector<1x128xf32>
    %mul3A_43 = vector.broadcast %get3A_42 : vector<1x128xf32> to vector<64x128xf32>
    %mul3A_44 = arith.mulf %add3A_39, %mul3A_43 : vector<64x128xf32>
    %get3A_45 = arith.constant 0 : index
    %get3A_46 = arith.constant 0 : index
    %get3A_47 = vector.load %arg9[%get3A_45, %get3A_46] : memref<1x128xf32, #tpu.memory_space<vmem>>, vector<1x128xf32>
    %add3A_48 = vector.broadcast %get3A_47 : vector<1x128xf32> to vector<64x128xf32>
    %add3A_49 = arith.addf %mul3A_44, %add3A_48 : vector<64x128xf32>
    %max3A_50 = arith.constant 0.000000e+00 : f32
    %max3A_51 = vector.broadcast %max3A_50 : f32 to vector<64x128xf32>
    %max3A_52 = arith.maximumf %add3A_49, %max3A_51 : vector<64x128xf32>
    %get3A_53 = arith.constant 0 : index
    %get3A_54 = arith.constant 0 : index
    %get3A_55 = vector.load %arg10[%get3A_53, %get3A_54] : memref<128x128xf32, #tpu.memory_space<vmem>>, vector<128x128xf32>
    %dot_general3A_56 = arith.constant dense<0.000000e+00> : vector<64x128xf32>
    %dot_general3A_57 = tpu.matmul %max3A_52, %get3A_55, %dot_general3A_56 {dimension_numbers = #tpu.dot_dimension_numbers<[1], [0], [0], [1], [0, 0, 1, 1], [], []>, transpose_lhs_hint = false} : vector<64x128xf32>, vector<128x128xf32>, vector<64x128xf32> -> vector<64x128xf32>
    %get3A_58 = arith.constant 0 : index
    %get3A_59 = arith.constant 0 : index
    %get3A_60 = vector.load %arg11[%get3A_58, %get3A_59] : memref<1x128xf32, #tpu.memory_space<vmem>>, vector<1x128xf32>
    %add3A_61 = vector.broadcast %get3A_60 : vector<1x128xf32> to vector<64x128xf32>
    %add3A_62 = arith.addf %dot_general3A_57, %add3A_61 : vector<64x128xf32>
    %swap3A = arith.constant 0 : index
    %swap3A_63 = arith.constant 0 : index
    %swap3A_64 = vector.load %arg12[%swap3A, %swap3A_63] : memref<64x128xf32, #tpu.memory_space<vmem>>, vector<64x128xf32>
    tpu.vector_store %arg12[%swap3A, %swap3A_63], %add3A_62 {strides = array<i32>} : memref<64x128xf32, #tpu.memory_space<vmem>>, vector<64x128xf32>,
    return
  }
}

</mosaic_0001>

<sc_bundles>
// kernel: kernel.10.cloned.1.call-start
scs
__scs_entry_jumppad:
0x0: {  	(pc) =	sbr.rel $0x88, $3  }
0x1: {  	(tag) =	ssettag $0x0;
	lr =	simm.s32 $0x1  }
0x2: {  	[smem:$0x3F89] =	sst lr;
	_ =	strace $0xD0000000  }
0x3: {  	_ = 	snop  }
0x4: {  	_ = 	snop  }
0x5: {  	_ = 	snop  }
0x6: {  	_ = 	snop  }
0x7: {  	_ = 	snop  }
__scs_overlays_trampoline_lowered:
0x8: {  	[smem:$0x3F98] =	sst s0  }
0x9: {  	[smem:$0x3F99] =	sst s1  }
0xa: {  	[smem:$0x3F9A] =	sst s2  }
0xb: {  	[smem:$0x3F9B] =	sst s3  }
0xc: {  	[smem:$0x3F9C] =	sst s4  }
0xd: {  	[smem:$0x3F9D] =	sst s5  }
0xe: {  	[smem:$0x3F9E] =	sst s6  }
0xf: {  	[smem:$0x3F9F] =	sst s7  }
0x10: {  	[smem:$0x3FA0] =	sst s8  }
0x11: {  	[smem:$0x3FA1] =	sst s9;
	s0 =	simm.s32 @!p0 $0x0  }
0x12: {  	s1 =	sld [smem:$0x3F87];
	s0 =	simm.s32 @p0 $0x1  }
0x13: {  	[smem:$0x3FA2] =	sst s0;
	s0 =	simm.s32 @!p1 $0x0  }
0x14: {  	s2 =	sld [smem:$0x3F86];
	s0 =	simm.s32 @p1 $0x1  }
0x15: {  	[smem:$0x3FA3] =	sst s0;
	s0 =	simm.s32 @!p2 $0x0  }
0x16: {  	s3 =	sld [smem:$0x3FDB];
	s0 =	simm.s32 @p2 $0x1  }
0x17: {  	s4 =	simm.s32 $0x1BF5;
	[smem:$0x3FA5] =	sst s0  }
0x18: {  	s0 =	sld [smem:$0x3F88];
	_ =	swait.ge [sflag:s4], $0x0  }
0x19: {  	s7 =	sld [smem:$0x3F89]  }
0x1a: {  	s8 =	sadd.s32 $0xFFFFE003, lr  }
0x1b: {  	s9 =	sadd.s32 $0xFFFFFEF7, lr;
	s5 =	simm.s32 $0xFFFFFFFF;
	p2 =	slt.u32 s8, $0xFFFFF086  }
0x1c: {  	p1 =	slt.u32 s9, $0xF7A;
	s5 =	simm.s32 @!p2 $0x0  }
0x1d: {  	s5 =	simm.s32 @p1 $0x1;
	p0 =	seq.s32 s7, s2  }
0x1e: {  	s7 =	smul.u32 @!p0 $0xF7A, s2;
	p2 =	seq.s32 @!p0 s5, $0x0  }
0x1f: {  	s9 =	smul.u32 $0xF7A, s1;
	s8 =	simm.s32 @!p0 $0x1BF5;
	p2 =	por !p2, p0  }
0x20: {  	[sflag:s8] =	ssyncset.s32 @!p0 $0xFFFFF086;
	s6 =	sadd.s32 @!p0 s3, s7;
	s7 =	simm.s32 @!p0 $0x108  }
0x21: {  	s3 =	sadd.s32 s3, s9;
	s6 =	sadd.s32 @!p0 $0x88, s6;
	s7 =	simm.s32 @p2 $0x1082  }
0x22: {  	[simem:s7], [sflag:s8] =	dma.local @!p0 [hbm:s6], $0xF7A  }
0x23: {  	s9 =	sor.u32 $0xD0000000, s2;
	s6 =	simm.s32 $0x108;
	_ =	swait.ge @!p0 [sflag:s8], $0x0  }
0x24: {  	s3 =	sadd.s32 $0x88, s3;
	s6 =	simm.s32 @!p1 $0x1082;
	[sflag:s4] =	ssyncset.s32 $0xFFFFF086  }
0x25: {  	[simem:s6], [sflag:s4] =	dma.local [hbm:s3], $0xF7A  }
0x26: {  	[smem:$0x3F89] =	sst s1;
	(tag) =	ssettag s2;
	_ =	strace s9  }
0x27: {  	s1 =	sld [smem:$0x3F99]  }
0x28: {  	s2 =	sld [smem:$0x3F9A]  }
0x29: {  	s4 =	sld [smem:$0x3F9C]  }
0x2a: {  	p0 =	seq.s32 s5, $0x0;
	s5 =	sld [smem:$0x3F9D]  }
0x2b: {  	s6 =	sld [smem:$0x3F9E]  }
0x2c: {  	s7 =	sld [smem:$0x3F9F]  }
0x2d: {  	s3 =	simm.s32 $0x108;
	s8 =	sld [smem:$0x3FA0]  }
0x2e: {  	s3 =	simm.s32 @!p0 $0x1082;
	s9 =	sld [smem:$0x3FA1]  }
0x2f: {  	lr =	sadd.s32 s0, s3;
	s0 =	sld [smem:$0x3F98]  }
0x30: {  	s3 =	sld [smem:$0x3F9B]  }
0x31: {  	[smem:$0x3FA4] =	sst s10  }
0x32: {  	s10 =	sld [smem:$0x3FA2];
	_ =	sdelay $0x3  }
0x33: {  	p0 =	seq.s32 s10, $0x1;
	s10 =	sld [smem:$0x3FA4];
	_ =	sdelay $0x3  }
0x34: {  	[smem:$0x3FA4] =	sst s10  }
0x35: {  	s10 =	sld [smem:$0x3FA3];
	_ =	sdelay $0x3  }
0x36: {  	p1 =	seq.s32 s10, $0x1;
	s10 =	sld [smem:$0x3FA4];
	_ =	sdelay $0x3  }
0x37: {  	[smem:$0x3FA4] =	sst s10  }
0x38: {  	s10 =	sld [smem:$0x3FA5]  }
0x39: {  	_ = 	snop;
	(pc) =	sbr.ind lr, $3  }
0x3a: {  	_ = 	snop  }
0x3b: {  	_ = 	snop  }
0x3c: {  	p2 =	seq.s32 s10, $0x1;
	s10 =	sld [smem:$0x3FA4]  }
0x3d: {  	_ =	shalt  }
0x3e: {  	_ =	shalt  }
0x3f: {  	_ =	shalt  }
0x40: {  	_ =	shalt  }
0x41: {  	_ =	shalt  }
0x42: {  	_ =	shalt  }
0x43: {  	_ =	shalt  }
0x44: {  	_ =	shalt  }
0x45: {  	_ =	shalt  }
0x46: {  	_ =	shalt  }
0x47: {  	_ =	shalt  }
0x48: {  	_ =	shalt  }
0x49: {  	_ =	shalt  }
0x4a: {  	_ =	shalt  }
0x4b: {  	_ =	shalt  }
0x4c: {  	_ =	shalt  }
0x4d: {  	_ =	shalt  }
0x4e: {  	_ =	shalt  }
0x4f: {  	_ =	shalt  }
0x50: {  	_ =	shalt  }
0x51: {  	_ =	shalt  }
0x52: {  	_ =	shalt  }
0x53: {  	_ =	shalt  }
0x54: {  	_ =	shalt  }
0x55: {  	_ =	shalt  }
0x56: {  	_ =	shalt  }
0x57: {  	_ =	shalt  }
0x58: {  	_ =	shalt  }
0x59: {  	_ =	shalt  }
0x5a: {  	_ =	shalt  }
0x5b: {  	_ =	shalt  }
0x5c: {  	_ =	shalt  }
0x5d: {  	_ =	shalt  }
0x5e: {  	_ =	shalt  }
0x5f: {  	_ =	shalt  }
0x60: {  	_ =	shalt  }
0x61: {  	_ =	shalt  }
0x62: {  	_ =	shalt  }
0x63: {  	_ =	shalt  }
0x64: {  	_ =	shalt  }
0x65: {  	_ =	shalt  }
0x66: {  	_ =	shalt  }
0x67: {  	_ =	shalt  }
0x68: {  	_ =	shalt  }
0x69: {  	_ =	shalt  }
0x6a: {  	_ =	shalt  }
0x6b: {  	_ =	shalt  }
0x6c: {  	_ =	shalt  }
0x6d: {  	_ =	shalt  }
0x6e: {  	_ =	shalt  }
0x6f: {  	_ =	shalt  }
0x70: {  	_ =	shalt  }
0x71: {  	_ =	shalt  }
0x72: {  	_ =	shalt  }
0x73: {  	_ =	shalt  }
0x74: {  	_ =	shalt  }
0x75: {  	_ =	shalt  }
0x76: {  	_ =	shalt  }
0x77: {  	_ =	shalt  }
0x78: {  	_ =	shalt  }
0x79: {  	_ =	shalt  }
0x7a: {  	_ =	shalt  }
0x7b: {  	_ =	shalt  }
0x7c: {  	_ =	shalt  }
0x7d: {  	_ =	shalt  }
0x7e: {  	_ =	shalt  }
0x7f: {  	_ =	shalt  }
0x80: {  	_ =	shalt  }
0x81: {  	_ =	shalt  }
0x82: {  	_ =	shalt  }
0x83: {  	_ =	shalt  }
0x84: {  	_ =	shalt  }
0x85: {  	_ =	shalt  }
0x86: {  	_ =	shalt  }
0x87: {  	_ =	shalt  }
.Lfunc_end0:
.L_simem_size_0:
called_computation_lowered:
.L_overlay_start_0:
0x88: {  	s2 =	sld [smem:$0x3FD9]  }
0x89: {  	s3 =	sld [smem:$0x3FFE];
	_ =	sdelay $0x1  }
0x8a: {  	s1 =	srdreg.scid  }
0x8b: {  	s0 =	sand.u32 $0x1, s1  }
0x8c: {  	s16 =	sshll.u32 s0, $0xA;
	s2 =	sadd.s32 s3, s2  }
0x8d: {  	s2 =	sadd.s32 s2, s16  }
0x8e: {  	[smem:$0x3FB0] =	sst s2  }
0x8f: {  	_ = 	snop  }
0x90: {  	(tm) =	ssettm $0x1  }
0x91: {  	s17 =	sld [smem:$0x3FFB];
	_ =	sdelay $0x3  }
0x92: {  	_ =	strace s17  }
0x93: {  	s2 =	sld [smem:$0x3FFC];
	_ =	sdelay $0x3  }
0x94: {  	_ =	strace s2  }
0x95: {  	s2 =	sld [smem:$0x3FFD];
	_ =	sdelay $0x3  }
0x96: {  	_ =	strace s2  }
0x97: {  	_ =	strace $0x8FFFFFFF  }
0x98: {  	s18 =	sld [smem:$0x3FDB];
	_ =	sdelay $0x1  }
0x99: {  	s19 =	simm.s32 $_scs_section_size  }
0x9a: {  	s4 =	simm.s32 $_size__tile_overlayer_lowered;
	s5 =	simm.s32 $_tile_overlayer_lowered  }
0x9b: {  	s22 =	simm.s32 $0x1BFF;
	s21 =	sshll.u32 s5, $0x1;
	s2 =	sadd.s32 s19, s18  }
0x9c: {  	s6 =	simm.s32 $0x0;
	s20 =	sshll.u32 s4, $0x1;
	s4 =	sadd.s32 s21, s2  }
0x9d: {  	[timem:s6], [sflag:s22] =	dma.local [hbm:s4], s20  }
0x9e: {  	_ =	swait.ge [sflag:s22], s20  }
0x9f: {  	s3 =	ssub.s32 $0x0, s20;
	[sflag:s22] =	ssyncset.done $0x0  }
0xa0: {  	[sflag:s22] =	ssyncadd.s32 s3;
	_ =	sdelay $0x1  }
0xa1: {  	s23 =	simm.s32 $0x1B8B  }
0xa2: {  	_ =	swait.ge [sflag:s23], $0x1  }
0xa3: {  	[sflag:s23] =	ssyncset.done $0x0  }
0xa4: {  	s25 =	simm.s32 $0x1B8E;
	s24 =	sld [smem:$0x3FFE];
	[sflag:s23] =	ssyncadd.s32 $0xFFFFFFFF  }
0xa5: {  	s26 =	simm.s32 $execute0_lowered;
	[smem:$0x3FD2] =	sst s25  }
0xa6: {  	s4 =	sshll.u32 s26, $0x1;
	_ =	strace $0x80000046;
	[dreg:$0x1] =	wrdreg $0xFFFFFFFF  }
0xa7: {  	s28 =	simm.s32 $_size_execute0_lowered;
	s2 =	sadd.s32 s2, s4;
	[dreg:$0x0] =	wrdreg $0x0  }
0xa8: {  	s4 =	sshll.u32 s28, $0x1;
	[dreg:$0x2] =	wrdreg s2  }
0xa9: {  	[dreg:$0x3] =	wrdreg s4  }
0xaa: {  	[dreg:$0x4] =	wrdreg $0xC0  }
0xab: {  	_ =	task [dreg:s6], $0x5FFFF  }
0xac: {  	[dreg:$0x1] =	wrdreg $0xFFFFFFFF  }
0xad: {  	[dreg:$0x0] =	wrdreg $0x60  }
0xae: {  	[dreg:$0x2] =	wrdreg s24  }
0xaf: {  	[dreg:$0x3] =	wrdreg $0xA8000  }
0xb0: {  	[dreg:$0x4] =	wrdreg $0x9  }
0xb1: {  	_ =	task.clear_ibuf [dreg:s6], $0x5FFFF;
	_ =	strace $0x90000046  }
0xb2: {  	s29 =	simm.s32 $0x9;
	_ =	strace $0x80000048  }
0xb3: {  	_ =	swait.ge [sflag:s29], $0x1  }
0xb4: {  	[sflag:s29] =	ssyncadd.s32 $0xFFFFFFFF  }
0xb5: {  	_ =	strace $0x90000048  }
0xb6: {  	_ =	sfence  }
0xb7: {  	s30 =	sld [smem:$0x0];
	_ =	sdelay $0x2  }
0xb8: {  	s31 =	sshll.u32 s1, $0xD;
	s1 =	sshrl.u32 s1, $0x2  }
0xb9: {  	s3 =	sand.u32 $0x4000, s31;
	s1 =	sadd.s32 s1, s30  }
0xba: {  	s0 =	sor.u32 s3, s0;
	s1 =	sshll.u32 s1, $0x11  }
0xbb: {  	s0 =	sor.u32 s1, s0  }
0xbc: {  	s0 =	sadd.s32 $0x8F2B, s0  }
0xbd: {  	[sflag:s0] =	ssyncadd.remote.s32 $0x1  }
0xbe: {  	_ =	sfence.sel $0xFFFF  }
0xbf: {  	[dreg:$0x0] =	wrdreg $0xFFFFFFFF;
	(pc) =	sbr.abs _section_cstart, $3  }
0xc0: {  	[dreg:$0x1] =	wrdreg $0xFFFFFFFF  }
0xc1: {  	_ =	task.clear_ibuf [dreg:s6], $0x2FFFF;
	_ =	strace $0x9FFFFFFF  }
0xc2: {  	(tm) =	ssettm $0x7FFFFFFF  }
0xc3: {  	_ =	shalt  }
tec
execute0_lowered:
.L_overlay_start_1:
0x0: {  	(tag) =	ssettag $0x1  }
0x1: {  	s6 =	rddreg [dreg:$0x0]  }
0x2: {  	s1 =	rddreg [dreg:$0x1];
	s2 =	srdreg.scid  }
0x3: {  	s0 =	rddreg [dreg:$0x2];
	s3 =	simm.s32 $0x0;
	s15 =	simm.s32 $0x1400  }
0x4: {  	s16 =	simm.s32 $0x80;
	s17 =	simm.s32 $0x2800;
	s18 =	simm.s32 $0x6800  }
0x5: {  	s19 =	simm.s32 $0x1;
	s20 =	simm.s32 $0x2;
	s21 =	simm.s32 $0x2700  }
0x6: {  	s22 =	simm.s32 $0x2780;
	s23 =	simm.s32 $0x0;
	s7 =	sand.u32 $0x1, s2  }
0x7: {  	s2 =	stileid.u32;
	[smem:$0x7FF] =	sst s3;
	s4 =	sadd.s32 $0x8FC00, s6  }
0x8: {  	s9 =	sadd.s32 $0x3C00, s6;
	s10 =	sadd.s32 $0xDC00, s6;
	s5 =	smul.u32 $0x140000, s7  }
0x9: {  	s8 =	smul.u32 $0x14000, s2;
	_ =	strace $0x80000047;
	s11 =	sshll.u32 s2, $0x1  }
0xa: {  	s12 =	ssub.s32 $0x2, s7;
	s26 =	smul.u32 $0x50000, s2;
	s30 =	sshll.u32 s2, $0x6  }
0xb: {  	s7 =	sor.u32 s7, s11;
	s28 =	sshrl.u32 s12, $0x1;
	s8 =	sadd.s32 s8, s5  }
0xc: {  	s5 =	sadd.s32 $0xB7C00, s6;
	s7 =	smul.u32 $0x2800, s7;
	s29 =	sshrl.u32 s26, $0x2  }
0xd: {  	s12 =	ssub.s32 s12, s28;
	s8 =	sshrl.u32 s8, $0x3;
	s14 =	sadd.s32 s29, s1  }
0xe: {  	s12 =	smax.u32 s12, $0x1;
	s13 =	sadd.s32 s8, s6;
	s31 =	sshrl.u32 s7, $0x3  }
0xf: {  	s6 =	sor.u32 $0x1C03, s30;
	s7 =	sadd.s32 s9, s31;
	s11 =	sadd.s32 $0x280, s31  }
0x10: {  	s8 =	sadd.s32 s10, s31;
	s9 =	sadd.s32 s9, s11;
	s10 =	sadd.s32 s10, s11  }
0x11: {  	s11 =	sadd.s32 $0xBA400, s13;
	s13 =	sshrl.u32 s14, $0x3;
	s14 =	simm.s32 $0x3  }
.LBB2_1:
0x12: {  	[spmem:s13], [sflag:s6] =	dma.local [hbm:s5], $0x2800  }
0x13: {  	_ =	swait.ge [sflag:s14], $0x2800  }
0x14: {  	[sflag:s14] =	ssyncset.done $0x0  }
0x15: {  	[sflag:s14] =	ssyncadd.s32 $0xFFFFD800  }
0x16: {  	[bflag:$0x0] =	sbarrier.arrive $0xFFFF  }
0x17: {  	[tilespmem:s3], [sflag:$0x3] =	stream.linear.gather [hbm4b:s7+s3], $0x1400, $0x38;
	[tilespmem:$0x1E800] =	vst v63  }
0x18: {  	_ =	swait.ge [sflag:s14], $0x1400  }
0x19: {  	[sflag:s14] =	ssyncset.done $0x0  }
0x1a: {  	[sflag:s14] =	ssyncadd.s32 $0xFFFFEC00  }
0x1b: {  	[tilespmem:s15], [sflag:$0x3] =	stream.linear.gather [hbm4b:s8+s3], $0x1400, $0x38;
	[tilespmem:$0x1E800] =	vst v63  }
0x1c: {  	_ =	swait.ge [sflag:s14], $0x1400  }
0x1d: {  	[sflag:s14] =	ssyncset.done $0x0  }
0x1e: {  	[sflag:s14] =	ssyncadd.s32 $0xFFFFEC00  }
0x1f: {  	[tilespmem:s17], [sflag:$0x1] =	stream.indirect.gather [hbm4b:s4+s16], $0x80, s3, s16, $0xb8;
	[tilespmem:$0x1E800] =	vst v63  }
0x20: {  	_ = 	snop  }
0x21: {  	[tilespmem:s18], [sflag:$0x2] =	stream.indirect.gather [hbm4b:s4+s16], $0x80, s16, s16, $0xb8;
	[tilespmem:$0x1E800] =	vst v63  }
0x22: {  	_ =	swait.ge [sflag:s19], $0x4000  }
0x23: {  	[sflag:s19] =	ssyncset.done $0x0  }
0x24: {  	s24 =	simm.s32 $0x1400;
	[sflag:s19] =	ssyncadd.s32 $0xFFFFC000  }
0x25: {  	[spmem:s1] =	stream.indirect.scatter.add.f32 [tilespmem:s17], [sflag:$0x3], $0x80, s24, s16, $0xb8;
	[tilespmem:$0x1E800] =	vst v63  }
0x26: {  	_ =	swait.ge [sflag:s14], $0x4000  }
0x27: {  	[sflag:s14] =	ssyncset.done $0x0  }
0x28: {  	s30 =	simm.s32 $0x100;
	[sflag:s14] =	ssyncadd.s32 $0xFFFFC000  }
0x29: {  	[tilespmem:s17], [sflag:$0x1] =	stream.indirect.gather [hbm4b:s4+s16], $0x80, s30, s16, $0xb8;
	[tilespmem:$0x1E800] =	vst v63  }
0x2a: {  	_ =	swait.ge [sflag:s20], $0x4000  }
0x2b: {  	[sflag:s20] =	ssyncset.done $0x0  }
0x2c: {  	s31 =	simm.s32 $0x1480;
	[sflag:s20] =	ssyncadd.s32 $0xFFFFC000  }
0x2d: {  	[spmem:s1] =	stream.indirect.scatter.add.f32 [tilespmem:s18], [sflag:$0x3], $0x80, s31, s16, $0xb8;
	[tilespmem:$0x1E800] =	vst v63  }
0x2e: {  	_ =	swait.ge [sflag:s14], $0x4000  }
0x2f: {  	[sflag:s14] =	ssyncset.done $0x0  }
0x30: {  	s25 =	simm.s32 $0x180;
	s24 =	simm.s32 $0x400;
	[sflag:s14] =	ssyncadd.s32 $0xFFFFC000  }
.LBB2_2:
0x31: {  	[tilespmem:s18], [sflag:$0x2] =	stream.indirect.gather [hbm4b:s4+s16], $0x80, s25, s16, $0xb8;
	[tilespmem:$0x1E800] =	vst v63  }
0x32: {  	s25 =	smov.u32 s24  }
0x33: {  	p0 =	sne.s32 s24, $0x4800;
	s24 =	sadd.s32 $0x400, s24;
	_ =	swait.ge [sflag:s19], $0x4000  }
0x34: {  	s25 =	sshra.s32 s25, $0x2;
	[sflag:s19] =	ssyncset.done $0x0  }
0x35: {  	s26 =	sadd.s32 $0x1400, s25;
	[sflag:s19] =	ssyncadd.s32 $0xFFFFC000  }
0x36: {  	[spmem:s1] =	stream.indirect.scatter.add.f32 [tilespmem:s17], [sflag:$0x3], $0x80, s26, s16, $0xb8;
	[tilespmem:$0x1E800] =	vst v63  }
0x37: {  	_ =	swait.ge [sflag:s14], $0x4000  }
0x38: {  	[sflag:s14] =	ssyncset.done $0x0  }
0x39: {  	s26 =	sadd.s32 $0x100, s25;
	[sflag:s14] =	ssyncadd.s32 $0xFFFFC000  }
0x3a: {  	[tilespmem:s17], [sflag:$0x1] =	stream.indirect.gather [hbm4b:s4+s16], $0x80, s26, s16, $0xb8;
	[tilespmem:$0x1E800] =	vst v63  }
0x3b: {  	_ =	swait.ge [sflag:s20], $0x4000  }
0x3c: {  	[sflag:s20] =	ssyncset.done $0x0  }
.Ltmp0:
0x3d: {  	s26 =	sadd.s32 $0x1480, s25;
	[sflag:s20] =	ssyncadd.s32 $0xFFFFC000;
	(pc) =	sbr.rel @p0 .LBB2_2-.Ltmp0, $4  }
0x3e: {  	[spmem:s1] =	stream.indirect.scatter.add.f32 [tilespmem:s18], [sflag:$0x3], $0x80, s26, s16, $0xb8;
	[tilespmem:$0x1E800] =	vst v63  }
0x3f: {  	_ =	swait.ge [sflag:s14], $0x4000  }
0x40: {  	[sflag:s14] =	ssyncset.done $0x0  }
0x41: {  	s25 =	sadd.s32 $0x180, s25;
	[sflag:s14] =	ssyncadd.s32 $0xFFFFC000  }
0x42: {  	[tilespmem:s18], [sflag:$0x2] =	stream.indirect.gather [hbm4b:s4+s16], $0x80, s25, s16, $0xb8;
	[tilespmem:$0x1E800] =	vst v63  }
0x43: {  	_ =	swait.ge [sflag:s19], $0x4000  }
0x44: {  	[sflag:s19] =	ssyncset.done $0x0  }
0x45: {  	[sflag:s19] =	ssyncadd.s32 $0xFFFFC000  }
0x46: {  	[spmem:s1] =	stream.indirect.scatter.add.f32 [tilespmem:s17], [sflag:$0x3], $0x80, s21, s16, $0xb8;
	[tilespmem:$0x1E800] =	vst v63  }
0x47: {  	_ =	swait.ge [sflag:s14], $0x4000  }
0x48: {  	[sflag:s14] =	ssyncset.done $0x0  }
0x49: {  	[sflag:s14] =	ssyncadd.s32 $0xFFFFC000  }
0x4a: {  	_ =	swait.ge [sflag:s20], $0x4000  }
0x4b: {  	[sflag:s20] =	ssyncset.done $0x0  }
0x4c: {  	[sflag:s20] =	ssyncadd.s32 $0xFFFFC000  }
0x4d: {  	[spmem:s1] =	stream.indirect.scatter.add.f32 [tilespmem:s18], [sflag:$0x3], $0x80, s22, s16, $0xb8;
	[tilespmem:$0x1E800] =	vst v63  }
0x4e: {  	_ =	swait.ge [sflag:s14], $0x4000  }
0x4f: {  	[sflag:s14] =	ssyncset.done $0x0  }
0x50: {  	s24 =	simm.s32 $0x0;
	[sflag:s14] =	ssyncadd.s32 $0xFFFFC000  }
0x51: {  	[tilespmem:s24], [sflag:$0x3] =	stream.linear.gather [hbm4b:s9+s24], $0x1400, $0x38;
	[tilespmem:$0x1E800] =	vst v63  }
0x52: {  	_ =	swait.ge [sflag:s14], $0x1400  }
0x53: {  	[sflag:s14] =	ssyncset.done $0x0  }
0x54: {  	[sflag:s14] =	ssyncadd.s32 $0xFFFFEC00  }
0x55: {  	[tilespmem:s15], [sflag:$0x3] =	stream.linear.gather [hbm4b:s10+s24], $0x1400, $0x38;
	[tilespmem:$0x1E800] =	vst v63  }
0x56: {  	_ =	swait.ge [sflag:s14], $0x1400  }
0x57: {  	[sflag:s14] =	ssyncset.done $0x0  }
0x58: {  	[sflag:s14] =	ssyncadd.s32 $0xFFFFEC00  }
0x59: {  	[tilespmem:s17], [sflag:$0x1] =	stream.indirect.gather [hbm4b:s4+s16], $0x80, s24, s16, $0xb8;
	[tilespmem:$0x1E800] =	vst v63  }
0x5a: {  	_ = 	snop  }
0x5b: {  	[tilespmem:s18], [sflag:$0x2] =	stream.indirect.gather [hbm4b:s4+s16], $0x80, s16, s16, $0xb8;
	[tilespmem:$0x1E800] =	vst v63  }
0x5c: {  	_ =	swait.ge [sflag:s19], $0x4000  }
0x5d: {  	[sflag:s19] =	ssyncset.done $0x0  }
0x5e: {  	s29 =	simm.s32 $0x1400;
	[sflag:s19] =	ssyncadd.s32 $0xFFFFC000  }
0x5f: {  	[spmem:s1] =	stream.indirect.scatter.add.f32 [tilespmem:s17], [sflag:$0x3], $0x80, s29, s16, $0xb8;
	[tilespmem:$0x1E800] =	vst v63  }
0x60: {  	_ =	swait.ge [sflag:s14], $0x4000  }
0x61: {  	[sflag:s14] =	ssyncset.done $0x0  }
0x62: {  	s30 =	simm.s32 $0x100;
	[sflag:s14] =	ssyncadd.s32 $0xFFFFC000  }
0x63: {  	[tilespmem:s17], [sflag:$0x1] =	stream.indirect.gather [hbm4b:s4+s16], $0x80, s30, s16, $0xb8;
	[tilespmem:$0x1E800] =	vst v63  }
0x64: {  	_ =	swait.ge [sflag:s20], $0x4000  }
0x65: {  	[sflag:s20] =	ssyncset.done $0x0  }
0x66: {  	s31 =	simm.s32 $0x1480;
	[sflag:s20] =	ssyncadd.s32 $0xFFFFC000  }
0x67: {  	[spmem:s1] =	stream.indirect.scatter.add.f32 [tilespmem:s18], [sflag:$0x3], $0x80, s31, s16, $0xb8;
	[tilespmem:$0x1E800] =	vst v63  }
0x68: {  	_ =	swait.ge [sflag:s14], $0x4000  }
0x69: {  	[sflag:s14] =	ssyncset.done $0x0  }
0x6a: {  	s25 =	simm.s32 $0x180;
	s24 =	simm.s32 $0x400;
	[sflag:s14] =	ssyncadd.s32 $0xFFFFC000  }
.LBB2_4:
0x6b: {  	[tilespmem:s18], [sflag:$0x2] =	stream.indirect.gather [hbm4b:s4+s16], $0x80, s25, s16, $0xb8;
	[tilespmem:$0x1E800] =	vst v63  }
0x6c: {  	s25 =	smov.u32 s24  }
0x6d: {  	p0 =	sne.s32 s24, $0x4800;
	s24 =	sadd.s32 $0x400, s24;
	_ =	swait.ge [sflag:s19], $0x4000  }
0x6e: {  	s25 =	sshra.s32 s25, $0x2;
	[sflag:s19] =	ssyncset.done $0x0  }
0x6f: {  	s26 =	sadd.s32 $0x1400, s25;
	[sflag:s19] =	ssyncadd.s32 $0xFFFFC000  }
0x70: {  	[spmem:s1] =	stream.indirect.scatter.add.f32 [tilespmem:s17], [sflag:$0x3], $0x80, s26, s16, $0xb8;
	[tilespmem:$0x1E800] =	vst v63  }
0x71: {  	_ =	swait.ge [sflag:s14], $0x4000  }
0x72: {  	[sflag:s14] =	ssyncset.done $0x0  }
0x73: {  	s26 =	sadd.s32 $0x100, s25;
	[sflag:s14] =	ssyncadd.s32 $0xFFFFC000  }
0x74: {  	[tilespmem:s17], [sflag:$0x1] =	stream.indirect.gather [hbm4b:s4+s16], $0x80, s26, s16, $0xb8;
	[tilespmem:$0x1E800] =	vst v63  }
0x75: {  	_ =	swait.ge [sflag:s20], $0x4000  }
0x76: {  	[sflag:s20] =	ssyncset.done $0x0  }
.Ltmp1:
0x77: {  	s26 =	sadd.s32 $0x1480, s25;
	[sflag:s20] =	ssyncadd.s32 $0xFFFFC000;
	(pc) =	sbr.rel @p0 .LBB2_4-.Ltmp1, $4  }
0x78: {  	[spmem:s1] =	stream.indirect.scatter.add.f32 [tilespmem:s18], [sflag:$0x3], $0x80, s26, s16, $0xb8;
	[tilespmem:$0x1E800] =	vst v63  }
0x79: {  	_ =	swait.ge [sflag:s14], $0x4000  }
0x7a: {  	[sflag:s14] =	ssyncset.done $0x0  }
0x7b: {  	s25 =	sadd.s32 $0x180, s25;
	[sflag:s14] =	ssyncadd.s32 $0xFFFFC000  }
0x7c: {  	[tilespmem:s18], [sflag:$0x2] =	stream.indirect.gather [hbm4b:s4+s16], $0x80, s25, s16, $0xb8;
	[tilespmem:$0x1E800] =	vst v63  }
0x7d: {  	_ =	swait.ge [sflag:s19], $0x4000  }
0x7e: {  	[sflag:s19] =	ssyncset.done $0x0  }
0x7f: {  	[sflag:s19] =	ssyncadd.s32 $0xFFFFC000  }
0x80: {  	[spmem:s1] =	stream.indirect.scatter.add.f32 [tilespmem:s17], [sflag:$0x3], $0x80, s21, s16, $0xb8;
	[tilespmem:$0x1E800] =	vst v63  }
0x81: {  	_ =	swait.ge [sflag:s14], $0x4000  }
0x82: {  	[sflag:s14] =	ssyncset.done $0x0  }
0x83: {  	[sflag:s14] =	ssyncadd.s32 $0xFFFFC000  }
0x84: {  	_ =	swait.ge [sflag:s20], $0x4000  }
0x85: {  	[sflag:s20] =	ssyncset.done $0x0  }
0x86: {  	[sflag:s20] =	ssyncadd.s32 $0xFFFFC000  }
0x87: {  	[spmem:s1] =	stream.indirect.scatter.add.f32 [tilespmem:s18], [sflag:$0x3], $0x80, s22, s16, $0xb8;
	[tilespmem:$0x1E800] =	vst v63  }
0x88: {  	_ =	swait.ge [sflag:s14], $0x4000  }
0x89: {  	s23 =	sadd.s32 $0x1, s23;
	[sflag:s14] =	ssyncset.done $0x0  }
0x8a: {  	p0 =	sne.s32 s23, s12;
	[sflag:s14] =	ssyncadd.s32 $0xFFFFC000  }
.Ltmp2:
0x8b: {  	[bflag:$0x0] =	sbarrier.arrive $0xFFFF;
	(pc) =	sbr.rel @p0 .LBB2_1-.Ltmp2, $4  }
0x8c: {  	[hbm:s11], [sflag:s6] =	dma.local [spmem:s13], $0x2800  }
0x8d: {  	_ =	swait.ge [sflag:s14], $0x2800  }
0x8e: {  	[sflag:s14] =	ssyncset.done $0x0  }
0x8f: {  	[sflag:s14] =	ssyncadd.s32 $0xFFFFD800  }
0x90: {  	_ =	sfence.sel $0x180000  }
0x91: {  	[bflag:$0x0] =	sbarrier.arrive $0xFFFF  }
0x92: {  	p0 =	sne.s32 s2, $0x0;
	_ =	strace $0x90000047  }
0x93: {  	s0 =	sadd.s32 @!p0 $0x100000, s0;
	[bflag:$0x2] =	sbarrier.arrive $0xFFFF  }
0x94: {  	[sflag:s0] =	ssyncadd.tile.s32 @!p0 $0x1;
	_ =	shalt  }
.Lfunc_end2:
_tile_overlayer_lowered:
.L_overlay_start_2:
0x95: {  	(tag) =	ssettag $0x2  }
0x96: {  	s0 =	rddreg [dreg:$0x0];
	s2 =	stileid.u32  }
0x97: {  	s1 =	rddreg [dreg:$0x1];
	p0 =	sne.s32 s2, $0x0  }
0x98: {  	s3 =	rddreg [dreg:$0x2];
	[bflag:$0x3] =	sbarrier.arrive $0xFFFF;
	s2 =	simm.s32 @!p0 $0x1C03  }
0x99: {  	[timem:s3], [sflag:s2] =	dma.local @!p0 [hbm:s0], s1  }
0x9a: {  	s0 =	simm.s32 @!p0 $0x3  }
0x9b: {  	_ =	swait.ge @!p0 [sflag:s0], s1  }
0x9c: {  	s1 =	ssub.s32 @!p0 $0x0, s1;
	[sflag:s0] =	ssyncset.done @!p0 $0x0  }
0x9d: {  	[sflag:s0] =	ssyncadd.s32 @!p0 s1  }
0x9e: {  	[bflag:$0x3] =	sbarrier.arrive $0xFFFF  }
0x9f: {  	_ =	shalt  }

// kernel: kernel.13.cloned.1.call-start
scs
__scs_entry_jumppad:
0x0: {  	(pc) =	sbr.rel $0x88, $3  }
0x1: {  	(tag) =	ssettag $0x0;
	lr =	simm.s32 $0x1  }
0x2: {  	[smem:$0x3F89] =	sst lr;
	_ =	strace $0xD0000000  }
0x3: {  	_ = 	snop  }
0x4: {  	_ = 	snop  }
0x5: {  	_ = 	snop  }
0x6: {  	_ = 	snop  }
0x7: {  	_ = 	snop  }
__scs_overlays_trampoline_lowered:
0x8: {  	[smem:$0x3F98] =	sst s0  }
0x9: {  	[smem:$0x3F99] =	sst s1  }
0xa: {  	[smem:$0x3F9A] =	sst s2  }
0xb: {  	[smem:$0x3F9B] =	sst s3  }
0xc: {  	[smem:$0x3F9C] =	sst s4  }
0xd: {  	[smem:$0x3F9D] =	sst s5  }
0xe: {  	[smem:$0x3F9E] =	sst s6  }
0xf: {  	[smem:$0x3F9F] =	sst s7  }
0x10: {  	[smem:$0x3FA0] =	sst s8  }
0x11: {  	[smem:$0x3FA1] =	sst s9;
	s0 =	simm.s32 @!p0 $0x0  }
0x12: {  	s1 =	sld [smem:$0x3F87];
	s0 =	simm.s32 @p0 $0x1  }
0x13: {  	[smem:$0x3FA2] =	sst s0;
	s0 =	simm.s32 @!p1 $0x0  }
0x14: {  	s2 =	sld [smem:$0x3F86];
	s0 =	simm.s32 @p1 $0x1  }
0x15: {  	[smem:$0x3FA3] =	sst s0;
	s0 =	simm.s32 @!p2 $0x0  }
0x16: {  	s3 =	sld [smem:$0x3FDB];
	s0 =	simm.s32 @p2 $0x1  }
0x17: {  	s4 =	simm.s32 $0x1BF5;
	[smem:$0x3FA5] =	sst s0  }
0x18: {  	s0 =	sld [smem:$0x3F88];
	_ =	swait.ge [sflag:s4], $0x0  }
0x19: {  	s7 =	sld [smem:$0x3F89]  }
0x1a: {  	s8 =	sadd.s32 $0xFFFFE003, lr  }
0x1b: {  	s9 =	sadd.s32 $0xFFFFFEF7, lr;
	s5 =	simm.s32 $0xFFFFFFFF;
	p2 =	slt.u32 s8, $0xFFFFF086  }
0x1c: {  	p1 =	slt.u32 s9, $0xF7A;
	s5 =	simm.s32 @!p2 $0x0  }
0x1d: {  	s5 =	simm.s32 @p1 $0x1;
	p0 =	seq.s32 s7, s2  }
0x1e: {  	s7 =	smul.u32 @!p0 $0xF7A, s2;
	p2 =	seq.s32 @!p0 s5, $0x0  }
0x1f: {  	s9 =	smul.u32 $0xF7A, s1;
	s8 =	simm.s32 @!p0 $0x1BF5;
	p2 =	por !p2, p0  }
0x20: {  	[sflag:s8] =	ssyncset.s32 @!p0 $0xFFFFF086;
	s6 =	sadd.s32 @!p0 s3, s7;
	s7 =	simm.s32 @!p0 $0x108  }
0x21: {  	s3 =	sadd.s32 s3, s9;
	s6 =	sadd.s32 @!p0 $0x88, s6;
	s7 =	simm.s32 @p2 $0x1082  }
0x22: {  	[simem:s7], [sflag:s8] =	dma.local @!p0 [hbm:s6], $0xF7A  }
0x23: {  	s9 =	sor.u32 $0xD0000000, s2;
	s6 =	simm.s32 $0x108;
	_ =	swait.ge @!p0 [sflag:s8], $0x0  }
0x24: {  	s3 =	sadd.s32 $0x88, s3;
	s6 =	simm.s32 @!p1 $0x1082;
	[sflag:s4] =	ssyncset.s32 $0xFFFFF086  }
0x25: {  	[simem:s6], [sflag:s4] =	dma.local [hbm:s3], $0xF7A  }
0x26: {  	[smem:$0x3F89] =	sst s1;
	(tag) =	ssettag s2;
	_ =	strace s9  }
0x27: {  	s1 =	sld [smem:$0x3F99]  }
0x28: {  	s2 =	sld [smem:$0x3F9A]  }
0x29: {  	s4 =	sld [smem:$0x3F9C]  }
0x2a: {  	p0 =	seq.s32 s5, $0x0;
	s5 =	sld [smem:$0x3F9D]  }
0x2b: {  	s6 =	sld [smem:$0x3F9E]  }
0x2c: {  	s7 =	sld [smem:$0x3F9F]  }
0x2d: {  	s3 =	simm.s32 $0x108;
	s8 =	sld [smem:$0x3FA0]  }
0x2e: {  	s3 =	simm.s32 @!p0 $0x1082;
	s9 =	sld [smem:$0x3FA1]  }
0x2f: {  	lr =	sadd.s32 s0, s3;
	s0 =	sld [smem:$0x3F98]  }
0x30: {  	s3 =	sld [smem:$0x3F9B]  }
0x31: {  	[smem:$0x3FA4] =	sst s10  }
0x32: {  	s10 =	sld [smem:$0x3FA2];
	_ =	sdelay $0x3  }
0x33: {  	p0 =	seq.s32 s10, $0x1;
	s10 =	sld [smem:$0x3FA4];
	_ =	sdelay $0x3  }
0x34: {  	[smem:$0x3FA4] =	sst s10  }
0x35: {  	s10 =	sld [smem:$0x3FA3];
	_ =	sdelay $0x3  }
0x36: {  	p1 =	seq.s32 s10, $0x1;
	s10 =	sld [smem:$0x3FA4];
	_ =	sdelay $0x3  }
0x37: {  	[smem:$0x3FA4] =	sst s10  }
0x38: {  	s10 =	sld [smem:$0x3FA5]  }
0x39: {  	_ = 	snop;
	(pc) =	sbr.ind lr, $3  }
0x3a: {  	_ = 	snop  }
0x3b: {  	_ = 	snop  }
0x3c: {  	p2 =	seq.s32 s10, $0x1;
	s10 =	sld [smem:$0x3FA4]  }
0x3d: {  	_ =	shalt  }
0x3e: {  	_ =	shalt  }
0x3f: {  	_ =	shalt  }
0x40: {  	_ =	shalt  }
0x41: {  	_ =	shalt  }
0x42: {  	_ =	shalt  }
0x43: {  	_ =	shalt  }
0x44: {  	_ =	shalt  }
0x45: {  	_ =	shalt  }
0x46: {  	_ =	shalt  }
0x47: {  	_ =	shalt  }
0x48: {  	_ =	shalt  }
0x49: {  	_ =	shalt  }
0x4a: {  	_ =	shalt  }
0x4b: {  	_ =	shalt  }
0x4c: {  	_ =	shalt  }
0x4d: {  	_ =	shalt  }
0x4e: {  	_ =	shalt  }
0x4f: {  	_ =	shalt  }
0x50: {  	_ =	shalt  }
0x51: {  	_ =	shalt  }
0x52: {  	_ =	shalt  }
0x53: {  	_ =	shalt  }
0x54: {  	_ =	shalt  }
0x55: {  	_ =	shalt  }
0x56: {  	_ =	shalt  }
0x57: {  	_ =	shalt  }
0x58: {  	_ =	shalt  }
0x59: {  	_ =	shalt  }
0x5a: {  	_ =	shalt  }
0x5b: {  	_ =	shalt  }
0x5c: {  	_ =	shalt  }
0x5d: {  	_ =	shalt  }
0x5e: {  	_ =	shalt  }
0x5f: {  	_ =	shalt  }
0x60: {  	_ =	shalt  }
0x61: {  	_ =	shalt  }
0x62: {  	_ =	shalt  }
0x63: {  	_ =	shalt  }
0x64: {  	_ =	shalt  }
0x65: {  	_ =	shalt  }
0x66: {  	_ =	shalt  }
0x67: {  	_ =	shalt  }
0x68: {  	_ =	shalt  }
0x69: {  	_ =	shalt  }
0x6a: {  	_ =	shalt  }
0x6b: {  	_ =	shalt  }
0x6c: {  	_ =	shalt  }
0x6d: {  	_ =	shalt  }
0x6e: {  	_ =	shalt  }
0x6f: {  	_ =	shalt  }
0x70: {  	_ =	shalt  }
0x71: {  	_ =	shalt  }
0x72: {  	_ =	shalt  }
0x73: {  	_ =	shalt  }
0x74: {  	_ =	shalt  }
0x75: {  	_ =	shalt  }
0x76: {  	_ =	shalt  }
0x77: {  	_ =	shalt  }
0x78: {  	_ =	shalt  }
0x79: {  	_ =	shalt  }
0x7a: {  	_ =	shalt  }
0x7b: {  	_ =	shalt  }
0x7c: {  	_ =	shalt  }
0x7d: {  	_ =	shalt  }
0x7e: {  	_ =	shalt  }
0x7f: {  	_ =	shalt  }
0x80: {  	_ =	shalt  }
0x81: {  	_ =	shalt  }
0x82: {  	_ =	shalt  }
0x83: {  	_ =	shalt  }
0x84: {  	_ =	shalt  }
0x85: {  	_ =	shalt  }
0x86: {  	_ =	shalt  }
0x87: {  	_ =	shalt  }
.Lfunc_end0:
.L_simem_size_0:
called_computation.1_lowered:
.L_overlay_start_0:
0x88: {  	s2 =	sld [smem:$0x3FD9]  }
0x89: {  	s3 =	sld [smem:$0x3FFE];
	_ =	sdelay $0x1  }
0x8a: {  	s1 =	srdreg.scid  }
0x8b: {  	s0 =	sand.u32 $0x1, s1  }
0x8c: {  	s16 =	sshll.u32 s0, $0xA;
	s2 =	sadd.s32 s3, s2  }
0x8d: {  	s2 =	sadd.s32 s2, s16  }
0x8e: {  	[smem:$0x3FB0] =	sst s2  }
0x8f: {  	_ = 	snop  }
0x90: {  	(tm) =	ssettm $0x1  }
0x91: {  	s17 =	sld [smem:$0x3FFB];
	_ =	sdelay $0x3  }
0x92: {  	_ =	strace s17  }
0x93: {  	s2 =	sld [smem:$0x3FFC];
	_ =	sdelay $0x3  }
0x94: {  	_ =	strace s2  }
0x95: {  	s2 =	sld [smem:$0x3FFD];
	_ =	sdelay $0x3  }
0x96: {  	_ =	strace s2  }
0x97: {  	_ =	strace $0x8FFFFFFF  }
0x98: {  	s18 =	sld [smem:$0x3FDB];
	_ =	sdelay $0x1  }
0x99: {  	s19 =	simm.s32 $_scs_section_size  }
0x9a: {  	s4 =	simm.s32 $_size__tile_overlayer_lowered;
	s5 =	simm.s32 $_tile_overlayer_lowered  }
0x9b: {  	s22 =	simm.s32 $0x1BFF;
	s21 =	sshll.u32 s5, $0x1;
	s2 =	sadd.s32 s19, s18  }
0x9c: {  	s6 =	simm.s32 $0x0;
	s20 =	sshll.u32 s4, $0x1;
	s4 =	sadd.s32 s21, s2  }
0x9d: {  	[timem:s6], [sflag:s22] =	dma.local [hbm:s4], s20  }
0x9e: {  	_ =	swait.ge [sflag:s22], s20  }
0x9f: {  	s3 =	ssub.s32 $0x0, s20;
	[sflag:s22] =	ssyncset.done $0x0  }
0xa0: {  	[sflag:s22] =	ssyncadd.s32 s3;
	_ =	sdelay $0x1  }
0xa1: {  	s23 =	simm.s32 $0x1B8B  }
0xa2: {  	_ =	swait.ge [sflag:s23], $0x1  }
0xa3: {  	[sflag:s23] =	ssyncset.done $0x0  }
0xa4: {  	s25 =	simm.s32 $0x1B8E;
	s24 =	sld [smem:$0x3FFE];
	[sflag:s23] =	ssyncadd.s32 $0xFFFFFFFF  }
0xa5: {  	s26 =	simm.s32 $execute0_lowered;
	[smem:$0x3FD2] =	sst s25  }
0xa6: {  	s4 =	sshll.u32 s26, $0x1;
	_ =	strace $0x80000049;
	[dreg:$0x1] =	wrdreg $0xFFFFFFFF  }
0xa7: {  	s28 =	simm.s32 $_size_execute0_lowered;
	s2 =	sadd.s32 s2, s4;
	[dreg:$0x0] =	wrdreg $0x0  }
0xa8: {  	s4 =	sshll.u32 s28, $0x1;
	[dreg:$0x2] =	wrdreg s2  }
0xa9: {  	[dreg:$0x3] =	wrdreg s4  }
0xaa: {  	[dreg:$0x4] =	wrdreg $0xC0  }
0xab: {  	_ =	task [dreg:s6], $0x5FFFF  }
0xac: {  	[dreg:$0x1] =	wrdreg $0xFFFFFFFF  }
0xad: {  	[dreg:$0x0] =	wrdreg $0x60  }
0xae: {  	[dreg:$0x2] =	wrdreg s24  }
0xaf: {  	[dreg:$0x3] =	wrdreg $0xA8000  }
0xb0: {  	[dreg:$0x4] =	wrdreg $0x9  }
0xb1: {  	_ =	task.clear_ibuf [dreg:s6], $0x5FFFF;
	_ =	strace $0x90000049  }
0xb2: {  	s29 =	simm.s32 $0x9;
	_ =	strace $0x8000004B  }
0xb3: {  	_ =	swait.ge [sflag:s29], $0x1  }
0xb4: {  	[sflag:s29] =	ssyncadd.s32 $0xFFFFFFFF  }
0xb5: {  	_ =	strace $0x9000004B  }
0xb6: {  	_ =	sfence  }
0xb7: {  	s30 =	sld [smem:$0x0];
	_ =	sdelay $0x2  }
0xb8: {  	s31 =	sshll.u32 s1, $0xD;
	s1 =	sshrl.u32 s1, $0x2  }
0xb9: {  	s3 =	sand.u32 $0x4000, s31;
	s1 =	sadd.s32 s1, s30  }
0xba: {  	s0 =	sor.u32 s3, s0;
	s1 =	sshll.u32 s1, $0x11  }
0xbb: {  	s0 =	sor.u32 s1, s0  }
0xbc: {  	s0 =	sadd.s32 $0x8F2B, s0  }
0xbd: {  	[sflag:s0] =	ssyncadd.remote.s32 $0x1  }
0xbe: {  	_ =	sfence.sel $0xFFFF  }
0xbf: {  	[dreg:$0x0] =	wrdreg $0xFFFFFFFF;
	(pc) =	sbr.abs _section_cstart, $3  }
0xc0: {  	[dreg:$0x1] =	wrdreg $0xFFFFFFFF  }
0xc1: {  	_ =	task.clear_ibuf [dreg:s6], $0x2FFFF;
	_ =	strace $0x9FFFFFFF  }
0xc2: {  	(tm) =	ssettm $0x7FFFFFFF  }
0xc3: {  	_ =	shalt  }
tec
execute0_lowered:
.L_overlay_start_1:
0x0: {  	(tag) =	ssettag $0x1  }
0x1: {  	s6 =	rddreg [dreg:$0x0]  }
0x2: {  	s1 =	rddreg [dreg:$0x1];
	s2 =	srdreg.scid  }
0x3: {  	s0 =	rddreg [dreg:$0x2];
	s3 =	simm.s32 $0x0;
	s15 =	simm.s32 $0x1400  }
0x4: {  	s16 =	simm.s32 $0x80;
	s17 =	simm.s32 $0x2800;
	s18 =	simm.s32 $0x6800  }
0x5: {  	s19 =	simm.s32 $0x1;
	s20 =	simm.s32 $0x2;
	s21 =	simm.s32 $0x2700  }
0x6: {  	s22 =	simm.s32 $0x2780;
	s23 =	simm.s32 $0x0;
	s7 =	sand.u32 $0x1, s2  }
0x7: {  	s2 =	stileid.u32;
	[smem:$0x7FF] =	sst s3;
	s4 =	sadd.s32 $0xBA400, s6  }
0x8: {  	s9 =	sadd.s32 $0x3C00, s6;
	s10 =	sadd.s32 $0xDC00, s6;
	s5 =	smul.u32 $0x140000, s7  }
0x9: {  	s8 =	smul.u32 $0x14000, s2;
	_ =	strace $0x8000004A;
	s11 =	sshll.u32 s2, $0x1  }
0xa: {  	s12 =	ssub.s32 $0x2, s7;
	s26 =	smul.u32 $0x50000, s2;
	s30 =	sshll.u32 s2, $0x6  }
0xb: {  	s7 =	sor.u32 s7, s11;
	s28 =	sshrl.u32 s12, $0x1;
	s8 =	sadd.s32 s8, s5  }
0xc: {  	s5 =	sadd.s32 $0xB7C00, s6;
	s7 =	smul.u32 $0x2800, s7;
	s29 =	sshrl.u32 s26, $0x2  }
0xd: {  	s12 =	ssub.s32 s12, s28;
	s8 =	sshrl.u32 s8, $0x3;
	s14 =	sadd.s32 s29, s1  }
0xe: {  	s12 =	smax.u32 s12, $0x1;
	s13 =	sadd.s32 s8, s6;
	s31 =	sshrl.u32 s7, $0x3  }
0xf: {  	s6 =	sor.u32 $0x1C03, s30;
	s7 =	sadd.s32 s9, s31;
	s11 =	sadd.s32 $0x280, s31  }
0x10: {  	s8 =	sadd.s32 s10, s31;
	s9 =	sadd.s32 s9, s11;
	s10 =	sadd.s32 s10, s11  }
0x11: {  	s11 =	sadd.s32 $0x17C00, s13;
	s13 =	sshrl.u32 s14, $0x3;
	s14 =	simm.s32 $0x3  }
.LBB2_1:
0x12: {  	[spmem:s13], [sflag:s6] =	dma.local [hbm:s5], $0x2800  }
0x13: {  	_ =	swait.ge [sflag:s14], $0x2800  }
0x14: {  	[sflag:s14] =	ssyncset.done $0x0  }
0x15: {  	[sflag:s14] =	ssyncadd.s32 $0xFFFFD800  }
0x16: {  	[bflag:$0x0] =	sbarrier.arrive $0xFFFF  }
0x17: {  	[tilespmem:s3], [sflag:$0x3] =	stream.linear.gather [hbm4b:s7+s3], $0x1400, $0x38;
	[tilespmem:$0x1E800] =	vst v63  }
0x18: {  	_ =	swait.ge [sflag:s14], $0x1400  }
0x19: {  	[sflag:s14] =	ssyncset.done $0x0  }
0x1a: {  	[sflag:s14] =	ssyncadd.s32 $0xFFFFEC00  }
0x1b: {  	[tilespmem:s15], [sflag:$0x3] =	stream.linear.gather [hbm4b:s8+s3], $0x1400, $0x38;
	[tilespmem:$0x1E800] =	vst v63  }
0x1c: {  	_ =	swait.ge [sflag:s14], $0x1400  }
0x1d: {  	[sflag:s14] =	ssyncset.done $0x0  }
0x1e: {  	[sflag:s14] =	ssyncadd.s32 $0xFFFFEC00  }
0x1f: {  	[tilespmem:s17], [sflag:$0x1] =	stream.indirect.gather [hbm4b:s4+s16], $0x80, s3, s16, $0xb8;
	[tilespmem:$0x1E800] =	vst v63  }
0x20: {  	_ = 	snop  }
0x21: {  	[tilespmem:s18], [sflag:$0x2] =	stream.indirect.gather [hbm4b:s4+s16], $0x80, s16, s16, $0xb8;
	[tilespmem:$0x1E800] =	vst v63  }
0x22: {  	_ =	swait.ge [sflag:s19], $0x4000  }
0x23: {  	[sflag:s19] =	ssyncset.done $0x0  }
0x24: {  	s24 =	simm.s32 $0x1400;
	[sflag:s19] =	ssyncadd.s32 $0xFFFFC000  }
0x25: {  	[spmem:s1] =	stream.indirect.scatter.add.f32 [tilespmem:s17], [sflag:$0x3], $0x80, s24, s16, $0xb8;
	[tilespmem:$0x1E800] =	vst v63  }
0x26: {  	_ =	swait.ge [sflag:s14], $0x4000  }
0x27: {  	[sflag:s14] =	ssyncset.done $0x0  }
0x28: {  	s30 =	simm.s32 $0x100;
	[sflag:s14] =	ssyncadd.s32 $0xFFFFC000  }
0x29: {  	[tilespmem:s17], [sflag:$0x1] =	stream.indirect.gather [hbm4b:s4+s16], $0x80, s30, s16, $0xb8;
	[tilespmem:$0x1E800] =	vst v63  }
0x2a: {  	_ =	swait.ge [sflag:s20], $0x4000  }
0x2b: {  	[sflag:s20] =	ssyncset.done $0x0  }
0x2c: {  	s31 =	simm.s32 $0x1480;
	[sflag:s20] =	ssyncadd.s32 $0xFFFFC000  }
0x2d: {  	[spmem:s1] =	stream.indirect.scatter.add.f32 [tilespmem:s18], [sflag:$0x3], $0x80, s31, s16, $0xb8;
	[tilespmem:$0x1E800] =	vst v63  }
0x2e: {  	_ =	swait.ge [sflag:s14], $0x4000  }
0x2f: {  	[sflag:s14] =	ssyncset.done $0x0  }
0x30: {  	s25 =	simm.s32 $0x180;
	s24 =	simm.s32 $0x400;
	[sflag:s14] =	ssyncadd.s32 $0xFFFFC000  }
.LBB2_2:
0x31: {  	[tilespmem:s18], [sflag:$0x2] =	stream.indirect.gather [hbm4b:s4+s16], $0x80, s25, s16, $0xb8;
	[tilespmem:$0x1E800] =	vst v63  }
0x32: {  	s25 =	smov.u32 s24  }
0x33: {  	p0 =	sne.s32 s24, $0x4800;
	s24 =	sadd.s32 $0x400, s24;
	_ =	swait.ge [sflag:s19], $0x4000  }
0x34: {  	s25 =	sshra.s32 s25, $0x2;
	[sflag:s19] =	ssyncset.done $0x0  }
0x35: {  	s26 =	sadd.s32 $0x1400, s25;
	[sflag:s19] =	ssyncadd.s32 $0xFFFFC000  }
0x36: {  	[spmem:s1] =	stream.indirect.scatter.add.f32 [tilespmem:s17], [sflag:$0x3], $0x80, s26, s16, $0xb8;
	[tilespmem:$0x1E800] =	vst v63  }
0x37: {  	_ =	swait.ge [sflag:s14], $0x4000  }
0x38: {  	[sflag:s14] =	ssyncset.done $0x0  }
0x39: {  	s26 =	sadd.s32 $0x100, s25;
	[sflag:s14] =	ssyncadd.s32 $0xFFFFC000  }
0x3a: {  	[tilespmem:s17], [sflag:$0x1] =	stream.indirect.gather [hbm4b:s4+s16], $0x80, s26, s16, $0xb8;
	[tilespmem:$0x1E800] =	vst v63  }
0x3b: {  	_ =	swait.ge [sflag:s20], $0x4000  }
0x3c: {  	[sflag:s20] =	ssyncset.done $0x0  }
.Ltmp0:
0x3d: {  	s26 =	sadd.s32 $0x1480, s25;
	[sflag:s20] =	ssyncadd.s32 $0xFFFFC000;
	(pc) =	sbr.rel @p0 .LBB2_2-.Ltmp0, $4  }
0x3e: {  	[spmem:s1] =	stream.indirect.scatter.add.f32 [tilespmem:s18], [sflag:$0x3], $0x80, s26, s16, $0xb8;
	[tilespmem:$0x1E800] =	vst v63  }
0x3f: {  	_ =	swait.ge [sflag:s14], $0x4000  }
0x40: {  	[sflag:s14] =	ssyncset.done $0x0  }
0x41: {  	s25 =	sadd.s32 $0x180, s25;
	[sflag:s14] =	ssyncadd.s32 $0xFFFFC000  }
0x42: {  	[tilespmem:s18], [sflag:$0x2] =	stream.indirect.gather [hbm4b:s4+s16], $0x80, s25, s16, $0xb8;
	[tilespmem:$0x1E800] =	vst v63  }
0x43: {  	_ =	swait.ge [sflag:s19], $0x4000  }
0x44: {  	[sflag:s19] =	ssyncset.done $0x0  }
0x45: {  	[sflag:s19] =	ssyncadd.s32 $0xFFFFC000  }
0x46: {  	[spmem:s1] =	stream.indirect.scatter.add.f32 [tilespmem:s17], [sflag:$0x3], $0x80, s21, s16, $0xb8;
	[tilespmem:$0x1E800] =	vst v63  }
0x47: {  	_ =	swait.ge [sflag:s14], $0x4000  }
0x48: {  	[sflag:s14] =	ssyncset.done $0x0  }
0x49: {  	[sflag:s14] =	ssyncadd.s32 $0xFFFFC000  }
0x4a: {  	_ =	swait.ge [sflag:s20], $0x4000  }
0x4b: {  	[sflag:s20] =	ssyncset.done $0x0  }
0x4c: {  	[sflag:s20] =	ssyncadd.s32 $0xFFFFC000  }
0x4d: {  	[spmem:s1] =	stream.indirect.scatter.add.f32 [tilespmem:s18], [sflag:$0x3], $0x80, s22, s16, $0xb8;
	[tilespmem:$0x1E800] =	vst v63  }
0x4e: {  	_ =	swait.ge [sflag:s14], $0x4000  }
0x4f: {  	[sflag:s14] =	ssyncset.done $0x0  }
0x50: {  	s24 =	simm.s32 $0x0;
	[sflag:s14] =	ssyncadd.s32 $0xFFFFC000  }
0x51: {  	[tilespmem:s24], [sflag:$0x3] =	stream.linear.gather [hbm4b:s9+s24], $0x1400, $0x38;
	[tilespmem:$0x1E800] =	vst v63  }
0x52: {  	_ =	swait.ge [sflag:s14], $0x1400  }
0x53: {  	[sflag:s14] =	ssyncset.done $0x0  }
0x54: {  	[sflag:s14] =	ssyncadd.s32 $0xFFFFEC00  }
0x55: {  	[tilespmem:s15], [sflag:$0x3] =	stream.linear.gather [hbm4b:s10+s24], $0x1400, $0x38;
	[tilespmem:$0x1E800] =	vst v63  }
0x56: {  	_ =	swait.ge [sflag:s14], $0x1400  }
0x57: {  	[sflag:s14] =	ssyncset.done $0x0  }
0x58: {  	[sflag:s14] =	ssyncadd.s32 $0xFFFFEC00  }
0x59: {  	[tilespmem:s17], [sflag:$0x1] =	stream.indirect.gather [hbm4b:s4+s16], $0x80, s24, s16, $0xb8;
	[tilespmem:$0x1E800] =	vst v63  }
0x5a: {  	_ = 	snop  }
0x5b: {  	[tilespmem:s18], [sflag:$0x2] =	stream.indirect.gather [hbm4b:s4+s16], $0x80, s16, s16, $0xb8;
	[tilespmem:$0x1E800] =	vst v63  }
0x5c: {  	_ =	swait.ge [sflag:s19], $0x4000  }
0x5d: {  	[sflag:s19] =	ssyncset.done $0x0  }
0x5e: {  	s29 =	simm.s32 $0x1400;
	[sflag:s19] =	ssyncadd.s32 $0xFFFFC000  }
0x5f: {  	[spmem:s1] =	stream.indirect.scatter.add.f32 [tilespmem:s17], [sflag:$0x3], $0x80, s29, s16, $0xb8;
	[tilespmem:$0x1E800] =	vst v63  }
0x60: {  	_ =	swait.ge [sflag:s14], $0x4000  }
0x61: {  	[sflag:s14] =	ssyncset.done $0x0  }
0x62: {  	s30 =	simm.s32 $0x100;
	[sflag:s14] =	ssyncadd.s32 $0xFFFFC000  }
0x63: {  	[tilespmem:s17], [sflag:$0x1] =	stream.indirect.gather [hbm4b:s4+s16], $0x80, s30, s16, $0xb8;
	[tilespmem:$0x1E800] =	vst v63  }
0x64: {  	_ =	swait.ge [sflag:s20], $0x4000  }
0x65: {  	[sflag:s20] =	ssyncset.done $0x0  }
0x66: {  	s31 =	simm.s32 $0x1480;
	[sflag:s20] =	ssyncadd.s32 $0xFFFFC000  }
0x67: {  	[spmem:s1] =	stream.indirect.scatter.add.f32 [tilespmem:s18], [sflag:$0x3], $0x80, s31, s16, $0xb8;
	[tilespmem:$0x1E800] =	vst v63  }
0x68: {  	_ =	swait.ge [sflag:s14], $0x4000  }
0x69: {  	[sflag:s14] =	ssyncset.done $0x0  }
0x6a: {  	s25 =	simm.s32 $0x180;
	s24 =	simm.s32 $0x400;
	[sflag:s14] =	ssyncadd.s32 $0xFFFFC000  }
.LBB2_4:
0x6b: {  	[tilespmem:s18], [sflag:$0x2] =	stream.indirect.gather [hbm4b:s4+s16], $0x80, s25, s16, $0xb8;
	[tilespmem:$0x1E800] =	vst v63  }
0x6c: {  	s25 =	smov.u32 s24  }
0x6d: {  	p0 =	sne.s32 s24, $0x4800;
	s24 =	sadd.s32 $0x400, s24;
	_ =	swait.ge [sflag:s19], $0x4000  }
0x6e: {  	s25 =	sshra.s32 s25, $0x2;
	[sflag:s19] =	ssyncset.done $0x0  }
0x6f: {  	s26 =	sadd.s32 $0x1400, s25;
	[sflag:s19] =	ssyncadd.s32 $0xFFFFC000  }
0x70: {  	[spmem:s1] =	stream.indirect.scatter.add.f32 [tilespmem:s17], [sflag:$0x3], $0x80, s26, s16, $0xb8;
	[tilespmem:$0x1E800] =	vst v63  }
0x71: {  	_ =	swait.ge [sflag:s14], $0x4000  }
0x72: {  	[sflag:s14] =	ssyncset.done $0x0  }
0x73: {  	s26 =	sadd.s32 $0x100, s25;
	[sflag:s14] =	ssyncadd.s32 $0xFFFFC000  }
0x74: {  	[tilespmem:s17], [sflag:$0x1] =	stream.indirect.gather [hbm4b:s4+s16], $0x80, s26, s16, $0xb8;
	[tilespmem:$0x1E800] =	vst v63  }
0x75: {  	_ =	swait.ge [sflag:s20], $0x4000  }
0x76: {  	[sflag:s20] =	ssyncset.done $0x0  }
.Ltmp1:
0x77: {  	s26 =	sadd.s32 $0x1480, s25;
	[sflag:s20] =	ssyncadd.s32 $0xFFFFC000;
	(pc) =	sbr.rel @p0 .LBB2_4-.Ltmp1, $4  }
0x78: {  	[spmem:s1] =	stream.indirect.scatter.add.f32 [tilespmem:s18], [sflag:$0x3], $0x80, s26, s16, $0xb8;
	[tilespmem:$0x1E800] =	vst v63  }
0x79: {  	_ =	swait.ge [sflag:s14], $0x4000  }
0x7a: {  	[sflag:s14] =	ssyncset.done $0x0  }
0x7b: {  	s25 =	sadd.s32 $0x180, s25;
	[sflag:s14] =	ssyncadd.s32 $0xFFFFC000  }
0x7c: {  	[tilespmem:s18], [sflag:$0x2] =	stream.indirect.gather [hbm4b:s4+s16], $0x80, s25, s16, $0xb8;
	[tilespmem:$0x1E800] =	vst v63  }
0x7d: {  	_ =	swait.ge [sflag:s19], $0x4000  }
0x7e: {  	[sflag:s19] =	ssyncset.done $0x0  }
0x7f: {  	[sflag:s19] =	ssyncadd.s32 $0xFFFFC000  }
0x80: {  	[spmem:s1] =	stream.indirect.scatter.add.f32 [tilespmem:s17], [sflag:$0x3], $0x80, s21, s16, $0xb8;
	[tilespmem:$0x1E800] =	vst v63  }
0x81: {  	_ =	swait.ge [sflag:s14], $0x4000  }
0x82: {  	[sflag:s14] =	ssyncset.done $0x0  }
0x83: {  	[sflag:s14] =	ssyncadd.s32 $0xFFFFC000  }
0x84: {  	_ =	swait.ge [sflag:s20], $0x4000  }
0x85: {  	[sflag:s20] =	ssyncset.done $0x0  }
0x86: {  	[sflag:s20] =	ssyncadd.s32 $0xFFFFC000  }
0x87: {  	[spmem:s1] =	stream.indirect.scatter.add.f32 [tilespmem:s18], [sflag:$0x3], $0x80, s22, s16, $0xb8;
	[tilespmem:$0x1E800] =	vst v63  }
0x88: {  	_ =	swait.ge [sflag:s14], $0x4000  }
0x89: {  	s23 =	sadd.s32 $0x1, s23;
	[sflag:s14] =	ssyncset.done $0x0  }
0x8a: {  	p0 =	sne.s32 s23, s12;
	[sflag:s14] =	ssyncadd.s32 $0xFFFFC000  }
.Ltmp2:
0x8b: {  	[bflag:$0x0] =	sbarrier.arrive $0xFFFF;
	(pc) =	sbr.rel @p0 .LBB2_1-.Ltmp2, $4  }
0x8c: {  	[hbm:s11], [sflag:s6] =	dma.local [spmem:s13], $0x2800  }
0x8d: {  	_ =	swait.ge [sflag:s14], $0x2800  }
0x8e: {  	[sflag:s14] =	ssyncset.done $0x0  }
0x8f: {  	[sflag:s14] =	ssyncadd.s32 $0xFFFFD800  }
0x90: {  	_ =	sfence.sel $0x180000  }
0x91: {  	[bflag:$0x0] =	sbarrier.arrive $0xFFFF  }
0x92: {  	p0 =	sne.s32 s2, $0x0;
	_ =	strace $0x9000004A  }
0x93: {  	s0 =	sadd.s32 @!p0 $0x100000, s0;
	[bflag:$0x2] =	sbarrier.arrive $0xFFFF  }
0x94: {  	[sflag:s0] =	ssyncadd.tile.s32 @!p0 $0x1;
	_ =	shalt  }
.Lfunc_end2:
_tile_overlayer_lowered:
.L_overlay_start_2:
0x95: {  	(tag) =	ssettag $0x2  }
0x96: {  	s0 =	rddreg [dreg:$0x0];
	s2 =	stileid.u32  }
0x97: {  	s1 =	rddreg [dreg:$0x1];
	p0 =	sne.s32 s2, $0x0  }
0x98: {  	s3 =	rddreg [dreg:$0x2];
	[bflag:$0x3] =	sbarrier.arrive $0xFFFF;
	s2 =	simm.s32 @!p0 $0x1C03  }
0x99: {  	[timem:s3], [sflag:s2] =	dma.local @!p0 [hbm:s0], s1  }
0x9a: {  	s0 =	simm.s32 @!p0 $0x3  }
0x9b: {  	_ =	swait.ge @!p0 [sflag:s0], s1  }
0x9c: {  	s1 =	ssub.s32 @!p0 $0x0, s1;
	[sflag:s0] =	ssyncset.done @!p0 $0x0  }
0x9d: {  	[sflag:s0] =	ssyncadd.s32 @!p0 s1  }
0x9e: {  	[bflag:$0x3] =	sbarrier.arrive $0xFFFF  }
0x9f: {  	_ =	shalt  }

// kernel: kernel.16.cloned.1.call-start
scs
__scs_entry_jumppad:
0x0: {  	(pc) =	sbr.rel $0x88, $3  }
0x1: {  	(tag) =	ssettag $0x0;
	lr =	simm.s32 $0x1  }
0x2: {  	[smem:$0x3F89] =	sst lr;
	_ =	strace $0xD0000000  }
0x3: {  	_ = 	snop  }
0x4: {  	_ = 	snop  }
0x5: {  	_ = 	snop  }
0x6: {  	_ = 	snop  }
0x7: {  	_ = 	snop  }
__scs_overlays_trampoline_lowered:
0x8: {  	[smem:$0x3F98] =	sst s0  }
0x9: {  	[smem:$0x3F99] =	sst s1  }
0xa: {  	[smem:$0x3F9A] =	sst s2  }
0xb: {  	[smem:$0x3F9B] =	sst s3  }
0xc: {  	[smem:$0x3F9C] =	sst s4  }
0xd: {  	[smem:$0x3F9D] =	sst s5  }
0xe: {  	[smem:$0x3F9E] =	sst s6  }
0xf: {  	[smem:$0x3F9F] =	sst s7  }
0x10: {  	[smem:$0x3FA0] =	sst s8  }
0x11: {  	[smem:$0x3FA1] =	sst s9;
	s0 =	simm.s32 @!p0 $0x0  }
0x12: {  	s1 =	sld [smem:$0x3F87];
	s0 =	simm.s32 @p0 $0x1  }
0x13: {  	[smem:$0x3FA2] =	sst s0;
	s0 =	simm.s32 @!p1 $0x0  }
0x14: {  	s2 =	sld [smem:$0x3F86];
	s0 =	simm.s32 @p1 $0x1  }
0x15: {  	[smem:$0x3FA3] =	sst s0;
	s0 =	simm.s32 @!p2 $0x0  }
0x16: {  	s3 =	sld [smem:$0x3FDB];
	s0 =	simm.s32 @p2 $0x1  }
0x17: {  	s4 =	simm.s32 $0x1BF5;
	[smem:$0x3FA5] =	sst s0  }
0x18: {  	s0 =	sld [smem:$0x3F88];
	_ =	swait.ge [sflag:s4], $0x0  }
0x19: {  	s7 =	sld [smem:$0x3F89]  }
0x1a: {  	s8 =	sadd.s32 $0xFFFFE003, lr  }
0x1b: {  	s9 =	sadd.s32 $0xFFFFFEF7, lr;
	s5 =	simm.s32 $0xFFFFFFFF;
	p2 =	slt.u32 s8, $0xFFFFF086  }
0x1c: {  	p1 =	slt.u32 s9, $0xF7A;
	s5 =	simm.s32 @!p2 $0x0  }
0x1d: {  	s5 =	simm.s32 @p1 $0x1;
	p0 =	seq.s32 s7, s2  }
0x1e: {  	s7 =	smul.u32 @!p0 $0xF7A, s2;
	p2 =	seq.s32 @!p0 s5, $0x0  }
0x1f: {  	s9 =	smul.u32 $0xF7A, s1;
	s8 =	simm.s32 @!p0 $0x1BF5;
	p2 =	por !p2, p0  }
0x20: {  	[sflag:s8] =	ssyncset.s32 @!p0 $0xFFFFF086;
	s6 =	sadd.s32 @!p0 s3, s7;
	s7 =	simm.s32 @!p0 $0x108  }
0x21: {  	s3 =	sadd.s32 s3, s9;
	s6 =	sadd.s32 @!p0 $0x88, s6;
	s7 =	simm.s32 @p2 $0x1082  }
0x22: {  	[simem:s7], [sflag:s8] =	dma.local @!p0 [hbm:s6], $0xF7A  }
0x23: {  	s9 =	sor.u32 $0xD0000000, s2;
	s6 =	simm.s32 $0x108;
	_ =	swait.ge @!p0 [sflag:s8], $0x0  }
0x24: {  	s3 =	sadd.s32 $0x88, s3;
	s6 =	simm.s32 @!p1 $0x1082;
	[sflag:s4] =	ssyncset.s32 $0xFFFFF086  }
0x25: {  	[simem:s6], [sflag:s4] =	dma.local [hbm:s3], $0xF7A  }
0x26: {  	[smem:$0x3F89] =	sst s1;
	(tag) =	ssettag s2;
	_ =	strace s9  }
0x27: {  	s1 =	sld [smem:$0x3F99]  }
0x28: {  	s2 =	sld [smem:$0x3F9A]  }
0x29: {  	s4 =	sld [smem:$0x3F9C]  }
0x2a: {  	p0 =	seq.s32 s5, $0x0;
	s5 =	sld [smem:$0x3F9D]  }
0x2b: {  	s6 =	sld [smem:$0x3F9E]  }
0x2c: {  	s7 =	sld [smem:$0x3F9F]  }
0x2d: {  	s3 =	simm.s32 $0x108;
	s8 =	sld [smem:$0x3FA0]  }
0x2e: {  	s3 =	simm.s32 @!p0 $0x1082;
	s9 =	sld [smem:$0x3FA1]  }
0x2f: {  	lr =	sadd.s32 s0, s3;
	s0 =	sld [smem:$0x3F98]  }
0x30: {  	s3 =	sld [smem:$0x3F9B]  }
0x31: {  	[smem:$0x3FA4] =	sst s10  }
0x32: {  	s10 =	sld [smem:$0x3FA2];
	_ =	sdelay $0x3  }
0x33: {  	p0 =	seq.s32 s10, $0x1;
	s10 =	sld [smem:$0x3FA4];
	_ =	sdelay $0x3  }
0x34: {  	[smem:$0x3FA4] =	sst s10  }
0x35: {  	s10 =	sld [smem:$0x3FA3];
	_ =	sdelay $0x3  }
0x36: {  	p1 =	seq.s32 s10, $0x1;
	s10 =	sld [smem:$0x3FA4];
	_ =	sdelay $0x3  }
0x37: {  	[smem:$0x3FA4] =	sst s10  }
0x38: {  	s10 =	sld [smem:$0x3FA5]  }
0x39: {  	_ = 	snop;
	(pc) =	sbr.ind lr, $3  }
0x3a: {  	_ = 	snop  }
0x3b: {  	_ = 	snop  }
0x3c: {  	p2 =	seq.s32 s10, $0x1;
	s10 =	sld [smem:$0x3FA4]  }
0x3d: {  	_ =	shalt  }
0x3e: {  	_ =	shalt  }
0x3f: {  	_ =	shalt  }
0x40: {  	_ =	shalt  }
0x41: {  	_ =	shalt  }
0x42: {  	_ =	shalt  }
0x43: {  	_ =	shalt  }
0x44: {  	_ =	shalt  }
0x45: {  	_ =	shalt  }
0x46: {  	_ =	shalt  }
0x47: {  	_ =	shalt  }
0x48: {  	_ =	shalt  }
0x49: {  	_ =	shalt  }
0x4a: {  	_ =	shalt  }
0x4b: {  	_ =	shalt  }
0x4c: {  	_ =	shalt  }
0x4d: {  	_ =	shalt  }
0x4e: {  	_ =	shalt  }
0x4f: {  	_ =	shalt  }
0x50: {  	_ =	shalt  }
0x51: {  	_ =	shalt  }
0x52: {  	_ =	shalt  }
0x53: {  	_ =	shalt  }
0x54: {  	_ =	shalt  }
0x55: {  	_ =	shalt  }
0x56: {  	_ =	shalt  }
0x57: {  	_ =	shalt  }
0x58: {  	_ =	shalt  }
0x59: {  	_ =	shalt  }
0x5a: {  	_ =	shalt  }
0x5b: {  	_ =	shalt  }
0x5c: {  	_ =	shalt  }
0x5d: {  	_ =	shalt  }
0x5e: {  	_ =	shalt  }
0x5f: {  	_ =	shalt  }
0x60: {  	_ =	shalt  }
0x61: {  	_ =	shalt  }
0x62: {  	_ =	shalt  }
0x63: {  	_ =	shalt  }
0x64: {  	_ =	shalt  }
0x65: {  	_ =	shalt  }
0x66: {  	_ =	shalt  }
0x67: {  	_ =	shalt  }
0x68: {  	_ =	shalt  }
0x69: {  	_ =	shalt  }
0x6a: {  	_ =	shalt  }
0x6b: {  	_ =	shalt  }
0x6c: {  	_ =	shalt  }
0x6d: {  	_ =	shalt  }
0x6e: {  	_ =	shalt  }
0x6f: {  	_ =	shalt  }
0x70: {  	_ =	shalt  }
0x71: {  	_ =	shalt  }
0x72: {  	_ =	shalt  }
0x73: {  	_ =	shalt  }
0x74: {  	_ =	shalt  }
0x75: {  	_ =	shalt  }
0x76: {  	_ =	shalt  }
0x77: {  	_ =	shalt  }
0x78: {  	_ =	shalt  }
0x79: {  	_ =	shalt  }
0x7a: {  	_ =	shalt  }
0x7b: {  	_ =	shalt  }
0x7c: {  	_ =	shalt  }
0x7d: {  	_ =	shalt  }
0x7e: {  	_ =	shalt  }
0x7f: {  	_ =	shalt  }
0x80: {  	_ =	shalt  }
0x81: {  	_ =	shalt  }
0x82: {  	_ =	shalt  }
0x83: {  	_ =	shalt  }
0x84: {  	_ =	shalt  }
0x85: {  	_ =	shalt  }
0x86: {  	_ =	shalt  }
0x87: {  	_ =	shalt  }
.Lfunc_end0:
.L_simem_size_0:
called_computation.2_lowered:
.L_overlay_start_0:
0x88: {  	s2 =	sld [smem:$0x3FD9]  }
0x89: {  	s3 =	sld [smem:$0x3FFE];
	_ =	sdelay $0x1  }
0x8a: {  	s1 =	srdreg.scid  }
0x8b: {  	s0 =	sand.u32 $0x1, s1  }
0x8c: {  	s16 =	sshll.u32 s0, $0xA;
	s2 =	sadd.s32 s3, s2  }
0x8d: {  	s2 =	sadd.s32 s2, s16  }
0x8e: {  	[smem:$0x3FB0] =	sst s2  }
0x8f: {  	_ = 	snop  }
0x90: {  	(tm) =	ssettm $0x1  }
0x91: {  	s17 =	sld [smem:$0x3FFB];
	_ =	sdelay $0x3  }
0x92: {  	_ =	strace s17  }
0x93: {  	s2 =	sld [smem:$0x3FFC];
	_ =	sdelay $0x3  }
0x94: {  	_ =	strace s2  }
0x95: {  	s2 =	sld [smem:$0x3FFD];
	_ =	sdelay $0x3  }
0x96: {  	_ =	strace s2  }
0x97: {  	_ =	strace $0x8FFFFFFF  }
0x98: {  	s18 =	sld [smem:$0x3FDB];
	_ =	sdelay $0x1  }
0x99: {  	s19 =	simm.s32 $_scs_section_size  }
0x9a: {  	s4 =	simm.s32 $_size__tile_overlayer_lowered;
	s5 =	simm.s32 $_tile_overlayer_lowered  }
0x9b: {  	s22 =	simm.s32 $0x1BFF;
	s21 =	sshll.u32 s5, $0x1;
	s2 =	sadd.s32 s19, s18  }
0x9c: {  	s6 =	simm.s32 $0x0;
	s20 =	sshll.u32 s4, $0x1;
	s4 =	sadd.s32 s21, s2  }
0x9d: {  	[timem:s6], [sflag:s22] =	dma.local [hbm:s4], s20  }
0x9e: {  	_ =	swait.ge [sflag:s22], s20  }
0x9f: {  	s3 =	ssub.s32 $0x0, s20;
	[sflag:s22] =	ssyncset.done $0x0  }
0xa0: {  	[sflag:s22] =	ssyncadd.s32 s3;
	_ =	sdelay $0x1  }
0xa1: {  	s23 =	simm.s32 $0x1B8B  }
0xa2: {  	_ =	swait.ge [sflag:s23], $0x1  }
0xa3: {  	[sflag:s23] =	ssyncset.done $0x0  }
0xa4: {  	s25 =	simm.s32 $0x1B8E;
	s24 =	sld [smem:$0x3FFE];
	[sflag:s23] =	ssyncadd.s32 $0xFFFFFFFF  }
0xa5: {  	s26 =	simm.s32 $execute0_lowered;
	[smem:$0x3FD2] =	sst s25  }
0xa6: {  	s4 =	sshll.u32 s26, $0x1;
	_ =	strace $0x8000004C;
	[dreg:$0x1] =	wrdreg $0xFFFFFFFF  }
0xa7: {  	s28 =	simm.s32 $_size_execute0_lowered;
	s2 =	sadd.s32 s2, s4;
	[dreg:$0x0] =	wrdreg $0x0  }
0xa8: {  	s4 =	sshll.u32 s28, $0x1;
	[dreg:$0x2] =	wrdreg s2  }
0xa9: {  	[dreg:$0x3] =	wrdreg s4  }
0xaa: {  	[dreg:$0x4] =	wrdreg $0xC0  }
0xab: {  	_ =	task [dreg:s6], $0x5FFFF  }
0xac: {  	[dreg:$0x1] =	wrdreg $0xFFFFFFFF  }
0xad: {  	[dreg:$0x0] =	wrdreg $0x60  }
0xae: {  	[dreg:$0x2] =	wrdreg s24  }
0xaf: {  	[dreg:$0x3] =	wrdreg $0xA8000  }
0xb0: {  	[dreg:$0x4] =	wrdreg $0x9  }
0xb1: {  	_ =	task.clear_ibuf [dreg:s6], $0x5FFFF;
	_ =	strace $0x9000004C  }
0xb2: {  	s29 =	simm.s32 $0x9;
	_ =	strace $0x8000004E  }
0xb3: {  	_ =	swait.ge [sflag:s29], $0x1  }
0xb4: {  	[sflag:s29] =	ssyncadd.s32 $0xFFFFFFFF  }
0xb5: {  	_ =	strace $0x9000004E  }
0xb6: {  	_ =	sfence  }
0xb7: {  	s30 =	sld [smem:$0x0];
	_ =	sdelay $0x2  }
0xb8: {  	s31 =	sshll.u32 s1, $0xD;
	s1 =	sshrl.u32 s1, $0x2  }
0xb9: {  	s3 =	sand.u32 $0x4000, s31;
	s1 =	sadd.s32 s1, s30  }
0xba: {  	s0 =	sor.u32 s3, s0;
	s1 =	sshll.u32 s1, $0x11  }
0xbb: {  	s0 =	sor.u32 s1, s0  }
0xbc: {  	s0 =	sadd.s32 $0x8F2B, s0  }
0xbd: {  	[sflag:s0] =	ssyncadd.remote.s32 $0x1  }
0xbe: {  	_ =	sfence.sel $0xFFFF  }
0xbf: {  	[dreg:$0x0] =	wrdreg $0xFFFFFFFF;
	(pc) =	sbr.abs _section_cstart, $3  }
0xc0: {  	[dreg:$0x1] =	wrdreg $0xFFFFFFFF  }
0xc1: {  	_ =	task.clear_ibuf [dreg:s6], $0x2FFFF;
	_ =	strace $0x9FFFFFFF  }
0xc2: {  	(tm) =	ssettm $0x7FFFFFFF  }
0xc3: {  	_ =	shalt  }
tec
execute0_lowered:
.L_overlay_start_1:
0x0: {  	(tag) =	ssettag $0x1  }
0x1: {  	s6 =	rddreg [dreg:$0x0]  }
0x2: {  	s1 =	rddreg [dreg:$0x1];
	s2 =	srdreg.scid  }
0x3: {  	s0 =	rddreg [dreg:$0x2];
	s3 =	simm.s32 $0x0;
	s15 =	simm.s32 $0x1400  }
0x4: {  	s16 =	simm.s32 $0x80;
	s17 =	simm.s32 $0x2800;
	s18 =	simm.s32 $0x6800  }
0x5: {  	s19 =	simm.s32 $0x1;
	s20 =	simm.s32 $0x2;
	s21 =	simm.s32 $0x2700  }
0x6: {  	s22 =	simm.s32 $0x2780;
	s23 =	simm.s32 $0x0;
	s7 =	sand.u32 $0x1, s2  }
0x7: {  	s2 =	stileid.u32;
	[smem:$0x7FF] =	sst s3;
	s4 =	sadd.s32 $0x17C00, s6  }
0x8: {  	s9 =	sadd.s32 $0x3C00, s6;
	s10 =	sadd.s32 $0xDC00, s6;
	s5 =	smul.u32 $0x140000, s7  }
0x9: {  	s8 =	smul.u32 $0x14000, s2;
	_ =	strace $0x8000004D;
	s11 =	sshll.u32 s2, $0x1  }
0xa: {  	s12 =	ssub.s32 $0x2, s7;
	s26 =	smul.u32 $0x50000, s2;
	s30 =	sshll.u32 s2, $0x6  }
0xb: {  	s7 =	sor.u32 s7, s11;
	s28 =	sshrl.u32 s12, $0x1;
	s8 =	sadd.s32 s8, s5  }
0xc: {  	s5 =	sadd.s32 $0xB7C00, s6;
	s7 =	smul.u32 $0x2800, s7;
	s29 =	sshrl.u32 s26, $0x2  }
0xd: {  	s12 =	ssub.s32 s12, s28;
	s8 =	sshrl.u32 s8, $0x3;
	s14 =	sadd.s32 s29, s1  }
0xe: {  	s12 =	smax.u32 s12, $0x1;
	s13 =	sadd.s32 s8, s6;
	s31 =	sshrl.u32 s7, $0x3  }
0xf: {  	s6 =	sor.u32 $0x1C03, s30;
	s7 =	sadd.s32 s9, s31;
	s11 =	sadd.s32 $0x280, s31  }
0x10: {  	s8 =	sadd.s32 s10, s31;
	s9 =	sadd.s32 s9, s11;
	s10 =	sadd.s32 s10, s11  }
0x11: {  	s11 =	sadd.s32 $0x3FC00, s13;
	s13 =	sshrl.u32 s14, $0x3;
	s14 =	simm.s32 $0x3  }
.LBB2_1:
0x12: {  	[spmem:s13], [sflag:s6] =	dma.local [hbm:s5], $0x2800  }
0x13: {  	_ =	swait.ge [sflag:s14], $0x2800  }
0x14: {  	[sflag:s14] =	ssyncset.done $0x0  }
0x15: {  	[sflag:s14] =	ssyncadd.s32 $0xFFFFD800  }
0x16: {  	[bflag:$0x0] =	sbarrier.arrive $0xFFFF  }
0x17: {  	[tilespmem:s3], [sflag:$0x3] =	stream.linear.gather [hbm4b:s7+s3], $0x1400, $0x38;
	[tilespmem:$0x1E800] =	vst v63  }
0x18: {  	_ =	swait.ge [sflag:s14], $0x1400  }
0x19: {  	[sflag:s14] =	ssyncset.done $0x0  }
0x1a: {  	[sflag:s14] =	ssyncadd.s32 $0xFFFFEC00  }
0x1b: {  	[tilespmem:s15], [sflag:$0x3] =	stream.linear.gather [hbm4b:s8+s3], $0x1400, $0x38;
	[tilespmem:$0x1E800] =	vst v63  }
0x1c: {  	_ =	swait.ge [sflag:s14], $0x1400  }
0x1d: {  	[sflag:s14] =	ssyncset.done $0x0  }
0x1e: {  	[sflag:s14] =	ssyncadd.s32 $0xFFFFEC00  }
0x1f: {  	[tilespmem:s17], [sflag:$0x1] =	stream.indirect.gather [hbm4b:s4+s16], $0x80, s3, s16, $0xb8;
	[tilespmem:$0x1E800] =	vst v63  }
0x20: {  	_ = 	snop  }
0x21: {  	[tilespmem:s18], [sflag:$0x2] =	stream.indirect.gather [hbm4b:s4+s16], $0x80, s16, s16, $0xb8;
	[tilespmem:$0x1E800] =	vst v63  }
0x22: {  	_ =	swait.ge [sflag:s19], $0x4000  }
0x23: {  	[sflag:s19] =	ssyncset.done $0x0  }
0x24: {  	s24 =	simm.s32 $0x1400;
	[sflag:s19] =	ssyncadd.s32 $0xFFFFC000  }
0x25: {  	[spmem:s1] =	stream.indirect.scatter.add.f32 [tilespmem:s17], [sflag:$0x3], $0x80, s24, s16, $0xb8;
	[tilespmem:$0x1E800] =	vst v63  }
0x26: {  	_ =	swait.ge [sflag:s14], $0x4000  }
0x27: {  	[sflag:s14] =	ssyncset.done $0x0  }
0x28: {  	s30 =	simm.s32 $0x100;
	[sflag:s14] =	ssyncadd.s32 $0xFFFFC000  }
0x29: {  	[tilespmem:s17], [sflag:$0x1] =	stream.indirect.gather [hbm4b:s4+s16], $0x80, s30, s16, $0xb8;
	[tilespmem:$0x1E800] =	vst v63  }
0x2a: {  	_ =	swait.ge [sflag:s20], $0x4000  }
0x2b: {  	[sflag:s20] =	ssyncset.done $0x0  }
0x2c: {  	s31 =	simm.s32 $0x1480;
	[sflag:s20] =	ssyncadd.s32 $0xFFFFC000  }
0x2d: {  	[spmem:s1] =	stream.indirect.scatter.add.f32 [tilespmem:s18], [sflag:$0x3], $0x80, s31, s16, $0xb8;
	[tilespmem:$0x1E800] =	vst v63  }
0x2e: {  	_ =	swait.ge [sflag:s14], $0x4000  }
0x2f: {  	[sflag:s14] =	ssyncset.done $0x0  }
0x30: {  	s25 =	simm.s32 $0x180;
	s24 =	simm.s32 $0x400;
	[sflag:s14] =	ssyncadd.s32 $0xFFFFC000  }
.LBB2_2:
0x31: {  	[tilespmem:s18], [sflag:$0x2] =	stream.indirect.gather [hbm4b:s4+s16], $0x80, s25, s16, $0xb8;
	[tilespmem:$0x1E800] =	vst v63  }
0x32: {  	s25 =	smov.u32 s24  }
0x33: {  	p0 =	sne.s32 s24, $0x4800;
	s24 =	sadd.s32 $0x400, s24;
	_ =	swait.ge [sflag:s19], $0x4000  }
0x34: {  	s25 =	sshra.s32 s25, $0x2;
	[sflag:s19] =	ssyncset.done $0x0  }
0x35: {  	s26 =	sadd.s32 $0x1400, s25;
	[sflag:s19] =	ssyncadd.s32 $0xFFFFC000  }
0x36: {  	[spmem:s1] =	stream.indirect.scatter.add.f32 [tilespmem:s17], [sflag:$0x3], $0x80, s26, s16, $0xb8;
	[tilespmem:$0x1E800] =	vst v63  }
0x37: {  	_ =	swait.ge [sflag:s14], $0x4000  }
0x38: {  	[sflag:s14] =	ssyncset.done $0x0  }
0x39: {  	s26 =	sadd.s32 $0x100, s25;
	[sflag:s14] =	ssyncadd.s32 $0xFFFFC000  }
0x3a: {  	[tilespmem:s17], [sflag:$0x1] =	stream.indirect.gather [hbm4b:s4+s16], $0x80, s26, s16, $0xb8;
	[tilespmem:$0x1E800] =	vst v63  }
0x3b: {  	_ =	swait.ge [sflag:s20], $0x4000  }
0x3c: {  	[sflag:s20] =	ssyncset.done $0x0  }
.Ltmp0:
0x3d: {  	s26 =	sadd.s32 $0x1480, s25;
	[sflag:s20] =	ssyncadd.s32 $0xFFFFC000;
	(pc) =	sbr.rel @p0 .LBB2_2-.Ltmp0, $4  }
0x3e: {  	[spmem:s1] =	stream.indirect.scatter.add.f32 [tilespmem:s18], [sflag:$0x3], $0x80, s26, s16, $0xb8;
	[tilespmem:$0x1E800] =	vst v63  }
0x3f: {  	_ =	swait.ge [sflag:s14], $0x4000  }
0x40: {  	[sflag:s14] =	ssyncset.done $0x0  }
0x41: {  	s25 =	sadd.s32 $0x180, s25;
	[sflag:s14] =	ssyncadd.s32 $0xFFFFC000  }
0x42: {  	[tilespmem:s18], [sflag:$0x2] =	stream.indirect.gather [hbm4b:s4+s16], $0x80, s25, s16, $0xb8;
	[tilespmem:$0x1E800] =	vst v63  }
0x43: {  	_ =	swait.ge [sflag:s19], $0x4000  }
0x44: {  	[sflag:s19] =	ssyncset.done $0x0  }
0x45: {  	[sflag:s19] =	ssyncadd.s32 $0xFFFFC000  }
0x46: {  	[spmem:s1] =	stream.indirect.scatter.add.f32 [tilespmem:s17], [sflag:$0x3], $0x80, s21, s16, $0xb8;
	[tilespmem:$0x1E800] =	vst v63  }
0x47: {  	_ =	swait.ge [sflag:s14], $0x4000  }
0x48: {  	[sflag:s14] =	ssyncset.done $0x0  }
0x49: {  	[sflag:s14] =	ssyncadd.s32 $0xFFFFC000  }
0x4a: {  	_ =	swait.ge [sflag:s20], $0x4000  }
0x4b: {  	[sflag:s20] =	ssyncset.done $0x0  }
0x4c: {  	[sflag:s20] =	ssyncadd.s32 $0xFFFFC000  }
0x4d: {  	[spmem:s1] =	stream.indirect.scatter.add.f32 [tilespmem:s18], [sflag:$0x3], $0x80, s22, s16, $0xb8;
	[tilespmem:$0x1E800] =	vst v63  }
0x4e: {  	_ =	swait.ge [sflag:s14], $0x4000  }
0x4f: {  	[sflag:s14] =	ssyncset.done $0x0  }
0x50: {  	s24 =	simm.s32 $0x0;
	[sflag:s14] =	ssyncadd.s32 $0xFFFFC000  }
0x51: {  	[tilespmem:s24], [sflag:$0x3] =	stream.linear.gather [hbm4b:s9+s24], $0x1400, $0x38;
	[tilespmem:$0x1E800] =	vst v63  }
0x52: {  	_ =	swait.ge [sflag:s14], $0x1400  }
0x53: {  	[sflag:s14] =	ssyncset.done $0x0  }
0x54: {  	[sflag:s14] =	ssyncadd.s32 $0xFFFFEC00  }
0x55: {  	[tilespmem:s15], [sflag:$0x3] =	stream.linear.gather [hbm4b:s10+s24], $0x1400, $0x38;
	[tilespmem:$0x1E800] =	vst v63  }
0x56: {  	_ =	swait.ge [sflag:s14], $0x1400  }
0x57: {  	[sflag:s14] =	ssyncset.done $0x0  }
0x58: {  	[sflag:s14] =	ssyncadd.s32 $0xFFFFEC00  }
0x59: {  	[tilespmem:s17], [sflag:$0x1] =	stream.indirect.gather [hbm4b:s4+s16], $0x80, s24, s16, $0xb8;
	[tilespmem:$0x1E800] =	vst v63  }
0x5a: {  	_ = 	snop  }
0x5b: {  	[tilespmem:s18], [sflag:$0x2] =	stream.indirect.gather [hbm4b:s4+s16], $0x80, s16, s16, $0xb8;
	[tilespmem:$0x1E800] =	vst v63  }
0x5c: {  	_ =	swait.ge [sflag:s19], $0x4000  }
0x5d: {  	[sflag:s19] =	ssyncset.done $0x0  }
0x5e: {  	s29 =	simm.s32 $0x1400;
	[sflag:s19] =	ssyncadd.s32 $0xFFFFC000  }
0x5f: {  	[spmem:s1] =	stream.indirect.scatter.add.f32 [tilespmem:s17], [sflag:$0x3], $0x80, s29, s16, $0xb8;
	[tilespmem:$0x1E800] =	vst v63  }
0x60: {  	_ =	swait.ge [sflag:s14], $0x4000  }
0x61: {  	[sflag:s14] =	ssyncset.done $0x0  }
0x62: {  	s30 =	simm.s32 $0x100;
	[sflag:s14] =	ssyncadd.s32 $0xFFFFC000  }
0x63: {  	[tilespmem:s17], [sflag:$0x1] =	stream.indirect.gather [hbm4b:s4+s16], $0x80, s30, s16, $0xb8;
	[tilespmem:$0x1E800] =	vst v63  }
0x64: {  	_ =	swait.ge [sflag:s20], $0x4000  }
0x65: {  	[sflag:s20] =	ssyncset.done $0x0  }
0x66: {  	s31 =	simm.s32 $0x1480;
	[sflag:s20] =	ssyncadd.s32 $0xFFFFC000  }
0x67: {  	[spmem:s1] =	stream.indirect.scatter.add.f32 [tilespmem:s18], [sflag:$0x3], $0x80, s31, s16, $0xb8;
	[tilespmem:$0x1E800] =	vst v63  }
0x68: {  	_ =	swait.ge [sflag:s14], $0x4000  }
0x69: {  	[sflag:s14] =	ssyncset.done $0x0  }
0x6a: {  	s25 =	simm.s32 $0x180;
	s24 =	simm.s32 $0x400;
	[sflag:s14] =	ssyncadd.s32 $0xFFFFC000  }
.LBB2_4:
0x6b: {  	[tilespmem:s18], [sflag:$0x2] =	stream.indirect.gather [hbm4b:s4+s16], $0x80, s25, s16, $0xb8;
	[tilespmem:$0x1E800] =	vst v63  }
0x6c: {  	s25 =	smov.u32 s24  }
0x6d: {  	p0 =	sne.s32 s24, $0x4800;
	s24 =	sadd.s32 $0x400, s24;
	_ =	swait.ge [sflag:s19], $0x4000  }
0x6e: {  	s25 =	sshra.s32 s25, $0x2;
	[sflag:s19] =	ssyncset.done $0x0  }
0x6f: {  	s26 =	sadd.s32 $0x1400, s25;
	[sflag:s19] =	ssyncadd.s32 $0xFFFFC000  }
0x70: {  	[spmem:s1] =	stream.indirect.scatter.add.f32 [tilespmem:s17], [sflag:$0x3], $0x80, s26, s16, $0xb8;
	[tilespmem:$0x1E800] =	vst v63  }
0x71: {  	_ =	swait.ge [sflag:s14], $0x4000  }
0x72: {  	[sflag:s14] =	ssyncset.done $0x0  }
0x73: {  	s26 =	sadd.s32 $0x100, s25;
	[sflag:s14] =	ssyncadd.s32 $0xFFFFC000  }
0x74: {  	[tilespmem:s17], [sflag:$0x1] =	stream.indirect.gather [hbm4b:s4+s16], $0x80, s26, s16, $0xb8;
	[tilespmem:$0x1E800] =	vst v63  }
0x75: {  	_ =	swait.ge [sflag:s20], $0x4000  }
0x76: {  	[sflag:s20] =	ssyncset.done $0x0  }
.Ltmp1:
0x77: {  	s26 =	sadd.s32 $0x1480, s25;
	[sflag:s20] =	ssyncadd.s32 $0xFFFFC000;
	(pc) =	sbr.rel @p0 .LBB2_4-.Ltmp1, $4  }
0x78: {  	[spmem:s1] =	stream.indirect.scatter.add.f32 [tilespmem:s18], [sflag:$0x3], $0x80, s26, s16, $0xb8;
	[tilespmem:$0x1E800] =	vst v63  }
0x79: {  	_ =	swait.ge [sflag:s14], $0x4000  }
0x7a: {  	[sflag:s14] =	ssyncset.done $0x0  }
0x7b: {  	s25 =	sadd.s32 $0x180, s25;
	[sflag:s14] =	ssyncadd.s32 $0xFFFFC000  }
0x7c: {  	[tilespmem:s18], [sflag:$0x2] =	stream.indirect.gather [hbm4b:s4+s16], $0x80, s25, s16, $0xb8;
	[tilespmem:$0x1E800] =	vst v63  }
0x7d: {  	_ =	swait.ge [sflag:s19], $0x4000  }
0x7e: {  	[sflag:s19] =	ssyncset.done $0x0  }
0x7f: {  	[sflag:s19] =	ssyncadd.s32 $0xFFFFC000  }
0x80: {  	[spmem:s1] =	stream.indirect.scatter.add.f32 [tilespmem:s17], [sflag:$0x3], $0x80, s21, s16, $0xb8;
	[tilespmem:$0x1E800] =	vst v63  }
0x81: {  	_ =	swait.ge [sflag:s14], $0x4000  }
0x82: {  	[sflag:s14] =	ssyncset.done $0x0  }
0x83: {  	[sflag:s14] =	ssyncadd.s32 $0xFFFFC000  }
0x84: {  	_ =	swait.ge [sflag:s20], $0x4000  }
0x85: {  	[sflag:s20] =	ssyncset.done $0x0  }
0x86: {  	[sflag:s20] =	ssyncadd.s32 $0xFFFFC000  }
0x87: {  	[spmem:s1] =	stream.indirect.scatter.add.f32 [tilespmem:s18], [sflag:$0x3], $0x80, s22, s16, $0xb8;
	[tilespmem:$0x1E800] =	vst v63  }
0x88: {  	_ =	swait.ge [sflag:s14], $0x4000  }
0x89: {  	s23 =	sadd.s32 $0x1, s23;
	[sflag:s14] =	ssyncset.done $0x0  }
0x8a: {  	p0 =	sne.s32 s23, s12;
	[sflag:s14] =	ssyncadd.s32 $0xFFFFC000  }
.Ltmp2:
0x8b: {  	[bflag:$0x0] =	sbarrier.arrive $0xFFFF;
	(pc) =	sbr.rel @p0 .LBB2_1-.Ltmp2, $4  }
0x8c: {  	[hbm:s11], [sflag:s6] =	dma.local [spmem:s13], $0x2800  }
0x8d: {  	_ =	swait.ge [sflag:s14], $0x2800  }
0x8e: {  	[sflag:s14] =	ssyncset.done $0x0  }
0x8f: {  	[sflag:s14] =	ssyncadd.s32 $0xFFFFD800  }
0x90: {  	_ =	sfence.sel $0x180000  }
0x91: {  	[bflag:$0x0] =	sbarrier.arrive $0xFFFF  }
0x92: {  	p0 =	sne.s32 s2, $0x0;
	_ =	strace $0x9000004D  }
0x93: {  	s0 =	sadd.s32 @!p0 $0x100000, s0;
	[bflag:$0x2] =	sbarrier.arrive $0xFFFF  }
0x94: {  	[sflag:s0] =	ssyncadd.tile.s32 @!p0 $0x1;
	_ =	shalt  }
.Lfunc_end2:
_tile_overlayer_lowered:
.L_overlay_start_2:
0x95: {  	(tag) =	ssettag $0x2  }
0x96: {  	s0 =	rddreg [dreg:$0x0];
	s2 =	stileid.u32  }
0x97: {  	s1 =	rddreg [dreg:$0x1];
	p0 =	sne.s32 s2, $0x0  }
0x98: {  	s3 =	rddreg [dreg:$0x2];
	[bflag:$0x3] =	sbarrier.arrive $0xFFFF;
	s2 =	simm.s32 @!p0 $0x1C03  }
0x99: {  	[timem:s3], [sflag:s2] =	dma.local @!p0 [hbm:s0], s1  }
0x9a: {  	s0 =	simm.s32 @!p0 $0x3  }
0x9b: {  	_ =	swait.ge @!p0 [sflag:s0], s1  }
0x9c: {  	s1 =	ssub.s32 @!p0 $0x0, s1;
	[sflag:s0] =	ssyncset.done @!p0 $0x0  }
0x9d: {  	[sflag:s0] =	ssyncadd.s32 @!p0 s1  }
0x9e: {  	[bflag:$0x3] =	sbarrier.arrive $0xFFFF  }
0x9f: {  	_ =	shalt  }

</sc_bundles>
